<compile_context>
chip_gen: v7x
topology: tpu7x:2x2x1
jax: 0.10.2.dev20260603
libtpu: 0.0.44.dev20260713+nightly
codegen_flags: <defaults>
</compile_context>

<pallas_src>
import functools

import jax
import jax.numpy as jnp
from jax import lax
from jax.experimental import pallas as pl
from jax.experimental.pallas import tpu as pltpu
from jax.experimental.pallas import tpu_sc as plsc

VOCAB = 1000000
DIM = 64
BATCH = 16384
NUM_NEG = 20

NC = 2
NS = 16
NW = NC * NS
PAIRS_W = BATCH // NW
CHUNK = 32
NCHUNK = PAIRS_W // CHUNK
NEG_W = PAIRS_W * NUM_NEG
NEG_CHUNK = CHUNK * NUM_NEG
GROWS = 128
NEG_GATHERS = NEG_CHUNK // GROWS


def _sc_scores(tw, cw, ns, ttab, ctab):
  mesh = plsc.VectorSubcoreMesh(core_axis_name="c", subcore_axis_name="s")

  @functools.partial(
      pl.kernel,
      out_type=(
          jax.ShapeDtypeStruct((BATCH,), jnp.float32),
          jax.ShapeDtypeStruct((BATCH * NUM_NEG,), jnp.float32),
      ),
      mesh=mesh,
      scratch_types=[
          pltpu.VMEM((PAIRS_W,), jnp.int32),
          pltpu.VMEM((PAIRS_W,), jnp.int32),
          pltpu.VMEM((NEG_W,), jnp.int32),
          pltpu.VMEM((CHUNK, DIM), jnp.float32),
          pltpu.VMEM((CHUNK, DIM), jnp.float32),
          pltpu.VMEM((NEG_CHUNK, DIM), jnp.float32),
          pltpu.VMEM((CHUNK, DIM), jnp.float32),
          pltpu.VMEM((CHUNK, DIM), jnp.float32),
          pltpu.VMEM((NEG_CHUNK, DIM), jnp.float32),
          pltpu.VMEM((PAIRS_W,), jnp.float32),
          pltpu.VMEM((NEG_W,), jnp.float32),
          pltpu.SemaphoreType.DMA,
          pltpu.SemaphoreType.DMA,
      ],
      compiler_params=pltpu.CompilerParams(
          needs_layout_passes=False, use_tc_tiling_on_sc=False),
  )
  def k(tw_hbm, cw_hbm, ns_hbm, ttab_hbm, ctab_hbm, pos_hbm, neg_hbm,
        tidx, cidx, nidx, trowsA, crowsA, nrowsA, trowsB, crowsB, nrowsB,
        posv, negv, semA, semB):
    wid = lax.axis_index("s") * NC + lax.axis_index("c")
    pbase = wid * PAIRS_W
    nbase = wid * NEG_W
    pltpu.sync_copy(tw_hbm.at[pl.ds(pbase, PAIRS_W)], tidx)
    pltpu.sync_copy(cw_hbm.at[pl.ds(pbase, PAIRS_W)], cidx)
    pltpu.sync_copy(ns_hbm.at[pl.ds(nbase, NEG_W)], nidx)

    def remap(ref, n16):
      def rbody(i, c):
        r = ref[pl.ds(i * 16, 16)]
        u = r & (RBLK - 1)
        base = (r - u) + 2 * u
        ref[pl.ds(i * 16, 16)] = jnp.where(
            u >= RBLK // 2, base - (RBLK - 1), base)
        return c
      lax.fori_loop(0, n16, rbody, 0)

    remap(tidx, PAIRS_W // 16)
    remap(cidx, PAIRS_W // 16)
    remap(nidx, NEG_W // 16)

    lane = lax.iota(jnp.int32, 16)

    def issue(ci, trows, crows, nrows, sem):
      cp = ci * CHUNK
      pltpu.async_copy(ttab_hbm.at[tidx.at[pl.ds(cp, CHUNK)]], trows, sem)
      pltpu.async_copy(ctab_hbm.at[cidx.at[pl.ds(cp, CHUNK)]], crows, sem)
      for g in range(NEG_GATHERS):
        pltpu.async_copy(
            ttab_hbm.at[nidx.at[pl.ds(ci * NEG_CHUNK + g * GROWS, GROWS)]],
            nrows.at[pl.ds(g * GROWS, GROWS)], sem)

    def drain(trows, crows, nrows, sem):
      pltpu.make_async_copy(ttab_hbm.at[tidx.at[pl.ds(0, CHUNK)]],
                            trows, sem).wait()
      pltpu.make_async_copy(ctab_hbm.at[cidx.at[pl.ds(0, CHUNK)]],
                            crows, sem).wait()
      for g in range(NEG_GATHERS):
        pltpu.make_async_copy(
            ttab_hbm.at[nidx.at[pl.ds(g * GROWS, GROWS)]],
            nrows.at[pl.ds(g * GROWS, GROWS)], sem).wait()

    def compute(ci, trows, crows, nrows):
      cp = ci * CHUNK
      for grp in range(2):
        p0 = grp * 16
        prow = p0 + lane
        nrow0 = prow * NUM_NEG

        def dbody(d, accs):
          dcol = (d + lane) & (DIM - 1)
          cv = plsc.load_gather(crows, [prow, dcol])
          tv = plsc.load_gather(trows, [prow, dcol])
          outs = [accs[0] + cv * tv]
          for kk in range(NUM_NEG):
            nv = plsc.load_gather(nrows, [nrow0 + kk, dcol])
            outs.append(accs[kk + 1] + nv * cv)
          return tuple(outs)

        accs = lax.fori_loop(
            0, DIM, dbody,
            tuple(jnp.zeros((16,), jnp.float32) for _ in range(NUM_NEG + 1)))
        posv[pl.ds(cp + p0, 16)] = accs[0]
        sbase = (ci * 2 + grp) * (16 * NUM_NEG)
        for kk in range(NUM_NEG):
          negv[pl.ds(sbase + kk * 16, 16)] = -accs[kk + 1]

    issue(0, trowsA, crowsA, nrowsA, semA)

    def pair_body(ci2, carry):
      ca = ci2 * 2
      issue(ca + 1, trowsB, crowsB, nrowsB, semB)
      drain(trowsA, crowsA, nrowsA, semA)
      compute(ca, trowsA, crowsA, nrowsA)

      @pl.when(ci2 < NCHUNK // 2 - 1)
      def _():
        issue(ca + 2, trowsA, crowsA, nrowsA, semA)

      drain(trowsB, crowsB, nrowsB, semB)
      compute(ca + 1, trowsB, crowsB, nrowsB)
      return carry

    lax.fori_loop(0, NCHUNK // 2, pair_body, 0)
    pltpu.sync_copy(posv, pos_hbm.at[pl.ds(pbase, PAIRS_W)])
    pltpu.sync_copy(negv, neg_hbm.at[pl.ds(nbase, NEG_W)])

  return k(tw, cw, ns, ttab, ctab)


RBLK = 32768
NRBLK = (VOCAB + RBLK - 1) // RBLK
VROWS = NRBLK * RBLK


def _transpose_body(in_ref, out_ref):
  x = in_ref[...]
  xcat = jnp.concatenate([x[:, :RBLK // 2], x[:, RBLK // 2:]], axis=0)
  out_ref[...] = jnp.transpose(xcat)


def _relayout(table):
  tv = jnp.swapaxes(table, 0, 1)
  out = pl.pallas_call(
      _transpose_body,
      grid=(NRBLK,),
      in_specs=[pl.BlockSpec((DIM, RBLK), lambda i: (0, i))],
      out_specs=pl.BlockSpec((RBLK // 2, 2 * DIM), lambda i: (i, 0)),
      out_shape=jax.ShapeDtypeStruct((VROWS // 2, 2 * DIM), jnp.float32),
  )(tv)
  return out.reshape(VROWS, DIM)


def _loss_body(pos_ref, neg_ref, out_ref):
  s = jnp.sum(jax.nn.log_sigmoid(pos_ref[...]))
  s = s + jnp.sum(jax.nn.log_sigmoid(neg_ref[...]))
  out_ref[0, 0] = -(s / BATCH)


def kernel(target_words, context_words, negative_samples, target_table,
           context_table):
  tw = target_words.astype(jnp.int32)
  cw = context_words.astype(jnp.int32)
  ns = negative_samples.astype(jnp.int32).reshape(-1)
  pos, neg = _sc_scores(tw, cw, ns, _relayout(target_table),
                        _relayout(context_table))
  out = pl.pallas_call(
      _loss_body,
      out_shape=jax.ShapeDtypeStruct((1, 1), jnp.float32),
      out_specs=pl.BlockSpec(memory_space=pltpu.SMEM),
  )(pos.reshape(128, 128), neg.reshape(BATCH * NUM_NEG // 128, 128))
  return out[0, 0]

# --- scband reference (transcript-rebuilt; emitter-appended) ---
"""Pipeline reference for scband-skip-gram-model-2224793059547 (READ-ONLY COPY).

The authoritative reference and input builder live on the scoring server;
editing this copy changes nothing except your own understanding.
"""

import jax, jax.numpy as jnp
import numpy as np

VOCAB = 1000000
DIM = 64
BATCH = 16384
NUM_NEG = 20


def setup_inputs(seed: int = 0) -> dict:
    key = jax.random.key(seed)
    k1, k2, k3, k4, k5 = jax.random.split(key, 5)
    initrange = 0.5 / DIM
    target_words = jax.random.randint(k1, (BATCH,), 0, VOCAB, dtype=jnp.int64 if jax.config.jax_enable_x64 else jnp.int32)
    context_words = jax.random.randint(k2, (BATCH,), 0, VOCAB, dtype=jnp.int64 if jax.config.jax_enable_x64 else jnp.int32)
    negative_samples = jax.random.randint(k3, (BATCH, NUM_NEG), 0, VOCAB, dtype=jnp.int64 if jax.config.jax_enable_x64 else jnp.int32)
    target_table = jax.random.uniform(k4, (VOCAB, DIM), dtype=jnp.float32, minval=-initrange, maxval=initrange)
    context_table = jax.random.uniform(k5, (VOCAB, DIM), dtype=jnp.float32, minval=-initrange, maxval=initrange)
    return {
        "target_words": target_words,
        "context_words": context_words,
        "negative_samples": negative_samples,
        "target_table": target_table,
        "context_table": context_table,
    }


def reference(target_words, context_words, negative_samples, target_table, context_table):
    # target/context embedding lookups (gather)
    target_embeds = jnp.take(target_table, target_words, axis=0)      # [B, D]
    context_embeds = jnp.take(context_table, context_words, axis=0)   # [B, D]
    positive_score = jnp.sum(target_embeds * context_embeds, axis=1)  # [B]
    positive_loss = jax.nn.log_sigmoid(positive_score)                # [B]
    # negative samples lookup (gather)
    neg_embeds = jnp.take(target_table, negative_samples, axis=0)     # [B, K, D]
    # bmm(neg_embeds.neg(), context_embeds.unsqueeze(2)).squeeze() -> [B, K]
    negative_score = jnp.einsum('bkd,bd->bk', -neg_embeds, context_embeds)
    negative_loss = jnp.sum(jax.nn.log_sigmoid(negative_score), axis=1)  # [B]
    loss = -(positive_loss + negative_loss)
    return jnp.mean(loss)

if __name__ == "__main__":
    import jax
    _d = setup_inputs()
    print(jax.jit(kernel)(*tuple(_d.values())))

</pallas_src>

<mosaic_0001>
#map = affine_map<(d0, d1) -> (0)>
#map1 = affine_map<(d0, d1) -> (0, 0)>
module attributes {stable_mosaic.version = 14 : i64} {
  func.func @k(%arg0: i32, %arg1: i32, %arg2: memref<16384xi32, #tpu.memory_space<hbm>>, %arg3: memref<16384xi32, #tpu.memory_space<hbm>>, %arg4: memref<327680xi32, #tpu.memory_space<hbm>>, %arg5: memref<1015808x64xf32, #tpu.memory_space<hbm>>, %arg6: memref<1015808x64xf32, #tpu.memory_space<hbm>>, %arg7: memref<16384xf32, #tpu.memory_space<hbm>>, %arg8: memref<327680xf32, #tpu.memory_space<hbm>>, %arg9: memref<512xi32, #tpu.memory_space<vmem>>, %arg10: memref<512xi32, #tpu.memory_space<vmem>>, %arg11: memref<10240xi32, #tpu.memory_space<vmem>>, %arg12: memref<32x64xf32, #tpu.memory_space<vmem>>, %arg13: memref<32x64xf32, #tpu.memory_space<vmem>>, %arg14: memref<640x64xf32, #tpu.memory_space<vmem>>, %arg15: memref<32x64xf32, #tpu.memory_space<vmem>>, %arg16: memref<32x64xf32, #tpu.memory_space<vmem>>, %arg17: memref<640x64xf32, #tpu.memory_space<vmem>>, %arg18: memref<512xf32, #tpu.memory_space<vmem>>, %arg19: memref<10240xf32, #tpu.memory_space<vmem>>, %arg20: memref<!tpu.dma_semaphore, #tpu.memory_space<semaphore_mem>>, %arg21: memref<!tpu.dma_semaphore, #tpu.memory_space<semaphore_mem>>) attributes {dimension_semantics = [#tpu.dimension_semantics<core_parallel>, #tpu.dimension_semantics<subcore_parallel>], iteration_bounds = array<i64: 2, 16>, scalar_prefetch = 0 : i64, scratch_operands = 13 : i64, tpu.core_type = #tpu.core_type<sc_vector_subcore>, window_params = [{transform_indices = #map}, {transform_indices = #map}, {transform_indices = #map}, {transform_indices = #map1}, {transform_indices = #map1}, {transform_indices = #map}, {transform_indices = #map}]} {
    %mul3A = arith.constant 2 : i32
    %mul3A_0 = arith.muli %arg1, %mul3A : i32
    %add3A = arith.addi %mul3A_0, %arg0 : i32
    %mul3A_1 = arith.constant 512 : i32
    %mul3A_2 = arith.muli %add3A, %mul3A_1 : i32
    %mul3A_3 = arith.constant 10240 : i32
    %mul3A_4 = arith.muli %add3A, %mul3A_3 : i32
    "tpu.region"() ({
      %run_scoped3A = tpu.sem_alloc : memref<!tpu.dma_semaphore, #tpu.memory_space<semaphore_mem>>
      %dma_start3A_77 = tpu.memref_slice %arg2[%mul3A_2] : memref<16384xi32, #tpu.memory_space<hbm>> -> memref<512xi32, #tpu.memory_space<hbm>>
      %dma_start3A_78 = tpu.memref_slice %arg2[%mul3A_2] : memref<16384xi32, #tpu.memory_space<hbm>> -> memref<512xi32, #tpu.memory_space<hbm>>
      tpu.enqueue_dma source(%dma_start3A_78 : memref<512xi32, #tpu.memory_space<hbm>>) target(%arg9 : memref<512xi32, #tpu.memory_space<vmem>>) target_semaphore(%run_scoped3A : memref<!tpu.dma_semaphore, #tpu.memory_space<semaphore_mem>>)
      %dma_wait3A = tpu.memref_slice %arg2[%mul3A_2] : memref<16384xi32, #tpu.memory_space<hbm>> -> memref<512xi32, #tpu.memory_space<hbm>>
      %dma_wait3A_79 = tpu.memref_slice %arg2[%mul3A_2] : memref<16384xi32, #tpu.memory_space<hbm>> -> memref<512xi32, #tpu.memory_space<hbm>>
      tpu.wait_dma2 semaphore(%run_scoped3A : memref<!tpu.dma_semaphore, #tpu.memory_space<semaphore_mem>>) src(%dma_wait3A_79 : memref<512xi32, #tpu.memory_space<hbm>>) dst(%arg9 : memref<512xi32, #tpu.memory_space<vmem>>)
      tpu.yield
    }) : () -> ()
    "tpu.region"() ({
      %run_scoped3A = tpu.sem_alloc : memref<!tpu.dma_semaphore, #tpu.memory_space<semaphore_mem>>
      %dma_start3A_77 = tpu.memref_slice %arg3[%mul3A_2] : memref<16384xi32, #tpu.memory_space<hbm>> -> memref<512xi32, #tpu.memory_space<hbm>>
      %dma_start3A_78 = tpu.memref_slice %arg3[%mul3A_2] : memref<16384xi32, #tpu.memory_space<hbm>> -> memref<512xi32, #tpu.memory_space<hbm>>
      tpu.enqueue_dma source(%dma_start3A_78 : memref<512xi32, #tpu.memory_space<hbm>>) target(%arg10 : memref<512xi32, #tpu.memory_space<vmem>>) target_semaphore(%run_scoped3A : memref<!tpu.dma_semaphore, #tpu.memory_space<semaphore_mem>>)
      %dma_wait3A = tpu.memref_slice %arg3[%mul3A_2] : memref<16384xi32, #tpu.memory_space<hbm>> -> memref<512xi32, #tpu.memory_space<hbm>>
      %dma_wait3A_79 = tpu.memref_slice %arg3[%mul3A_2] : memref<16384xi32, #tpu.memory_space<hbm>> -> memref<512xi32, #tpu.memory_space<hbm>>
      tpu.wait_dma2 semaphore(%run_scoped3A : memref<!tpu.dma_semaphore, #tpu.memory_space<semaphore_mem>>) src(%dma_wait3A_79 : memref<512xi32, #tpu.memory_space<hbm>>) dst(%arg10 : memref<512xi32, #tpu.memory_space<vmem>>)
      tpu.yield
    }) : () -> ()
    "tpu.region"() ({
      %run_scoped3A = tpu.sem_alloc : memref<!tpu.dma_semaphore, #tpu.memory_space<semaphore_mem>>
      %dma_start3A_77 = tpu.memref_slice %arg4[%mul3A_4] : memref<327680xi32, #tpu.memory_space<hbm>> -> memref<10240xi32, #tpu.memory_space<hbm>>
      %dma_start3A_78 = tpu.memref_slice %arg4[%mul3A_4] : memref<327680xi32, #tpu.memory_space<hbm>> -> memref<10240xi32, #tpu.memory_space<hbm>>
      tpu.enqueue_dma source(%dma_start3A_78 : memref<10240xi32, #tpu.memory_space<hbm>>) target(%arg11 : memref<10240xi32, #tpu.memory_space<vmem>>) target_semaphore(%run_scoped3A : memref<!tpu.dma_semaphore, #tpu.memory_space<semaphore_mem>>)
      %dma_wait3A = tpu.memref_slice %arg4[%mul3A_4] : memref<327680xi32, #tpu.memory_space<hbm>> -> memref<10240xi32, #tpu.memory_space<hbm>>
      %dma_wait3A_79 = tpu.memref_slice %arg4[%mul3A_4] : memref<327680xi32, #tpu.memory_space<hbm>> -> memref<10240xi32, #tpu.memory_space<hbm>>
      tpu.wait_dma2 semaphore(%run_scoped3A : memref<!tpu.dma_semaphore, #tpu.memory_space<semaphore_mem>>) src(%dma_wait3A_79 : memref<10240xi32, #tpu.memory_space<hbm>>) dst(%arg11 : memref<10240xi32, #tpu.memory_space<vmem>>)
      tpu.yield
    }) : () -> ()
    %scan3A = arith.constant 0 : i32
    %scan3A_5 = arith.constant 0 : i32
    %scan3A_6 = arith.constant 32 : i32
    %scan3A_7 = arith.addi %scan3A_5, %scan3A_6 : i32
    %scan3A_8 = arith.constant 1 : i32
    scf.for %scan3A_77 = %scan3A_5 to %scan3A_7 step %scan3A_8  : i32 {
      %mul3A_78 = arith.constant 16 : i32
      %mul3A_79 = arith.muli %scan3A_77, %mul3A_78 : i32
      %get3A = arith.index_cast %mul3A_79 : i32 to index
      %get3A_80 = tpu.vector_load %arg9[%get3A] {strides = array<i32>} : memref<512xi32, #tpu.memory_space<vmem>>, vector<16xi32>,
      %and3A = arith.constant 32767 : i32
      %and3A_81 = vector.broadcast %and3A : i32 to vector<16xi32>
      %and3A_82 = arith.andi %get3A_80, %and3A_81 : vector<16xi32>
      %sub3A = arith.subi %get3A_80, %and3A_82 : vector<16xi32>
      %mul3A_83 = arith.constant 2 : i32
      %mul3A_84 = vector.broadcast %mul3A_83 : i32 to vector<16xi32>
      %mul3A_85 = arith.muli %mul3A_84, %and3A_82 : vector<16xi32>
      %add3A_86 = arith.addi %sub3A, %mul3A_85 : vector<16xi32>
      %ge3A = arith.constant 16384 : i32
      %ge3A_87 = vector.broadcast %ge3A : i32 to vector<16xi32>
      %ge3A_88 = arith.cmpi sge, %and3A_82, %ge3A_87 : vector<16xi32>
      %sub3A_89 = arith.constant 32767 : i32
      %sub3A_90 = vector.broadcast %sub3A_89 : i32 to vector<16xi32>
      %sub3A_91 = arith.subi %add3A_86, %sub3A_90 : vector<16xi32>
      %select_n3A = arith.select %ge3A_88, %sub3A_91, %add3A_86 : vector<16xi1>, vector<16xi32>
      %mul3A_92 = arith.constant 16 : i32
      %mul3A_93 = arith.muli %scan3A_77, %mul3A_92 : i32
      %swap3A = arith.index_cast %mul3A_93 : i32 to index
      %swap3A_94 = tpu.vector_load %arg9[%swap3A] {strides = array<i32>} : memref<512xi32, #tpu.memory_space<vmem>>, vector<16xi32>,
      tpu.vector_store %arg9[%swap3A], %select_n3A {strides = array<i32>} : memref<512xi32, #tpu.memory_space<vmem>>, vector<16xi32>,
    }
    %scan3A_9 = arith.constant 32 : i32
    %scan3A_10 = arith.constant 0 : i32
    %scan3A_11 = arith.constant 0 : i32
    %scan3A_12 = arith.constant 32 : i32
    %scan3A_13 = arith.addi %scan3A_11, %scan3A_12 : i32
    %scan3A_14 = arith.constant 1 : i32
    scf.for %scan3A_77 = %scan3A_11 to %scan3A_13 step %scan3A_14  : i32 {
      %mul3A_78 = arith.constant 16 : i32
      %mul3A_79 = arith.muli %scan3A_77, %mul3A_78 : i32
      %get3A = arith.index_cast %mul3A_79 : i32 to index
      %get3A_80 = tpu.vector_load %arg10[%get3A] {strides = array<i32>} : memref<512xi32, #tpu.memory_space<vmem>>, vector<16xi32>,
      %and3A = arith.constant 32767 : i32
      %and3A_81 = vector.broadcast %and3A : i32 to vector<16xi32>
      %and3A_82 = arith.andi %get3A_80, %and3A_81 : vector<16xi32>
      %sub3A = arith.subi %get3A_80, %and3A_82 : vector<16xi32>
      %mul3A_83 = arith.constant 2 : i32
      %mul3A_84 = vector.broadcast %mul3A_83 : i32 to vector<16xi32>
      %mul3A_85 = arith.muli %mul3A_84, %and3A_82 : vector<16xi32>
      %add3A_86 = arith.addi %sub3A, %mul3A_85 : vector<16xi32>
      %ge3A = arith.constant 16384 : i32
      %ge3A_87 = vector.broadcast %ge3A : i32 to vector<16xi32>
      %ge3A_88 = arith.cmpi sge, %and3A_82, %ge3A_87 : vector<16xi32>
      %sub3A_89 = arith.constant 32767 : i32
      %sub3A_90 = vector.broadcast %sub3A_89 : i32 to vector<16xi32>
      %sub3A_91 = arith.subi %add3A_86, %sub3A_90 : vector<16xi32>
      %select_n3A = arith.select %ge3A_88, %sub3A_91, %add3A_86 : vector<16xi1>, vector<16xi32>
      %mul3A_92 = arith.constant 16 : i32
      %mul3A_93 = arith.muli %scan3A_77, %mul3A_92 : i32
      %swap3A = arith.index_cast %mul3A_93 : i32 to index
      %swap3A_94 = tpu.vector_load %arg10[%swap3A] {strides = array<i32>} : memref<512xi32, #tpu.memory_space<vmem>>, vector<16xi32>,
      tpu.vector_store %arg10[%swap3A], %select_n3A {strides = array<i32>} : memref<512xi32, #tpu.memory_space<vmem>>, vector<16xi32>,
    }
    %scan3A_15 = arith.constant 32 : i32
    %scan3A_16 = arith.constant 0 : i32
    %scan3A_17 = arith.constant 0 : i32
    %scan3A_18 = arith.constant 640 : i32
    %scan3A_19 = arith.addi %scan3A_17, %scan3A_18 : i32
    %scan3A_20 = arith.constant 1 : i32
    scf.for %scan3A_77 = %scan3A_17 to %scan3A_19 step %scan3A_20  : i32 {
      %mul3A_78 = arith.constant 16 : i32
      %mul3A_79 = arith.muli %scan3A_77, %mul3A_78 : i32
      %get3A = arith.index_cast %mul3A_79 : i32 to index
      %get3A_80 = tpu.vector_load %arg11[%get3A] {strides = array<i32>} : memref<10240xi32, #tpu.memory_space<vmem>>, vector<16xi32>,
      %and3A = arith.constant 32767 : i32
      %and3A_81 = vector.broadcast %and3A : i32 to vector<16xi32>
      %and3A_82 = arith.andi %get3A_80, %and3A_81 : vector<16xi32>
      %sub3A = arith.subi %get3A_80, %and3A_82 : vector<16xi32>
      %mul3A_83 = arith.constant 2 : i32
      %mul3A_84 = vector.broadcast %mul3A_83 : i32 to vector<16xi32>
      %mul3A_85 = arith.muli %mul3A_84, %and3A_82 : vector<16xi32>
      %add3A_86 = arith.addi %sub3A, %mul3A_85 : vector<16xi32>
      %ge3A = arith.constant 16384 : i32
      %ge3A_87 = vector.broadcast %ge3A : i32 to vector<16xi32>
      %ge3A_88 = arith.cmpi sge, %and3A_82, %ge3A_87 : vector<16xi32>
      %sub3A_89 = arith.constant 32767 : i32
      %sub3A_90 = vector.broadcast %sub3A_89 : i32 to vector<16xi32>
      %sub3A_91 = arith.subi %add3A_86, %sub3A_90 : vector<16xi32>
      %select_n3A = arith.select %ge3A_88, %sub3A_91, %add3A_86 : vector<16xi1>, vector<16xi32>
      %mul3A_92 = arith.constant 16 : i32
      %mul3A_93 = arith.muli %scan3A_77, %mul3A_92 : i32
      %swap3A = arith.index_cast %mul3A_93 : i32 to index
      %swap3A_94 = tpu.vector_load %arg11[%swap3A] {strides = array<i32>} : memref<10240xi32, #tpu.memory_space<vmem>>, vector<16xi32>,
      tpu.vector_store %arg11[%swap3A], %select_n3A {strides = array<i32>} : memref<10240xi32, #tpu.memory_space<vmem>>, vector<16xi32>,
    }
    %scan3A_21 = arith.constant 640 : i32
    %iota3A = tpu.iota {dimensions = array<i32: 0>} : vector<16xi32>
    %dma_start3A = arith.constant 0 : i32
    %dma_start3A_22 = tpu.memref_slice %arg9[%dma_start3A] : memref<512xi32, #tpu.memory_space<vmem>> -> memref<32xi32, #tpu.memory_space<vmem>>
    %dma_start3A_23 = arith.constant 0 : i32
    %dma_start3A_24 = arith.constant 0 : i32
    %dma_start3A_25 = tpu.memref_slice %arg5[%dma_start3A_23, %dma_start3A_24] : memref<1015808x64xf32, #tpu.memory_space<hbm>> -> memref<1015808x64xf32, #tpu.memory_space<hbm>>
    tpu.enqueue_indirect_dma source(%dma_start3A_25 : memref<1015808x64xf32, #tpu.memory_space<hbm>>) target(%arg12 : memref<32x64xf32, #tpu.memory_space<vmem>>) offsets(%dma_start3A_22 : memref<32xi32, #tpu.memory_space<vmem>>) semaphore(%arg20 : memref<!tpu.dma_semaphore, #tpu.memory_space<semaphore_mem>>)
    %dma_start3A_26 = arith.constant 0 : i32
    %dma_start3A_27 = tpu.memref_slice %arg10[%dma_start3A_26] : memref<512xi32, #tpu.memory_space<vmem>> -> memref<32xi32, #tpu.memory_space<vmem>>
    %dma_start3A_28 = arith.constant 0 : i32
    %dma_start3A_29 = arith.constant 0 : i32
    %dma_start3A_30 = tpu.memref_slice %arg6[%dma_start3A_28, %dma_start3A_29] : memref<1015808x64xf32, #tpu.memory_space<hbm>> -> memref<1015808x64xf32, #tpu.memory_space<hbm>>
    tpu.enqueue_indirect_dma source(%dma_start3A_30 : memref<1015808x64xf32, #tpu.memory_space<hbm>>) target(%arg13 : memref<32x64xf32, #tpu.memory_space<vmem>>) offsets(%dma_start3A_27 : memref<32xi32, #tpu.memory_space<vmem>>) semaphore(%arg20 : memref<!tpu.dma_semaphore, #tpu.memory_space<semaphore_mem>>)
    %dma_start3A_31 = arith.constant 0 : i32
    %dma_start3A_32 = arith.constant 0 : i32
    %dma_start3A_33 = tpu.memref_slice %arg14[%dma_start3A_31, %dma_start3A_32] : memref<640x64xf32, #tpu.memory_space<vmem>> -> memref<128x64xf32, #tpu.memory_space<vmem>>
    %dma_start3A_34 = arith.constant 0 : i32
    %dma_start3A_35 = tpu.memref_slice %arg11[%dma_start3A_34] : memref<10240xi32, #tpu.memory_space<vmem>> -> memref<128xi32, #tpu.memory_space<vmem>>
    %dma_start3A_36 = arith.constant 0 : i32
    %dma_start3A_37 = arith.constant 0 : i32
    %dma_start3A_38 = tpu.memref_slice %arg5[%dma_start3A_36, %dma_start3A_37] : memref<1015808x64xf32, #tpu.memory_space<hbm>> -> memref<1015808x64xf32, #tpu.memory_space<hbm>>
    tpu.enqueue_indirect_dma source(%dma_start3A_38 : memref<1015808x64xf32, #tpu.memory_space<hbm>>) target(%dma_start3A_33 : memref<128x64xf32, #tpu.memory_space<vmem>>) offsets(%dma_start3A_35 : memref<128xi32, #tpu.memory_space<vmem>>) semaphore(%arg20 : memref<!tpu.dma_semaphore, #tpu.memory_space<semaphore_mem>>)
    %dma_start3A_39 = arith.constant 128 : i32
    %dma_start3A_40 = arith.constant 0 : i32
    %dma_start3A_41 = tpu.memref_slice %arg14[%dma_start3A_39, %dma_start3A_40] : memref<640x64xf32, #tpu.memory_space<vmem>> -> memref<128x64xf32, #tpu.memory_space<vmem>>
    %dma_start3A_42 = arith.constant 128 : i32
    %dma_start3A_43 = tpu.memref_slice %arg11[%dma_start3A_42] : memref<10240xi32, #tpu.memory_space<vmem>> -> memref<128xi32, #tpu.memory_space<vmem>>
    %dma_start3A_44 = arith.constant 0 : i32
    %dma_start3A_45 = arith.constant 0 : i32
    %dma_start3A_46 = tpu.memref_slice %arg5[%dma_start3A_44, %dma_start3A_45] : memref<1015808x64xf32, #tpu.memory_space<hbm>> -> memref<1015808x64xf32, #tpu.memory_space<hbm>>
    tpu.enqueue_indirect_dma source(%dma_start3A_46 : memref<1015808x64xf32, #tpu.memory_space<hbm>>) target(%dma_start3A_41 : memref<128x64xf32, #tpu.memory_space<vmem>>) offsets(%dma_start3A_43 : memref<128xi32, #tpu.memory_space<vmem>>) semaphore(%arg20 : memref<!tpu.dma_semaphore, #tpu.memory_space<semaphore_mem>>)
    %dma_start3A_47 = arith.constant 256 : i32
    %dma_start3A_48 = arith.constant 0 : i32
    %dma_start3A_49 = tpu.memref_slice %arg14[%dma_start3A_47, %dma_start3A_48] : memref<640x64xf32, #tpu.memory_space<vmem>> -> memref<128x64xf32, #tpu.memory_space<vmem>>
    %dma_start3A_50 = arith.constant 256 : i32
    %dma_start3A_51 = tpu.memref_slice %arg11[%dma_start3A_50] : memref<10240xi32, #tpu.memory_space<vmem>> -> memref<128xi32, #tpu.memory_space<vmem>>
    %dma_start3A_52 = arith.constant 0 : i32
    %dma_start3A_53 = arith.constant 0 : i32
    %dma_start3A_54 = tpu.memref_slice %arg5[%dma_start3A_52, %dma_start3A_53] : memref<1015808x64xf32, #tpu.memory_space<hbm>> -> memref<1015808x64xf32, #tpu.memory_space<hbm>>
    tpu.enqueue_indirect_dma source(%dma_start3A_54 : memref<1015808x64xf32, #tpu.memory_space<hbm>>) target(%dma_start3A_49 : memref<128x64xf32, #tpu.memory_space<vmem>>) offsets(%dma_start3A_51 : memref<128xi32, #tpu.memory_space<vmem>>) semaphore(%arg20 : memref<!tpu.dma_semaphore, #tpu.memory_space<semaphore_mem>>)
    %dma_start3A_55 = arith.constant 384 : i32
    %dma_start3A_56 = arith.constant 0 : i32
    %dma_start3A_57 = tpu.memref_slice %arg14[%dma_start3A_55, %dma_start3A_56] : memref<640x64xf32, #tpu.memory_space<vmem>> -> memref<128x64xf32, #tpu.memory_space<vmem>>
    %dma_start3A_58 = arith.constant 384 : i32
    %dma_start3A_59 = tpu.memref_slice %arg11[%dma_start3A_58] : memref<10240xi32, #tpu.memory_space<vmem>> -> memref<128xi32, #tpu.memory_space<vmem>>
    %dma_start3A_60 = arith.constant 0 : i32
    %dma_start3A_61 = arith.constant 0 : i32
    %dma_start3A_62 = tpu.memref_slice %arg5[%dma_start3A_60, %dma_start3A_61] : memref<1015808x64xf32, #tpu.memory_space<hbm>> -> memref<1015808x64xf32, #tpu.memory_space<hbm>>
    tpu.enqueue_indirect_dma source(%dma_start3A_62 : memref<1015808x64xf32, #tpu.memory_space<hbm>>) target(%dma_start3A_57 : memref<128x64xf32, #tpu.memory_space<vmem>>) offsets(%dma_start3A_59 : memref<128xi32, #tpu.memory_space<vmem>>) semaphore(%arg20 : memref<!tpu.dma_semaphore, #tpu.memory_space<semaphore_mem>>)
    %dma_start3A_63 = arith.constant 512 : i32
    %dma_start3A_64 = arith.constant 0 : i32
    %dma_start3A_65 = tpu.memref_slice %arg14[%dma_start3A_63, %dma_start3A_64] : memref<640x64xf32, #tpu.memory_space<vmem>> -> memref<128x64xf32, #tpu.memory_space<vmem>>
    %dma_start3A_66 = arith.constant 512 : i32
    %dma_start3A_67 = tpu.memref_slice %arg11[%dma_start3A_66] : memref<10240xi32, #tpu.memory_space<vmem>> -> memref<128xi32, #tpu.memory_space<vmem>>
    %dma_start3A_68 = arith.constant 0 : i32
    %dma_start3A_69 = arith.constant 0 : i32
    %dma_start3A_70 = tpu.memref_slice %arg5[%dma_start3A_68, %dma_start3A_69] : memref<1015808x64xf32, #tpu.memory_space<hbm>> -> memref<1015808x64xf32, #tpu.memory_space<hbm>>
    tpu.enqueue_indirect_dma source(%dma_start3A_70 : memref<1015808x64xf32, #tpu.memory_space<hbm>>) target(%dma_start3A_65 : memref<128x64xf32, #tpu.memory_space<vmem>>) offsets(%dma_start3A_67 : memref<128xi32, #tpu.memory_space<vmem>>) semaphore(%arg20 : memref<!tpu.dma_semaphore, #tpu.memory_space<semaphore_mem>>)
    %scan3A_71 = arith.constant 0 : i32
    %scan3A_72 = arith.constant 0 : i32
    %scan3A_73 = arith.constant 8 : i32
    %scan3A_74 = arith.addi %scan3A_72, %scan3A_73 : i32
    %scan3A_75 = arith.constant 1 : i32
    scf.for %scan3A_77 = %scan3A_72 to %scan3A_74 step %scan3A_75  : i32 {
      %mul3A_78 = arith.constant 2 : i32
      %mul3A_79 = arith.muli %scan3A_77, %mul3A_78 : i32
      %add3A_80 = arith.constant 1 : i32
      %add3A_81 = arith.addi %mul3A_79, %add3A_80 : i32
      %mul3A_82 = arith.constant 32 : i32
      %mul3A_83 = arith.muli %add3A_81, %mul3A_82 : i32
      %dma_start3A_84 = tpu.memref_slice %arg9[%mul3A_83] : memref<512xi32, #tpu.memory_space<vmem>> -> memref<32xi32, #tpu.memory_space<vmem>>
      %dma_start3A_85 = arith.constant 0 : i32
      %dma_start3A_86 = arith.constant 0 : i32
      %dma_start3A_87 = tpu.memref_slice %arg5[%dma_start3A_85, %dma_start3A_86] : memref<1015808x64xf32, #tpu.memory_space<hbm>> -> memref<1015808x64xf32, #tpu.memory_space<hbm>>
      tpu.enqueue_indirect_dma source(%dma_start3A_87 : memref<1015808x64xf32, #tpu.memory_space<hbm>>) target(%arg15 : memref<32x64xf32, #tpu.memory_space<vmem>>) offsets(%dma_start3A_84 : memref<32xi32, #tpu.memory_space<vmem>>) semaphore(%arg21 : memref<!tpu.dma_semaphore, #tpu.memory_space<semaphore_mem>>)
      %dma_start3A_88 = tpu.memref_slice %arg10[%mul3A_83] : memref<512xi32, #tpu.memory_space<vmem>> -> memref<32xi32, #tpu.memory_space<vmem>>
      %dma_start3A_89 = arith.constant 0 : i32
      %dma_start3A_90 = arith.constant 0 : i32
      %dma_start3A_91 = tpu.memref_slice %arg6[%dma_start3A_89, %dma_start3A_90] : memref<1015808x64xf32, #tpu.memory_space<hbm>> -> memref<1015808x64xf32, #tpu.memory_space<hbm>>
      tpu.enqueue_indirect_dma source(%dma_start3A_91 : memref<1015808x64xf32, #tpu.memory_space<hbm>>) target(%arg16 : memref<32x64xf32, #tpu.memory_space<vmem>>) offsets(%dma_start3A_88 : memref<32xi32, #tpu.memory_space<vmem>>) semaphore(%arg21 : memref<!tpu.dma_semaphore, #tpu.memory_space<semaphore_mem>>)
      %mul3A_92 = arith.constant 640 : i32
      %mul3A_93 = arith.muli %add3A_81, %mul3A_92 : i32
      %add3A_94 = arith.constant 0 : i32
      %add3A_95 = arith.addi %mul3A_93, %add3A_94 : i32
      %dma_start3A_96 = arith.constant 0 : i32
      %dma_start3A_97 = arith.constant 0 : i32
      %dma_start3A_98 = tpu.memref_slice %arg17[%dma_start3A_96, %dma_start3A_97] : memref<640x64xf32, #tpu.memory_space<vmem>> -> memref<128x64xf32, #tpu.memory_space<vmem>>
      %dma_start3A_99 = tpu.memref_slice %arg11[%add3A_95] : memref<10240xi32, #tpu.memory_space<vmem>> -> memref<128xi32, #tpu.memory_space<vmem>>
      %dma_start3A_100 = arith.constant 0 : i32
      %dma_start3A_101 = arith.constant 0 : i32
      %dma_start3A_102 = tpu.memref_slice %arg5[%dma_start3A_100, %dma_start3A_101] : memref<1015808x64xf32, #tpu.memory_space<hbm>> -> memref<1015808x64xf32, #tpu.memory_space<hbm>>
      tpu.enqueue_indirect_dma source(%dma_start3A_102 : memref<1015808x64xf32, #tpu.memory_space<hbm>>) target(%dma_start3A_98 : memref<128x64xf32, #tpu.memory_space<vmem>>) offsets(%dma_start3A_99 : memref<128xi32, #tpu.memory_space<vmem>>) semaphore(%arg21 : memref<!tpu.dma_semaphore, #tpu.memory_space<semaphore_mem>>)
      %mul3A_103 = arith.constant 640 : i32
      %mul3A_104 = arith.muli %add3A_81, %mul3A_103 : i32
      %add3A_105 = arith.constant 128 : i32
      %add3A_106 = arith.addi %mul3A_104, %add3A_105 : i32
      %dma_start3A_107 = arith.constant 128 : i32
      %dma_start3A_108 = arith.constant 0 : i32
      %dma_start3A_109 = tpu.memref_slice %arg17[%dma_start3A_107, %dma_start3A_108] : memref<640x64xf32, #tpu.memory_space<vmem>> -> memref<128x64xf32, #tpu.memory_space<vmem>>
      %dma_start3A_110 = tpu.memref_slice %arg11[%add3A_106] : memref<10240xi32, #tpu.memory_space<vmem>> -> memref<128xi32, #tpu.memory_space<vmem>>
      %dma_start3A_111 = arith.constant 0 : i32
      %dma_start3A_112 = arith.constant 0 : i32
      %dma_start3A_113 = tpu.memref_slice %arg5[%dma_start3A_111, %dma_start3A_112] : memref<1015808x64xf32, #tpu.memory_space<hbm>> -> memref<1015808x64xf32, #tpu.memory_space<hbm>>
      tpu.enqueue_indirect_dma source(%dma_start3A_113 : memref<1015808x64xf32, #tpu.memory_space<hbm>>) target(%dma_start3A_109 : memref<128x64xf32, #tpu.memory_space<vmem>>) offsets(%dma_start3A_110 : memref<128xi32, #tpu.memory_space<vmem>>) semaphore(%arg21 : memref<!tpu.dma_semaphore, #tpu.memory_space<semaphore_mem>>)
      %mul3A_114 = arith.constant 640 : i32
      %mul3A_115 = arith.muli %add3A_81, %mul3A_114 : i32
      %add3A_116 = arith.constant 256 : i32
      %add3A_117 = arith.addi %mul3A_115, %add3A_116 : i32
      %dma_start3A_118 = arith.constant 256 : i32
      %dma_start3A_119 = arith.constant 0 : i32
      %dma_start3A_120 = tpu.memref_slice %arg17[%dma_start3A_118, %dma_start3A_119] : memref<640x64xf32, #tpu.memory_space<vmem>> -> memref<128x64xf32, #tpu.memory_space<vmem>>
      %dma_start3A_121 = tpu.memref_slice %arg11[%add3A_117] : memref<10240xi32, #tpu.memory_space<vmem>> -> memref<128xi32, #tpu.memory_space<vmem>>
      %dma_start3A_122 = arith.constant 0 : i32
      %dma_start3A_123 = arith.constant 0 : i32
      %dma_start3A_124 = tpu.memref_slice %arg5[%dma_start3A_122, %dma_start3A_123] : memref<1015808x64xf32, #tpu.memory_space<hbm>> -> memref<1015808x64xf32, #tpu.memory_space<hbm>>
      tpu.enqueue_indirect_dma source(%dma_start3A_124 : memref<1015808x64xf32, #tpu.memory_space<hbm>>) target(%dma_start3A_120 : memref<128x64xf32, #tpu.memory_space<vmem>>) offsets(%dma_start3A_121 : memref<128xi32, #tpu.memory_space<vmem>>) semaphore(%arg21 : memref<!tpu.dma_semaphore, #tpu.memory_space<semaphore_mem>>)
      %mul3A_125 = arith.constant 640 : i32
      %mul3A_126 = arith.muli %add3A_81, %mul3A_125 : i32
      %add3A_127 = arith.constant 384 : i32
      %add3A_128 = arith.addi %mul3A_126, %add3A_127 : i32
      %dma_start3A_129 = arith.constant 384 : i32
      %dma_start3A_130 = arith.constant 0 : i32
      %dma_start3A_131 = tpu.memref_slice %arg17[%dma_start3A_129, %dma_start3A_130] : memref<640x64xf32, #tpu.memory_space<vmem>> -> memref<128x64xf32, #tpu.memory_space<vmem>>
      %dma_start3A_132 = tpu.memref_slice %arg11[%add3A_128] : memref<10240xi32, #tpu.memory_space<vmem>> -> memref<128xi32, #tpu.memory_space<vmem>>
      %dma_start3A_133 = arith.constant 0 : i32
      %dma_start3A_134 = arith.constant 0 : i32
      %dma_start3A_135 = tpu.memref_slice %arg5[%dma_start3A_133, %dma_start3A_134] : memref<1015808x64xf32, #tpu.memory_space<hbm>> -> memref<1015808x64xf32, #tpu.memory_space<hbm>>
      tpu.enqueue_indirect_dma source(%dma_start3A_135 : memref<1015808x64xf32, #tpu.memory_space<hbm>>) target(%dma_start3A_131 : memref<128x64xf32, #tpu.memory_space<vmem>>) offsets(%dma_start3A_132 : memref<128xi32, #tpu.memory_space<vmem>>) semaphore(%arg21 : memref<!tpu.dma_semaphore, #tpu.memory_space<semaphore_mem>>)
      %mul3A_136 = arith.constant 640 : i32
      %mul3A_137 = arith.muli %add3A_81, %mul3A_136 : i32
      %add3A_138 = arith.constant 512 : i32
      %add3A_139 = arith.addi %mul3A_137, %add3A_138 : i32
      %dma_start3A_140 = arith.constant 512 : i32
      %dma_start3A_141 = arith.constant 0 : i32
      %dma_start3A_142 = tpu.memref_slice %arg17[%dma_start3A_140, %dma_start3A_141] : memref<640x64xf32, #tpu.memory_space<vmem>> -> memref<128x64xf32, #tpu.memory_space<vmem>>
      %dma_start3A_143 = tpu.memref_slice %arg11[%add3A_139] : memref<10240xi32, #tpu.memory_space<vmem>> -> memref<128xi32, #tpu.memory_space<vmem>>
      %dma_start3A_144 = arith.constant 0 : i32
      %dma_start3A_145 = arith.constant 0 : i32
      %dma_start3A_146 = tpu.memref_slice %arg5[%dma_start3A_144, %dma_start3A_145] : memref<1015808x64xf32, #tpu.memory_space<hbm>> -> memref<1015808x64xf32, #tpu.memory_space<hbm>>
      tpu.enqueue_indirect_dma source(%dma_start3A_146 : memref<1015808x64xf32, #tpu.memory_space<hbm>>) target(%dma_start3A_142 : memref<128x64xf32, #tpu.memory_space<vmem>>) offsets(%dma_start3A_143 : memref<128xi32, #tpu.memory_space<vmem>>) semaphore(%arg21 : memref<!tpu.dma_semaphore, #tpu.memory_space<semaphore_mem>>)
      %dma_wait3A = arith.constant 0 : i32
      %dma_wait3A_147 = tpu.memref_slice %arg9[%dma_wait3A] : memref<512xi32, #tpu.memory_space<vmem>> -> memref<32xi32, #tpu.memory_space<vmem>>
      %dma_wait3A_148 = arith.constant 0 : i32
      %dma_wait3A_149 = arith.constant 0 : i32
      %dma_wait3A_150 = tpu.memref_slice %arg5[%dma_wait3A_148, %dma_wait3A_149] : memref<1015808x64xf32, #tpu.memory_space<hbm>> -> memref<1015808x64xf32, #tpu.memory_space<hbm>>
      tpu.wait_indirect_dma semaphore(%arg20 : memref<!tpu.dma_semaphore, #tpu.memory_space<semaphore_mem>>) src(%dma_wait3A_150 : memref<1015808x64xf32, #tpu.memory_space<hbm>>) dst(%arg12 : memref<32x64xf32, #tpu.memory_space<vmem>>)
      %dma_wait3A_151 = arith.constant 0 : i32
      %dma_wait3A_152 = tpu.memref_slice %arg10[%dma_wait3A_151] : memref<512xi32, #tpu.memory_space<vmem>> -> memref<32xi32, #tpu.memory_space<vmem>>
      %dma_wait3A_153 = arith.constant 0 : i32
      %dma_wait3A_154 = arith.constant 0 : i32
      %dma_wait3A_155 = tpu.memref_slice %arg6[%dma_wait3A_153, %dma_wait3A_154] : memref<1015808x64xf32, #tpu.memory_space<hbm>> -> memref<1015808x64xf32, #tpu.memory_space<hbm>>
      tpu.wait_indirect_dma semaphore(%arg20 : memref<!tpu.dma_semaphore, #tpu.memory_space<semaphore_mem>>) src(%dma_wait3A_155 : memref<1015808x64xf32, #tpu.memory_space<hbm>>) dst(%arg13 : memref<32x64xf32, #tpu.memory_space<vmem>>)
      %dma_wait3A_156 = arith.constant 0 : i32
      %dma_wait3A_157 = arith.constant 0 : i32
      %dma_wait3A_158 = tpu.memref_slice %arg14[%dma_wait3A_156, %dma_wait3A_157] : memref<640x64xf32, #tpu.memory_space<vmem>> -> memref<128x64xf32, #tpu.memory_space<vmem>>
      %dma_wait3A_159 = arith.constant 0 : i32
      %dma_wait3A_160 = tpu.memref_slice %arg11[%dma_wait3A_159] : memref<10240xi32, #tpu.memory_space<vmem>> -> memref<128xi32, #tpu.memory_space<vmem>>
      %dma_wait3A_161 = arith.constant 0 : i32
      %dma_wait3A_162 = arith.constant 0 : i32
      %dma_wait3A_163 = tpu.memref_slice %arg5[%dma_wait3A_161, %dma_wait3A_162] : memref<1015808x64xf32, #tpu.memory_space<hbm>> -> memref<1015808x64xf32, #tpu.memory_space<hbm>>
      tpu.wait_indirect_dma semaphore(%arg20 : memref<!tpu.dma_semaphore, #tpu.memory_space<semaphore_mem>>) src(%dma_wait3A_163 : memref<1015808x64xf32, #tpu.memory_space<hbm>>) dst(%dma_wait3A_158 : memref<128x64xf32, #tpu.memory_space<vmem>>)
      %dma_wait3A_164 = arith.constant 128 : i32
      %dma_wait3A_165 = arith.constant 0 : i32
      %dma_wait3A_166 = tpu.memref_slice %arg14[%dma_wait3A_164, %dma_wait3A_165] : memref<640x64xf32, #tpu.memory_space<vmem>> -> memref<128x64xf32, #tpu.memory_space<vmem>>
      %dma_wait3A_167 = arith.constant 128 : i32
      %dma_wait3A_168 = tpu.memref_slice %arg11[%dma_wait3A_167] : memref<10240xi32, #tpu.memory_space<vmem>> -> memref<128xi32, #tpu.memory_space<vmem>>
      %dma_wait3A_169 = arith.constant 0 : i32
      %dma_wait3A_170 = arith.constant 0 : i32
      %dma_wait3A_171 = tpu.memref_slice %arg5[%dma_wait3A_169, %dma_wait3A_170] : memref<1015808x64xf32, #tpu.memory_space<hbm>> -> memref<1015808x64xf32, #tpu.memory_space<hbm>>
      tpu.wait_indirect_dma semaphore(%arg20 : memref<!tpu.dma_semaphore, #tpu.memory_space<semaphore_mem>>) src(%dma_wait3A_171 : memref<1015808x64xf32, #tpu.memory_space<hbm>>) dst(%dma_wait3A_166 : memref<128x64xf32, #tpu.memory_space<vmem>>)
      %dma_wait3A_172 = arith.constant 256 : i32
      %dma_wait3A_173 = arith.constant 0 : i32
      %dma_wait3A_174 = tpu.memref_slice %arg14[%dma_wait3A_172, %dma_wait3A_173] : memref<640x64xf32, #tpu.memory_space<vmem>> -> memref<128x64xf32, #tpu.memory_space<vmem>>
      %dma_wait3A_175 = arith.constant 256 : i32
      %dma_wait3A_176 = tpu.memref_slice %arg11[%dma_wait3A_175] : memref<10240xi32, #tpu.memory_space<vmem>> -> memref<128xi32, #tpu.memory_space<vmem>>
      %dma_wait3A_177 = arith.constant 0 : i32
      %dma_wait3A_178 = arith.constant 0 : i32
      %dma_wait3A_179 = tpu.memref_slice %arg5[%dma_wait3A_177, %dma_wait3A_178] : memref<1015808x64xf32, #tpu.memory_space<hbm>> -> memref<1015808x64xf32, #tpu.memory_space<hbm>>
      tpu.wait_indirect_dma semaphore(%arg20 : memref<!tpu.dma_semaphore, #tpu.memory_space<semaphore_mem>>) src(%dma_wait3A_179 : memref<1015808x64xf32, #tpu.memory_space<hbm>>) dst(%dma_wait3A_174 : memref<128x64xf32, #tpu.memory_space<vmem>>)
      %dma_wait3A_180 = arith.constant 384 : i32
      %dma_wait3A_181 = arith.constant 0 : i32
      %dma_wait3A_182 = tpu.memref_slice %arg14[%dma_wait3A_180, %dma_wait3A_181] : memref<640x64xf32, #tpu.memory_space<vmem>> -> memref<128x64xf32, #tpu.memory_space<vmem>>
      %dma_wait3A_183 = arith.constant 384 : i32
      %dma_wait3A_184 = tpu.memref_slice %arg11[%dma_wait3A_183] : memref<10240xi32, #tpu.memory_space<vmem>> -> memref<128xi32, #tpu.memory_space<vmem>>
      %dma_wait3A_185 = arith.constant 0 : i32
      %dma_wait3A_186 = arith.constant 0 : i32
      %dma_wait3A_187 = tpu.memref_slice %arg5[%dma_wait3A_185, %dma_wait3A_186] : memref<1015808x64xf32, #tpu.memory_space<hbm>> -> memref<1015808x64xf32, #tpu.memory_space<hbm>>
      tpu.wait_indirect_dma semaphore(%arg20 : memref<!tpu.dma_semaphore, #tpu.memory_space<semaphore_mem>>) src(%dma_wait3A_187 : memref<1015808x64xf32, #tpu.memory_space<hbm>>) dst(%dma_wait3A_182 : memref<128x64xf32, #tpu.memory_space<vmem>>)
      %dma_wait3A_188 = arith.constant 512 : i32
      %dma_wait3A_189 = arith.constant 0 : i32
      %dma_wait3A_190 = tpu.memref_slice %arg14[%dma_wait3A_188, %dma_wait3A_189] : memref<640x64xf32, #tpu.memory_space<vmem>> -> memref<128x64xf32, #tpu.memory_space<vmem>>
      %dma_wait3A_191 = arith.constant 512 : i32
      %dma_wait3A_192 = tpu.memref_slice %arg11[%dma_wait3A_191] : memref<10240xi32, #tpu.memory_space<vmem>> -> memref<128xi32, #tpu.memory_space<vmem>>
      %dma_wait3A_193 = arith.constant 0 : i32
      %dma_wait3A_194 = arith.constant 0 : i32
      %dma_wait3A_195 = tpu.memref_slice %arg5[%dma_wait3A_193, %dma_wait3A_194] : memref<1015808x64xf32, #tpu.memory_space<hbm>> -> memref<1015808x64xf32, #tpu.memory_space<hbm>>
      tpu.wait_indirect_dma semaphore(%arg20 : memref<!tpu.dma_semaphore, #tpu.memory_space<semaphore_mem>>) src(%dma_wait3A_195 : memref<1015808x64xf32, #tpu.memory_space<hbm>>) dst(%dma_wait3A_190 : memref<128x64xf32, #tpu.memory_space<vmem>>)
      %mul3A_196 = arith.constant 32 : i32
      %mul3A_197 = arith.muli %mul3A_79, %mul3A_196 : i32
      %add3A_198 = arith.constant 0 : i32
      %add3A_199 = vector.broadcast %add3A_198 : i32 to vector<16xi32>
      %add3A_200 = arith.addi %add3A_199, %iota3A : vector<16xi32>
      %mul3A_201 = arith.constant 20 : i32
      %mul3A_202 = vector.broadcast %mul3A_201 : i32 to vector<16xi32>
      %mul3A_203 = arith.muli %add3A_200, %mul3A_202 : vector<16xi32>
      %broadcast_in_dim3A = arith.constant 0.000000e+00 : f32
      %broadcast_in_dim3A_204 = vector.broadcast %broadcast_in_dim3A : f32 to vector<16xf32>
      %broadcast_in_dim3A_205 = arith.constant 0.000000e+00 : f32
      %broadcast_in_dim3A_206 = vector.broadcast %broadcast_in_dim3A_205 : f32 to vector<16xf32>
      %broadcast_in_dim3A_207 = arith.constant 0.000000e+00 : f32
      %broadcast_in_dim3A_208 = vector.broadcast %broadcast_in_dim3A_207 : f32 to vector<16xf32>
      %broadcast_in_dim3A_209 = arith.constant 0.000000e+00 : f32
      %broadcast_in_dim3A_210 = vector.broadcast %broadcast_in_dim3A_209 : f32 to vector<16xf32>
      %broadcast_in_dim3A_211 = arith.constant 0.000000e+00 : f32
      %broadcast_in_dim3A_212 = vector.broadcast %broadcast_in_dim3A_211 : f32 to vector<16xf32>
      %broadcast_in_dim3A_213 = arith.constant 0.000000e+00 : f32
      %broadcast_in_dim3A_214 = vector.broadcast %broadcast_in_dim3A_213 : f32 to vector<16xf32>
      %broadcast_in_dim3A_215 = arith.constant 0.000000e+00 : f32
      %broadcast_in_dim3A_216 = vector.broadcast %broadcast_in_dim3A_215 : f32 to vector<16xf32>
      %broadcast_in_dim3A_217 = arith.constant 0.000000e+00 : f32
      %broadcast_in_dim3A_218 = vector.broadcast %broadcast_in_dim3A_217 : f32 to vector<16xf32>
      %broadcast_in_dim3A_219 = arith.constant 0.000000e+00 : f32
      %broadcast_in_dim3A_220 = vector.broadcast %broadcast_in_dim3A_219 : f32 to vector<16xf32>
      %broadcast_in_dim3A_221 = arith.constant 0.000000e+00 : f32
      %broadcast_in_dim3A_222 = vector.broadcast %broadcast_in_dim3A_221 : f32 to vector<16xf32>
      %broadcast_in_dim3A_223 = arith.constant 0.000000e+00 : f32
      %broadcast_in_dim3A_224 = vector.broadcast %broadcast_in_dim3A_223 : f32 to vector<16xf32>
      %broadcast_in_dim3A_225 = arith.constant 0.000000e+00 : f32
      %broadcast_in_dim3A_226 = vector.broadcast %broadcast_in_dim3A_225 : f32 to vector<16xf32>
      %broadcast_in_dim3A_227 = arith.constant 0.000000e+00 : f32
      %broadcast_in_dim3A_228 = vector.broadcast %broadcast_in_dim3A_227 : f32 to vector<16xf32>
      %broadcast_in_dim3A_229 = arith.constant 0.000000e+00 : f32
      %broadcast_in_dim3A_230 = vector.broadcast %broadcast_in_dim3A_229 : f32 to vector<16xf32>
      %broadcast_in_dim3A_231 = arith.constant 0.000000e+00 : f32
      %broadcast_in_dim3A_232 = vector.broadcast %broadcast_in_dim3A_231 : f32 to vector<16xf32>
      %broadcast_in_dim3A_233 = arith.constant 0.000000e+00 : f32
      %broadcast_in_dim3A_234 = vector.broadcast %broadcast_in_dim3A_233 : f32 to vector<16xf32>
      %broadcast_in_dim3A_235 = arith.constant 0.000000e+00 : f32
      %broadcast_in_dim3A_236 = vector.broadcast %broadcast_in_dim3A_235 : f32 to vector<16xf32>
      %broadcast_in_dim3A_237 = arith.constant 0.000000e+00 : f32
      %broadcast_in_dim3A_238 = vector.broadcast %broadcast_in_dim3A_237 : f32 to vector<16xf32>
      %broadcast_in_dim3A_239 = arith.constant 0.000000e+00 : f32
      %broadcast_in_dim3A_240 = vector.broadcast %broadcast_in_dim3A_239 : f32 to vector<16xf32>
      %broadcast_in_dim3A_241 = arith.constant 0.000000e+00 : f32
      %broadcast_in_dim3A_242 = vector.broadcast %broadcast_in_dim3A_241 : f32 to vector<16xf32>
      %broadcast_in_dim3A_243 = arith.constant 0.000000e+00 : f32
      %broadcast_in_dim3A_244 = vector.broadcast %broadcast_in_dim3A_243 : f32 to vector<16xf32>
      %scan3A_245 = arith.constant 0 : i32
      %scan3A_246 = arith.constant 64 : i32
      %scan3A_247 = arith.addi %scan3A_245, %scan3A_246 : i32
      %scan3A_248 = arith.constant 1 : i32
      %scan3A_249:21 = scf.for %scan3A_1067 = %scan3A_245 to %scan3A_247 step %scan3A_248 iter_args(%scan3A_1068 = %broadcast_in_dim3A_204, %scan3A_1069 = %broadcast_in_dim3A_206, %scan3A_1070 = %broadcast_in_dim3A_208, %scan3A_1071 = %broadcast_in_dim3A_210, %scan3A_1072 = %broadcast_in_dim3A_212, %scan3A_1073 = %broadcast_in_dim3A_214, %scan3A_1074 = %broadcast_in_dim3A_216, %scan3A_1075 = %broadcast_in_dim3A_218, %scan3A_1076 = %broadcast_in_dim3A_220, %scan3A_1077 = %broadcast_in_dim3A_222, %scan3A_1078 = %broadcast_in_dim3A_224, %scan3A_1079 = %broadcast_in_dim3A_226, %scan3A_1080 = %broadcast_in_dim3A_228, %scan3A_1081 = %broadcast_in_dim3A_230, %scan3A_1082 = %broadcast_in_dim3A_232, %scan3A_1083 = %broadcast_in_dim3A_234, %scan3A_1084 = %broadcast_in_dim3A_236, %scan3A_1085 = %broadcast_in_dim3A_238, %scan3A_1086 = %broadcast_in_dim3A_240, %scan3A_1087 = %broadcast_in_dim3A_242, %scan3A_1088 = %broadcast_in_dim3A_244) -> (vector<16xf32>, vector<16xf32>, vector<16xf32>, vector<16xf32>, vector<16xf32>, vector<16xf32>, vector<16xf32>, vector<16xf32>, vector<16xf32>, vector<16xf32>, vector<16xf32>, vector<16xf32>, vector<16xf32>, vector<16xf32>, vector<16xf32>, vector<16xf32>, vector<16xf32>, vector<16xf32>, vector<16xf32>, vector<16xf32>, vector<16xf32>)  : i32 {
        %add3A_1089 = vector.broadcast %scan3A_1067 : i32 to vector<16xi32>
        %add3A_1090 = arith.addi %add3A_1089, %iota3A : vector<16xi32>
        %and3A = arith.constant 63 : i32
        %and3A_1091 = vector.broadcast %and3A : i32 to vector<16xi32>
        %and3A_1092 = arith.andi %add3A_1090, %and3A_1091 : vector<16xi32>
        %gather3A = tpu.vector_load_idx %arg13[%add3A_200, %and3A_1092] : memref<32x64xf32, #tpu.memory_space<vmem>>[vector<16xi32>, vector<16xi32>], vector<16xf32>,
        %gather3A_1093 = tpu.vector_load_idx %arg12[%add3A_200, %and3A_1092] : memref<32x64xf32, #tpu.memory_space<vmem>>[vector<16xi32>, vector<16xi32>], vector<16xf32>,
        %mul3A_1094 = arith.mulf %gather3A, %gather3A_1093 : vector<16xf32>
        %add3A_1095 = arith.addf %scan3A_1068, %mul3A_1094 : vector<16xf32>
        %add3A_1096 = arith.constant 0 : i32
        %add3A_1097 = vector.broadcast %add3A_1096 : i32 to vector<16xi32>
        %add3A_1098 = arith.addi %mul3A_203, %add3A_1097 : vector<16xi32>
        %gather3A_1099 = tpu.vector_load_idx %arg14[%add3A_1098, %and3A_1092] : memref<640x64xf32, #tpu.memory_space<vmem>>[vector<16xi32>, vector<16xi32>], vector<16xf32>,
        %mul3A_1100 = arith.mulf %gather3A_1099, %gather3A : vector<16xf32>
        %add3A_1101 = arith.addf %scan3A_1069, %mul3A_1100 : vector<16xf32>
        %add3A_1102 = arith.constant 1 : i32
        %add3A_1103 = vector.broadcast %add3A_1102 : i32 to vector<16xi32>
        %add3A_1104 = arith.addi %mul3A_203, %add3A_1103 : vector<16xi32>
        %gather3A_1105 = tpu.vector_load_idx %arg14[%add3A_1104, %and3A_1092] : memref<640x64xf32, #tpu.memory_space<vmem>>[vector<16xi32>, vector<16xi32>], vector<16xf32>,
        %mul3A_1106 = arith.mulf %gather3A_1105, %gather3A : vector<16xf32>
        %add3A_1107 = arith.addf %scan3A_1070, %mul3A_1106 : vector<16xf32>
        %add3A_1108 = arith.constant 2 : i32
        %add3A_1109 = vector.broadcast %add3A_1108 : i32 to vector<16xi32>
        %add3A_1110 = arith.addi %mul3A_203, %add3A_1109 : vector<16xi32>
        %gather3A_1111 = tpu.vector_load_idx %arg14[%add3A_1110, %and3A_1092] : memref<640x64xf32, #tpu.memory_space<vmem>>[vector<16xi32>, vector<16xi32>], vector<16xf32>,
        %mul3A_1112 = arith.mulf %gather3A_1111, %gather3A : vector<16xf32>
        %add3A_1113 = arith.addf %scan3A_1071, %mul3A_1112 : vector<16xf32>
        %add3A_1114 = arith.constant 3 : i32
        %add3A_1115 = vector.broadcast %add3A_1114 : i32 to vector<16xi32>
        %add3A_1116 = arith.addi %mul3A_203, %add3A_1115 : vector<16xi32>
        %gather3A_1117 = tpu.vector_load_idx %arg14[%add3A_1116, %and3A_1092] : memref<640x64xf32, #tpu.memory_space<vmem>>[vector<16xi32>, vector<16xi32>], vector<16xf32>,
        %mul3A_1118 = arith.mulf %gather3A_1117, %gather3A : vector<16xf32>
        %add3A_1119 = arith.addf %scan3A_1072, %mul3A_1118 : vector<16xf32>
        %add3A_1120 = arith.constant 4 : i32
        %add3A_1121 = vector.broadcast %add3A_1120 : i32 to vector<16xi32>
        %add3A_1122 = arith.addi %mul3A_203, %add3A_1121 : vector<16xi32>
        %gather3A_1123 = tpu.vector_load_idx %arg14[%add3A_1122, %and3A_1092] : memref<640x64xf32, #tpu.memory_space<vmem>>[vector<16xi32>, vector<16xi32>], vector<16xf32>,
        %mul3A_1124 = arith.mulf %gather3A_1123, %gather3A : vector<16xf32>
        %add3A_1125 = arith.addf %scan3A_1073, %mul3A_1124 : vector<16xf32>
        %add3A_1126 = arith.constant 5 : i32
        %add3A_1127 = vector.broadcast %add3A_1126 : i32 to vector<16xi32>
        %add3A_1128 = arith.addi %mul3A_203, %add3A_1127 : vector<16xi32>
        %gather3A_1129 = tpu.vector_load_idx %arg14[%add3A_1128, %and3A_1092] : memref<640x64xf32, #tpu.memory_space<vmem>>[vector<16xi32>, vector<16xi32>], vector<16xf32>,
        %mul3A_1130 = arith.mulf %gather3A_1129, %gather3A : vector<16xf32>
        %add3A_1131 = arith.addf %scan3A_1074, %mul3A_1130 : vector<16xf32>
        %add3A_1132 = arith.constant 6 : i32
        %add3A_1133 = vector.broadcast %add3A_1132 : i32 to vector<16xi32>
        %add3A_1134 = arith.addi %mul3A_203, %add3A_1133 : vector<16xi32>
        %gather3A_1135 = tpu.vector_load_idx %arg14[%add3A_1134, %and3A_1092] : memref<640x64xf32, #tpu.memory_space<vmem>>[vector<16xi32>, vector<16xi32>], vector<16xf32>,
        %mul3A_1136 = arith.mulf %gather3A_1135, %gather3A : vector<16xf32>
        %add3A_1137 = arith.addf %scan3A_1075, %mul3A_1136 : vector<16xf32>
        %add3A_1138 = arith.constant 7 : i32
        %add3A_1139 = vector.broadcast %add3A_1138 : i32 to vector<16xi32>
        %add3A_1140 = arith.addi %mul3A_203, %add3A_1139 : vector<16xi32>
        %gather3A_1141 = tpu.vector_load_idx %arg14[%add3A_1140, %and3A_1092] : memref<640x64xf32, #tpu.memory_space<vmem>>[vector<16xi32>, vector<16xi32>], vector<16xf32>,
        %mul3A_1142 = arith.mulf %gather3A_1141, %gather3A : vector<16xf32>
        %add3A_1143 = arith.addf %scan3A_1076, %mul3A_1142 : vector<16xf32>
        %add3A_1144 = arith.constant 8 : i32
        %add3A_1145 = vector.broadcast %add3A_1144 : i32 to vector<16xi32>
        %add3A_1146 = arith.addi %mul3A_203, %add3A_1145 : vector<16xi32>
        %gather3A_1147 = tpu.vector_load_idx %arg14[%add3A_1146, %and3A_1092] : memref<640x64xf32, #tpu.memory_space<vmem>>[vector<16xi32>, vector<16xi32>], vector<16xf32>,
        %mul3A_1148 = arith.mulf %gather3A_1147, %gather3A : vector<16xf32>
        %add3A_1149 = arith.addf %scan3A_1077, %mul3A_1148 : vector<16xf32>
        %add3A_1150 = arith.constant 9 : i32
        %add3A_1151 = vector.broadcast %add3A_1150 : i32 to vector<16xi32>
        %add3A_1152 = arith.addi %mul3A_203, %add3A_1151 : vector<16xi32>
        %gather3A_1153 = tpu.vector_load_idx %arg14[%add3A_1152, %and3A_1092] : memref<640x64xf32, #tpu.memory_space<vmem>>[vector<16xi32>, vector<16xi32>], vector<16xf32>,
        %mul3A_1154 = arith.mulf %gather3A_1153, %gather3A : vector<16xf32>
        %add3A_1155 = arith.addf %scan3A_1078, %mul3A_1154 : vector<16xf32>
        %add3A_1156 = arith.constant 10 : i32
        %add3A_1157 = vector.broadcast %add3A_1156 : i32 to vector<16xi32>
        %add3A_1158 = arith.addi %mul3A_203, %add3A_1157 : vector<16xi32>
        %gather3A_1159 = tpu.vector_load_idx %arg14[%add3A_1158, %and3A_1092] : memref<640x64xf32, #tpu.memory_space<vmem>>[vector<16xi32>, vector<16xi32>], vector<16xf32>,
        %mul3A_1160 = arith.mulf %gather3A_1159, %gather3A : vector<16xf32>
        %add3A_1161 = arith.addf %scan3A_1079, %mul3A_1160 : vector<16xf32>
        %add3A_1162 = arith.constant 11 : i32
        %add3A_1163 = vector.broadcast %add3A_1162 : i32 to vector<16xi32>
        %add3A_1164 = arith.addi %mul3A_203, %add3A_1163 : vector<16xi32>
        %gather3A_1165 = tpu.vector_load_idx %arg14[%add3A_1164, %and3A_1092] : memref<640x64xf32, #tpu.memory_space<vmem>>[vector<16xi32>, vector<16xi32>], vector<16xf32>,
        %mul3A_1166 = arith.mulf %gather3A_1165, %gather3A : vector<16xf32>
        %add3A_1167 = arith.addf %scan3A_1080, %mul3A_1166 : vector<16xf32>
        %add3A_1168 = arith.constant 12 : i32
        %add3A_1169 = vector.broadcast %add3A_1168 : i32 to vector<16xi32>
        %add3A_1170 = arith.addi %mul3A_203, %add3A_1169 : vector<16xi32>
        %gather3A_1171 = tpu.vector_load_idx %arg14[%add3A_1170, %and3A_1092] : memref<640x64xf32, #tpu.memory_space<vmem>>[vector<16xi32>, vector<16xi32>], vector<16xf32>,
        %mul3A_1172 = arith.mulf %gather3A_1171, %gather3A : vector<16xf32>
        %add3A_1173 = arith.addf %scan3A_1081, %mul3A_1172 : vector<16xf32>
        %add3A_1174 = arith.constant 13 : i32
        %add3A_1175 = vector.broadcast %add3A_1174 : i32 to vector<16xi32>
        %add3A_1176 = arith.addi %mul3A_203, %add3A_1175 : vector<16xi32>
        %gather3A_1177 = tpu.vector_load_idx %arg14[%add3A_1176, %and3A_1092] : memref<640x64xf32, #tpu.memory_space<vmem>>[vector<16xi32>, vector<16xi32>], vector<16xf32>,
        %mul3A_1178 = arith.mulf %gather3A_1177, %gather3A : vector<16xf32>
        %add3A_1179 = arith.addf %scan3A_1082, %mul3A_1178 : vector<16xf32>
        %add3A_1180 = arith.constant 14 : i32
        %add3A_1181 = vector.broadcast %add3A_1180 : i32 to vector<16xi32>
        %add3A_1182 = arith.addi %mul3A_203, %add3A_1181 : vector<16xi32>
        %gather3A_1183 = tpu.vector_load_idx %arg14[%add3A_1182, %and3A_1092] : memref<640x64xf32, #tpu.memory_space<vmem>>[vector<16xi32>, vector<16xi32>], vector<16xf32>,
        %mul3A_1184 = arith.mulf %gather3A_1183, %gather3A : vector<16xf32>
        %add3A_1185 = arith.addf %scan3A_1083, %mul3A_1184 : vector<16xf32>
        %add3A_1186 = arith.constant 15 : i32
        %add3A_1187 = vector.broadcast %add3A_1186 : i32 to vector<16xi32>
        %add3A_1188 = arith.addi %mul3A_203, %add3A_1187 : vector<16xi32>
        %gather3A_1189 = tpu.vector_load_idx %arg14[%add3A_1188, %and3A_1092] : memref<640x64xf32, #tpu.memory_space<vmem>>[vector<16xi32>, vector<16xi32>], vector<16xf32>,
        %mul3A_1190 = arith.mulf %gather3A_1189, %gather3A : vector<16xf32>
        %add3A_1191 = arith.addf %scan3A_1084, %mul3A_1190 : vector<16xf32>
        %add3A_1192 = arith.constant 16 : i32
        %add3A_1193 = vector.broadcast %add3A_1192 : i32 to vector<16xi32>
        %add3A_1194 = arith.addi %mul3A_203, %add3A_1193 : vector<16xi32>
        %gather3A_1195 = tpu.vector_load_idx %arg14[%add3A_1194, %and3A_1092] : memref<640x64xf32, #tpu.memory_space<vmem>>[vector<16xi32>, vector<16xi32>], vector<16xf32>,
        %mul3A_1196 = arith.mulf %gather3A_1195, %gather3A : vector<16xf32>
        %add3A_1197 = arith.addf %scan3A_1085, %mul3A_1196 : vector<16xf32>
        %add3A_1198 = arith.constant 17 : i32
        %add3A_1199 = vector.broadcast %add3A_1198 : i32 to vector<16xi32>
        %add3A_1200 = arith.addi %mul3A_203, %add3A_1199 : vector<16xi32>
        %gather3A_1201 = tpu.vector_load_idx %arg14[%add3A_1200, %and3A_1092] : memref<640x64xf32, #tpu.memory_space<vmem>>[vector<16xi32>, vector<16xi32>], vector<16xf32>,
        %mul3A_1202 = arith.mulf %gather3A_1201, %gather3A : vector<16xf32>
        %add3A_1203 = arith.addf %scan3A_1086, %mul3A_1202 : vector<16xf32>
        %add3A_1204 = arith.constant 18 : i32
        %add3A_1205 = vector.broadcast %add3A_1204 : i32 to vector<16xi32>
        %add3A_1206 = arith.addi %mul3A_203, %add3A_1205 : vector<16xi32>
        %gather3A_1207 = tpu.vector_load_idx %arg14[%add3A_1206, %and3A_1092] : memref<640x64xf32, #tpu.memory_space<vmem>>[vector<16xi32>, vector<16xi32>], vector<16xf32>,
        %mul3A_1208 = arith.mulf %gather3A_1207, %gather3A : vector<16xf32>
        %add3A_1209 = arith.addf %scan3A_1087, %mul3A_1208 : vector<16xf32>
        %add3A_1210 = arith.constant 19 : i32
        %add3A_1211 = vector.broadcast %add3A_1210 : i32 to vector<16xi32>
        %add3A_1212 = arith.addi %mul3A_203, %add3A_1211 : vector<16xi32>
        %gather3A_1213 = tpu.vector_load_idx %arg14[%add3A_1212, %and3A_1092] : memref<640x64xf32, #tpu.memory_space<vmem>>[vector<16xi32>, vector<16xi32>], vector<16xf32>,
        %mul3A_1214 = arith.mulf %gather3A_1213, %gather3A : vector<16xf32>
        %add3A_1215 = arith.addf %scan3A_1088, %mul3A_1214 : vector<16xf32>
        scf.yield %add3A_1095, %add3A_1101, %add3A_1107, %add3A_1113, %add3A_1119, %add3A_1125, %add3A_1131, %add3A_1137, %add3A_1143, %add3A_1149, %add3A_1155, %add3A_1161, %add3A_1167, %add3A_1173, %add3A_1179, %add3A_1185, %add3A_1191, %add3A_1197, %add3A_1203, %add3A_1209, %add3A_1215 : vector<16xf32>, vector<16xf32>, vector<16xf32>, vector<16xf32>, vector<16xf32>, vector<16xf32>, vector<16xf32>, vector<16xf32>, vector<16xf32>, vector<16xf32>, vector<16xf32>, vector<16xf32>, vector<16xf32>, vector<16xf32>, vector<16xf32>, vector<16xf32>, vector<16xf32>, vector<16xf32>, vector<16xf32>, vector<16xf32>, vector<16xf32>
      }
      %scan3A_250 = arith.constant 64 : i32
      %add3A_251 = arith.constant 0 : i32
      %add3A_252 = arith.addi %mul3A_197, %add3A_251 : i32
      %swap3A = arith.index_cast %add3A_252 : i32 to index
      %swap3A_253 = tpu.vector_load %arg18[%swap3A] {strides = array<i32>} : memref<512xf32, #tpu.memory_space<vmem>>, vector<16xf32>,
      tpu.vector_store %arg18[%swap3A], %scan3A_249#0 {strides = array<i32>} : memref<512xf32, #tpu.memory_space<vmem>>, vector<16xf32>,
      %mul3A_254 = arith.constant 2 : i32
      %mul3A_255 = arith.muli %mul3A_79, %mul3A_254 : i32
      %add3A_256 = arith.constant 0 : i32
      %add3A_257 = arith.addi %mul3A_255, %add3A_256 : i32
      %mul3A_258 = arith.constant 320 : i32
      %mul3A_259 = arith.muli %add3A_257, %mul3A_258 : i32
      %neg3A = arith.constant 0.000000e+00 : f32
      %neg3A_260 = vector.broadcast %neg3A : f32 to vector<16xf32>
      %neg3A_261 = arith.subf %neg3A_260, %scan3A_249#1 : vector<16xf32>
      %add3A_262 = arith.constant 0 : i32
      %add3A_263 = arith.addi %mul3A_259, %add3A_262 : i32
      %swap3A_264 = arith.index_cast %add3A_263 : i32 to index
      %swap3A_265 = tpu.vector_load %arg19[%swap3A_264] {strides = array<i32>} : memref<10240xf32, #tpu.memory_space<vmem>>, vector<16xf32>,
      tpu.vector_store %arg19[%swap3A_264], %neg3A_261 {strides = array<i32>} : memref<10240xf32, #tpu.memory_space<vmem>>, vector<16xf32>,
      %neg3A_266 = arith.constant 0.000000e+00 : f32
      %neg3A_267 = vector.broadcast %neg3A_266 : f32 to vector<16xf32>
      %neg3A_268 = arith.subf %neg3A_267, %scan3A_249#2 : vector<16xf32>
      %add3A_269 = arith.constant 16 : i32
      %add3A_270 = arith.addi %mul3A_259, %add3A_269 : i32
      %swap3A_271 = arith.index_cast %add3A_270 : i32 to index
      %swap3A_272 = tpu.vector_load %arg19[%swap3A_271] {strides = array<i32>} : memref<10240xf32, #tpu.memory_space<vmem>>, vector<16xf32>,
      tpu.vector_store %arg19[%swap3A_271], %neg3A_268 {strides = array<i32>} : memref<10240xf32, #tpu.memory_space<vmem>>, vector<16xf32>,
      %neg3A_273 = arith.constant 0.000000e+00 : f32
      %neg3A_274 = vector.broadcast %neg3A_273 : f32 to vector<16xf32>
      %neg3A_275 = arith.subf %neg3A_274, %scan3A_249#3 : vector<16xf32>
      %add3A_276 = arith.constant 32 : i32
      %add3A_277 = arith.addi %mul3A_259, %add3A_276 : i32
      %swap3A_278 = arith.index_cast %add3A_277 : i32 to index
      %swap3A_279 = tpu.vector_load %arg19[%swap3A_278] {strides = array<i32>} : memref<10240xf32, #tpu.memory_space<vmem>>, vector<16xf32>,
      tpu.vector_store %arg19[%swap3A_278], %neg3A_275 {strides = array<i32>} : memref<10240xf32, #tpu.memory_space<vmem>>, vector<16xf32>,
      %neg3A_280 = arith.constant 0.000000e+00 : f32
      %neg3A_281 = vector.broadcast %neg3A_280 : f32 to vector<16xf32>
      %neg3A_282 = arith.subf %neg3A_281, %scan3A_249#4 : vector<16xf32>
      %add3A_283 = arith.constant 48 : i32
      %add3A_284 = arith.addi %mul3A_259, %add3A_283 : i32
      %swap3A_285 = arith.index_cast %add3A_284 : i32 to index
      %swap3A_286 = tpu.vector_load %arg19[%swap3A_285] {strides = array<i32>} : memref<10240xf32, #tpu.memory_space<vmem>>, vector<16xf32>,
      tpu.vector_store %arg19[%swap3A_285], %neg3A_282 {strides = array<i32>} : memref<10240xf32, #tpu.memory_space<vmem>>, vector<16xf32>,
      %neg3A_287 = arith.constant 0.000000e+00 : f32
      %neg3A_288 = vector.broadcast %neg3A_287 : f32 to vector<16xf32>
      %neg3A_289 = arith.subf %neg3A_288, %scan3A_249#5 : vector<16xf32>
      %add3A_290 = arith.constant 64 : i32
      %add3A_291 = arith.addi %mul3A_259, %add3A_290 : i32
      %swap3A_292 = arith.index_cast %add3A_291 : i32 to index
      %swap3A_293 = tpu.vector_load %arg19[%swap3A_292] {strides = array<i32>} : memref<10240xf32, #tpu.memory_space<vmem>>, vector<16xf32>,
      tpu.vector_store %arg19[%swap3A_292], %neg3A_289 {strides = array<i32>} : memref<10240xf32, #tpu.memory_space<vmem>>, vector<16xf32>,
      %neg3A_294 = arith.constant 0.000000e+00 : f32
      %neg3A_295 = vector.broadcast %neg3A_294 : f32 to vector<16xf32>
      %neg3A_296 = arith.subf %neg3A_295, %scan3A_249#6 : vector<16xf32>
      %add3A_297 = arith.constant 80 : i32
      %add3A_298 = arith.addi %mul3A_259, %add3A_297 : i32
      %swap3A_299 = arith.index_cast %add3A_298 : i32 to index
      %swap3A_300 = tpu.vector_load %arg19[%swap3A_299] {strides = array<i32>} : memref<10240xf32, #tpu.memory_space<vmem>>, vector<16xf32>,
      tpu.vector_store %arg19[%swap3A_299], %neg3A_296 {strides = array<i32>} : memref<10240xf32, #tpu.memory_space<vmem>>, vector<16xf32>,
      %neg3A_301 = arith.constant 0.000000e+00 : f32
      %neg3A_302 = vector.broadcast %neg3A_301 : f32 to vector<16xf32>
      %neg3A_303 = arith.subf %neg3A_302, %scan3A_249#7 : vector<16xf32>
      %add3A_304 = arith.constant 96 : i32
      %add3A_305 = arith.addi %mul3A_259, %add3A_304 : i32
      %swap3A_306 = arith.index_cast %add3A_305 : i32 to index
      %swap3A_307 = tpu.vector_load %arg19[%swap3A_306] {strides = array<i32>} : memref<10240xf32, #tpu.memory_space<vmem>>, vector<16xf32>,
      tpu.vector_store %arg19[%swap3A_306], %neg3A_303 {strides = array<i32>} : memref<10240xf32, #tpu.memory_space<vmem>>, vector<16xf32>,
      %neg3A_308 = arith.constant 0.000000e+00 : f32
      %neg3A_309 = vector.broadcast %neg3A_308 : f32 to vector<16xf32>
      %neg3A_310 = arith.subf %neg3A_309, %scan3A_249#8 : vector<16xf32>
      %add3A_311 = arith.constant 112 : i32
      %add3A_312 = arith.addi %mul3A_259, %add3A_311 : i32
      %swap3A_313 = arith.index_cast %add3A_312 : i32 to index
      %swap3A_314 = tpu.vector_load %arg19[%swap3A_313] {strides = array<i32>} : memref<10240xf32, #tpu.memory_space<vmem>>, vector<16xf32>,
      tpu.vector_store %arg19[%swap3A_313], %neg3A_310 {strides = array<i32>} : memref<10240xf32, #tpu.memory_space<vmem>>, vector<16xf32>,
      %neg3A_315 = arith.constant 0.000000e+00 : f32
      %neg3A_316 = vector.broadcast %neg3A_315 : f32 to vector<16xf32>
      %neg3A_317 = arith.subf %neg3A_316, %scan3A_249#9 : vector<16xf32>
      %add3A_318 = arith.constant 128 : i32
      %add3A_319 = arith.addi %mul3A_259, %add3A_318 : i32
      %swap3A_320 = arith.index_cast %add3A_319 : i32 to index
      %swap3A_321 = tpu.vector_load %arg19[%swap3A_320] {strides = array<i32>} : memref<10240xf32, #tpu.memory_space<vmem>>, vector<16xf32>,
      tpu.vector_store %arg19[%swap3A_320], %neg3A_317 {strides = array<i32>} : memref<10240xf32, #tpu.memory_space<vmem>>, vector<16xf32>,
      %neg3A_322 = arith.constant 0.000000e+00 : f32
      %neg3A_323 = vector.broadcast %neg3A_322 : f32 to vector<16xf32>
      %neg3A_324 = arith.subf %neg3A_323, %scan3A_249#10 : vector<16xf32>
      %add3A_325 = arith.constant 144 : i32
      %add3A_326 = arith.addi %mul3A_259, %add3A_325 : i32
      %swap3A_327 = arith.index_cast %add3A_326 : i32 to index
      %swap3A_328 = tpu.vector_load %arg19[%swap3A_327] {strides = array<i32>} : memref<10240xf32, #tpu.memory_space<vmem>>, vector<16xf32>,
      tpu.vector_store %arg19[%swap3A_327], %neg3A_324 {strides = array<i32>} : memref<10240xf32, #tpu.memory_space<vmem>>, vector<16xf32>,
      %neg3A_329 = arith.constant 0.000000e+00 : f32
      %neg3A_330 = vector.broadcast %neg3A_329 : f32 to vector<16xf32>
      %neg3A_331 = arith.subf %neg3A_330, %scan3A_249#11 : vector<16xf32>
      %add3A_332 = arith.constant 160 : i32
      %add3A_333 = arith.addi %mul3A_259, %add3A_332 : i32
      %swap3A_334 = arith.index_cast %add3A_333 : i32 to index
      %swap3A_335 = tpu.vector_load %arg19[%swap3A_334] {strides = array<i32>} : memref<10240xf32, #tpu.memory_space<vmem>>, vector<16xf32>,
      tpu.vector_store %arg19[%swap3A_334], %neg3A_331 {strides = array<i32>} : memref<10240xf32, #tpu.memory_space<vmem>>, vector<16xf32>,
      %neg3A_336 = arith.constant 0.000000e+00 : f32
      %neg3A_337 = vector.broadcast %neg3A_336 : f32 to vector<16xf32>
      %neg3A_338 = arith.subf %neg3A_337, %scan3A_249#12 : vector<16xf32>
      %add3A_339 = arith.constant 176 : i32
      %add3A_340 = arith.addi %mul3A_259, %add3A_339 : i32
      %swap3A_341 = arith.index_cast %add3A_340 : i32 to index
      %swap3A_342 = tpu.vector_load %arg19[%swap3A_341] {strides = array<i32>} : memref<10240xf32, #tpu.memory_space<vmem>>, vector<16xf32>,
      tpu.vector_store %arg19[%swap3A_341], %neg3A_338 {strides = array<i32>} : memref<10240xf32, #tpu.memory_space<vmem>>, vector<16xf32>,
      %neg3A_343 = arith.constant 0.000000e+00 : f32
      %neg3A_344 = vector.broadcast %neg3A_343 : f32 to vector<16xf32>
      %neg3A_345 = arith.subf %neg3A_344, %scan3A_249#13 : vector<16xf32>
      %add3A_346 = arith.constant 192 : i32
      %add3A_347 = arith.addi %mul3A_259, %add3A_346 : i32
      %swap3A_348 = arith.index_cast %add3A_347 : i32 to index
      %swap3A_349 = tpu.vector_load %arg19[%swap3A_348] {strides = array<i32>} : memref<10240xf32, #tpu.memory_space<vmem>>, vector<16xf32>,
      tpu.vector_store %arg19[%swap3A_348], %neg3A_345 {strides = array<i32>} : memref<10240xf32, #tpu.memory_space<vmem>>, vector<16xf32>,
      %neg3A_350 = arith.constant 0.000000e+00 : f32
      %neg3A_351 = vector.broadcast %neg3A_350 : f32 to vector<16xf32>
      %neg3A_352 = arith.subf %neg3A_351, %scan3A_249#14 : vector<16xf32>
      %add3A_353 = arith.constant 208 : i32
      %add3A_354 = arith.addi %mul3A_259, %add3A_353 : i32
      %swap3A_355 = arith.index_cast %add3A_354 : i32 to index
      %swap3A_356 = tpu.vector_load %arg19[%swap3A_355] {strides = array<i32>} : memref<10240xf32, #tpu.memory_space<vmem>>, vector<16xf32>,
      tpu.vector_store %arg19[%swap3A_355], %neg3A_352 {strides = array<i32>} : memref<10240xf32, #tpu.memory_space<vmem>>, vector<16xf32>,
      %neg3A_357 = arith.constant 0.000000e+00 : f32
      %neg3A_358 = vector.broadcast %neg3A_357 : f32 to vector<16xf32>
      %neg3A_359 = arith.subf %neg3A_358, %scan3A_249#15 : vector<16xf32>
      %add3A_360 = arith.constant 224 : i32
      %add3A_361 = arith.addi %mul3A_259, %add3A_360 : i32
      %swap3A_362 = arith.index_cast %add3A_361 : i32 to index
      %swap3A_363 = tpu.vector_load %arg19[%swap3A_362] {strides = array<i32>} : memref<10240xf32, #tpu.memory_space<vmem>>, vector<16xf32>,
      tpu.vector_store %arg19[%swap3A_362], %neg3A_359 {strides = array<i32>} : memref<10240xf32, #tpu.memory_space<vmem>>, vector<16xf32>,
      %neg3A_364 = arith.constant 0.000000e+00 : f32
      %neg3A_365 = vector.broadcast %neg3A_364 : f32 to vector<16xf32>
      %neg3A_366 = arith.subf %neg3A_365, %scan3A_249#16 : vector<16xf32>
      %add3A_367 = arith.constant 240 : i32
      %add3A_368 = arith.addi %mul3A_259, %add3A_367 : i32
      %swap3A_369 = arith.index_cast %add3A_368 : i32 to index
      %swap3A_370 = tpu.vector_load %arg19[%swap3A_369] {strides = array<i32>} : memref<10240xf32, #tpu.memory_space<vmem>>, vector<16xf32>,
      tpu.vector_store %arg19[%swap3A_369], %neg3A_366 {strides = array<i32>} : memref<10240xf32, #tpu.memory_space<vmem>>, vector<16xf32>,
      %neg3A_371 = arith.constant 0.000000e+00 : f32
      %neg3A_372 = vector.broadcast %neg3A_371 : f32 to vector<16xf32>
      %neg3A_373 = arith.subf %neg3A_372, %scan3A_249#17 : vector<16xf32>
      %add3A_374 = arith.constant 256 : i32
      %add3A_375 = arith.addi %mul3A_259, %add3A_374 : i32
      %swap3A_376 = arith.index_cast %add3A_375 : i32 to index
      %swap3A_377 = tpu.vector_load %arg19[%swap3A_376] {strides = array<i32>} : memref<10240xf32, #tpu.memory_space<vmem>>, vector<16xf32>,
      tpu.vector_store %arg19[%swap3A_376], %neg3A_373 {strides = array<i32>} : memref<10240xf32, #tpu.memory_space<vmem>>, vector<16xf32>,
      %neg3A_378 = arith.constant 0.000000e+00 : f32
      %neg3A_379 = vector.broadcast %neg3A_378 : f32 to vector<16xf32>
      %neg3A_380 = arith.subf %neg3A_379, %scan3A_249#18 : vector<16xf32>
      %add3A_381 = arith.constant 272 : i32
      %add3A_382 = arith.addi %mul3A_259, %add3A_381 : i32
      %swap3A_383 = arith.index_cast %add3A_382 : i32 to index
      %swap3A_384 = tpu.vector_load %arg19[%swap3A_383] {strides = array<i32>} : memref<10240xf32, #tpu.memory_space<vmem>>, vector<16xf32>,
      tpu.vector_store %arg19[%swap3A_383], %neg3A_380 {strides = array<i32>} : memref<10240xf32, #tpu.memory_space<vmem>>, vector<16xf32>,
      %neg3A_385 = arith.constant 0.000000e+00 : f32
      %neg3A_386 = vector.broadcast %neg3A_385 : f32 to vector<16xf32>
      %neg3A_387 = arith.subf %neg3A_386, %scan3A_249#19 : vector<16xf32>
      %add3A_388 = arith.constant 288 : i32
      %add3A_389 = arith.addi %mul3A_259, %add3A_388 : i32
      %swap3A_390 = arith.index_cast %add3A_389 : i32 to index
      %swap3A_391 = tpu.vector_load %arg19[%swap3A_390] {strides = array<i32>} : memref<10240xf32, #tpu.memory_space<vmem>>, vector<16xf32>,
      tpu.vector_store %arg19[%swap3A_390], %neg3A_387 {strides = array<i32>} : memref<10240xf32, #tpu.memory_space<vmem>>, vector<16xf32>,
      %neg3A_392 = arith.constant 0.000000e+00 : f32
      %neg3A_393 = vector.broadcast %neg3A_392 : f32 to vector<16xf32>
      %neg3A_394 = arith.subf %neg3A_393, %scan3A_249#20 : vector<16xf32>
      %add3A_395 = arith.constant 304 : i32
      %add3A_396 = arith.addi %mul3A_259, %add3A_395 : i32
      %swap3A_397 = arith.index_cast %add3A_396 : i32 to index
      %swap3A_398 = tpu.vector_load %arg19[%swap3A_397] {strides = array<i32>} : memref<10240xf32, #tpu.memory_space<vmem>>, vector<16xf32>,
      tpu.vector_store %arg19[%swap3A_397], %neg3A_394 {strides = array<i32>} : memref<10240xf32, #tpu.memory_space<vmem>>, vector<16xf32>,
      %add3A_399 = arith.constant 16 : i32
      %add3A_400 = vector.broadcast %add3A_399 : i32 to vector<16xi32>
      %add3A_401 = arith.addi %add3A_400, %iota3A : vector<16xi32>
      %mul3A_402 = arith.constant 20 : i32
      %mul3A_403 = vector.broadcast %mul3A_402 : i32 to vector<16xi32>
      %mul3A_404 = arith.muli %add3A_401, %mul3A_403 : vector<16xi32>
      %broadcast_in_dim3A_405 = arith.constant 0.000000e+00 : f32
      %broadcast_in_dim3A_406 = vector.broadcast %broadcast_in_dim3A_405 : f32 to vector<16xf32>
      %broadcast_in_dim3A_407 = arith.constant 0.000000e+00 : f32
      %broadcast_in_dim3A_408 = vector.broadcast %broadcast_in_dim3A_407 : f32 to vector<16xf32>
      %broadcast_in_dim3A_409 = arith.constant 0.000000e+00 : f32
      %broadcast_in_dim3A_410 = vector.broadcast %broadcast_in_dim3A_409 : f32 to vector<16xf32>
      %broadcast_in_dim3A_411 = arith.constant 0.000000e+00 : f32
      %broadcast_in_dim3A_412 = vector.broadcast %broadcast_in_dim3A_411 : f32 to vector<16xf32>
      %broadcast_in_dim3A_413 = arith.constant 0.000000e+00 : f32
      %broadcast_in_dim3A_414 = vector.broadcast %broadcast_in_dim3A_413 : f32 to vector<16xf32>
      %broadcast_in_dim3A_415 = arith.constant 0.000000e+00 : f32
      %broadcast_in_dim3A_416 = vector.broadcast %broadcast_in_dim3A_415 : f32 to vector<16xf32>
      %broadcast_in_dim3A_417 = arith.constant 0.000000e+00 : f32
      %broadcast_in_dim3A_418 = vector.broadcast %broadcast_in_dim3A_417 : f32 to vector<16xf32>
      %broadcast_in_dim3A_419 = arith.constant 0.000000e+00 : f32
      %broadcast_in_dim3A_420 = vector.broadcast %broadcast_in_dim3A_419 : f32 to vector<16xf32>
      %broadcast_in_dim3A_421 = arith.constant 0.000000e+00 : f32
      %broadcast_in_dim3A_422 = vector.broadcast %broadcast_in_dim3A_421 : f32 to vector<16xf32>
      %broadcast_in_dim3A_423 = arith.constant 0.000000e+00 : f32
      %broadcast_in_dim3A_424 = vector.broadcast %broadcast_in_dim3A_423 : f32 to vector<16xf32>
      %broadcast_in_dim3A_425 = arith.constant 0.000000e+00 : f32
      %broadcast_in_dim3A_426 = vector.broadcast %broadcast_in_dim3A_425 : f32 to vector<16xf32>
      %broadcast_in_dim3A_427 = arith.constant 0.000000e+00 : f32
      %broadcast_in_dim3A_428 = vector.broadcast %broadcast_in_dim3A_427 : f32 to vector<16xf32>
      %broadcast_in_dim3A_429 = arith.constant 0.000000e+00 : f32
      %broadcast_in_dim3A_430 = vector.broadcast %broadcast_in_dim3A_429 : f32 to vector<16xf32>
      %broadcast_in_dim3A_431 = arith.constant 0.000000e+00 : f32
      %broadcast_in_dim3A_432 = vector.broadcast %broadcast_in_dim3A_431 : f32 to vector<16xf32>
      %broadcast_in_dim3A_433 = arith.constant 0.000000e+00 : f32
      %broadcast_in_dim3A_434 = vector.broadcast %broadcast_in_dim3A_433 : f32 to vector<16xf32>
      %broadcast_in_dim3A_435 = arith.constant 0.000000e+00 : f32
      %broadcast_in_dim3A_436 = vector.broadcast %broadcast_in_dim3A_435 : f32 to vector<16xf32>
      %broadcast_in_dim3A_437 = arith.constant 0.000000e+00 : f32
      %broadcast_in_dim3A_438 = vector.broadcast %broadcast_in_dim3A_437 : f32 to vector<16xf32>
      %broadcast_in_dim3A_439 = arith.constant 0.000000e+00 : f32
      %broadcast_in_dim3A_440 = vector.broadcast %broadcast_in_dim3A_439 : f32 to vector<16xf32>
      %broadcast_in_dim3A_441 = arith.constant 0.000000e+00 : f32
      %broadcast_in_dim3A_442 = vector.broadcast %broadcast_in_dim3A_441 : f32 to vector<16xf32>
      %broadcast_in_dim3A_443 = arith.constant 0.000000e+00 : f32
      %broadcast_in_dim3A_444 = vector.broadcast %broadcast_in_dim3A_443 : f32 to vector<16xf32>
      %broadcast_in_dim3A_445 = arith.constant 0.000000e+00 : f32
      %broadcast_in_dim3A_446 = vector.broadcast %broadcast_in_dim3A_445 : f32 to vector<16xf32>
      %scan3A_447 = arith.constant 0 : i32
      %scan3A_448 = arith.constant 64 : i32
      %scan3A_449 = arith.addi %scan3A_447, %scan3A_448 : i32
      %scan3A_450 = arith.constant 1 : i32
      %scan3A_451:21 = scf.for %scan3A_1067 = %scan3A_447 to %scan3A_449 step %scan3A_450 iter_args(%scan3A_1068 = %broadcast_in_dim3A_406, %scan3A_1069 = %broadcast_in_dim3A_408, %scan3A_1070 = %broadcast_in_dim3A_410, %scan3A_1071 = %broadcast_in_dim3A_412, %scan3A_1072 = %broadcast_in_dim3A_414, %scan3A_1073 = %broadcast_in_dim3A_416, %scan3A_1074 = %broadcast_in_dim3A_418, %scan3A_1075 = %broadcast_in_dim3A_420, %scan3A_1076 = %broadcast_in_dim3A_422, %scan3A_1077 = %broadcast_in_dim3A_424, %scan3A_1078 = %broadcast_in_dim3A_426, %scan3A_1079 = %broadcast_in_dim3A_428, %scan3A_1080 = %broadcast_in_dim3A_430, %scan3A_1081 = %broadcast_in_dim3A_432, %scan3A_1082 = %broadcast_in_dim3A_434, %scan3A_1083 = %broadcast_in_dim3A_436, %scan3A_1084 = %broadcast_in_dim3A_438, %scan3A_1085 = %broadcast_in_dim3A_440, %scan3A_1086 = %broadcast_in_dim3A_442, %scan3A_1087 = %broadcast_in_dim3A_444, %scan3A_1088 = %broadcast_in_dim3A_446) -> (vector<16xf32>, vector<16xf32>, vector<16xf32>, vector<16xf32>, vector<16xf32>, vector<16xf32>, vector<16xf32>, vector<16xf32>, vector<16xf32>, vector<16xf32>, vector<16xf32>, vector<16xf32>, vector<16xf32>, vector<16xf32>, vector<16xf32>, vector<16xf32>, vector<16xf32>, vector<16xf32>, vector<16xf32>, vector<16xf32>, vector<16xf32>)  : i32 {
        %add3A_1089 = vector.broadcast %scan3A_1067 : i32 to vector<16xi32>
        %add3A_1090 = arith.addi %add3A_1089, %iota3A : vector<16xi32>
        %and3A = arith.constant 63 : i32
        %and3A_1091 = vector.broadcast %and3A : i32 to vector<16xi32>
        %and3A_1092 = arith.andi %add3A_1090, %and3A_1091 : vector<16xi32>
        %gather3A = tpu.vector_load_idx %arg13[%add3A_401, %and3A_1092] : memref<32x64xf32, #tpu.memory_space<vmem>>[vector<16xi32>, vector<16xi32>], vector<16xf32>,
        %gather3A_1093 = tpu.vector_load_idx %arg12[%add3A_401, %and3A_1092] : memref<32x64xf32, #tpu.memory_space<vmem>>[vector<16xi32>, vector<16xi32>], vector<16xf32>,
        %mul3A_1094 = arith.mulf %gather3A, %gather3A_1093 : vector<16xf32>
        %add3A_1095 = arith.addf %scan3A_1068, %mul3A_1094 : vector<16xf32>
        %add3A_1096 = arith.constant 0 : i32
        %add3A_1097 = vector.broadcast %add3A_1096 : i32 to vector<16xi32>
        %add3A_1098 = arith.addi %mul3A_404, %add3A_1097 : vector<16xi32>
        %gather3A_1099 = tpu.vector_load_idx %arg14[%add3A_1098, %and3A_1092] : memref<640x64xf32, #tpu.memory_space<vmem>>[vector<16xi32>, vector<16xi32>], vector<16xf32>,
        %mul3A_1100 = arith.mulf %gather3A_1099, %gather3A : vector<16xf32>
        %add3A_1101 = arith.addf %scan3A_1069, %mul3A_1100 : vector<16xf32>
        %add3A_1102 = arith.constant 1 : i32
        %add3A_1103 = vector.broadcast %add3A_1102 : i32 to vector<16xi32>
        %add3A_1104 = arith.addi %mul3A_404, %add3A_1103 : vector<16xi32>
        %gather3A_1105 = tpu.vector_load_idx %arg14[%add3A_1104, %and3A_1092] : memref<640x64xf32, #tpu.memory_space<vmem>>[vector<16xi32>, vector<16xi32>], vector<16xf32>,
        %mul3A_1106 = arith.mulf %gather3A_1105, %gather3A : vector<16xf32>
        %add3A_1107 = arith.addf %scan3A_1070, %mul3A_1106 : vector<16xf32>
        %add3A_1108 = arith.constant 2 : i32
        %add3A_1109 = vector.broadcast %add3A_1108 : i32 to vector<16xi32>
        %add3A_1110 = arith.addi %mul3A_404, %add3A_1109 : vector<16xi32>
        %gather3A_1111 = tpu.vector_load_idx %arg14[%add3A_1110, %and3A_1092] : memref<640x64xf32, #tpu.memory_space<vmem>>[vector<16xi32>, vector<16xi32>], vector<16xf32>,
        %mul3A_1112 = arith.mulf %gather3A_1111, %gather3A : vector<16xf32>
        %add3A_1113 = arith.addf %scan3A_1071, %mul3A_1112 : vector<16xf32>
        %add3A_1114 = arith.constant 3 : i32
        %add3A_1115 = vector.broadcast %add3A_1114 : i32 to vector<16xi32>
        %add3A_1116 = arith.addi %mul3A_404, %add3A_1115 : vector<16xi32>
        %gather3A_1117 = tpu.vector_load_idx %arg14[%add3A_1116, %and3A_1092] : memref<640x64xf32, #tpu.memory_space<vmem>>[vector<16xi32>, vector<16xi32>], vector<16xf32>,
        %mul3A_1118 = arith.mulf %gather3A_1117, %gather3A : vector<16xf32>
        %add3A_1119 = arith.addf %scan3A_1072, %mul3A_1118 : vector<16xf32>
        %add3A_1120 = arith.constant 4 : i32
        %add3A_1121 = vector.broadcast %add3A_1120 : i32 to vector<16xi32>
        %add3A_1122 = arith.addi %mul3A_404, %add3A_1121 : vector<16xi32>
        %gather3A_1123 = tpu.vector_load_idx %arg14[%add3A_1122, %and3A_1092] : memref<640x64xf32, #tpu.memory_space<vmem>>[vector<16xi32>, vector<16xi32>], vector<16xf32>,
        %mul3A_1124 = arith.mulf %gather3A_1123, %gather3A : vector<16xf32>
        %add3A_1125 = arith.addf %scan3A_1073, %mul3A_1124 : vector<16xf32>
        %add3A_1126 = arith.constant 5 : i32
        %add3A_1127 = vector.broadcast %add3A_1126 : i32 to vector<16xi32>
        %add3A_1128 = arith.addi %mul3A_404, %add3A_1127 : vector<16xi32>
        %gather3A_1129 = tpu.vector_load_idx %arg14[%add3A_1128, %and3A_1092] : memref<640x64xf32, #tpu.memory_space<vmem>>[vector<16xi32>, vector<16xi32>], vector<16xf32>,
        %mul3A_1130 = arith.mulf %gather3A_1129, %gather3A : vector<16xf32>
        %add3A_1131 = arith.addf %scan3A_1074, %mul3A_1130 : vector<16xf32>
        %add3A_1132 = arith.constant 6 : i32
        %add3A_1133 = vector.broadcast %add3A_1132 : i32 to vector<16xi32>
        %add3A_1134 = arith.addi %mul3A_404, %add3A_1133 : vector<16xi32>
        %gather3A_1135 = tpu.vector_load_idx %arg14[%add3A_1134, %and3A_1092] : memref<640x64xf32, #tpu.memory_space<vmem>>[vector<16xi32>, vector<16xi32>], vector<16xf32>,
        %mul3A_1136 = arith.mulf %gather3A_1135, %gather3A : vector<16xf32>
        %add3A_1137 = arith.addf %scan3A_1075, %mul3A_1136 : vector<16xf32>
        %add3A_1138 = arith.constant 7 : i32
        %add3A_1139 = vector.broadcast %add3A_1138 : i32 to vector<16xi32>
        %add3A_1140 = arith.addi %mul3A_404, %add3A_1139 : vector<16xi32>
        %gather3A_1141 = tpu.vector_load_idx %arg14[%add3A_1140, %and3A_1092] : memref<640x64xf32, #tpu.memory_space<vmem>>[vector<16xi32>, vector<16xi32>], vector<16xf32>,
        %mul3A_1142 = arith.mulf %gather3A_1141, %gather3A : vector<16xf32>
        %add3A_1143 = arith.addf %scan3A_1076, %mul3A_1142 : vector<16xf32>
        %add3A_1144 = arith.constant 8 : i32
        %add3A_1145 = vector.broadcast %add3A_1144 : i32 to vector<16xi32>
        %add3A_1146 = arith.addi %mul3A_404, %add3A_1145 : vector<16xi32>
        %gather3A_1147 = tpu.vector_load_idx %arg14[%add3A_1146, %and3A_1092] : memref<640x64xf32, #tpu.memory_space<vmem>>[vector<16xi32>, vector<16xi32>], vector<16xf32>,
        %mul3A_1148 = arith.mulf %gather3A_1147, %gather3A : vector<16xf32>
        %add3A_1149 = arith.addf %scan3A_1077, %mul3A_1148 : vector<16xf32>
        %add3A_1150 = arith.constant 9 : i32
        %add3A_1151 = vector.broadcast %add3A_1150 : i32 to vector<16xi32>
        %add3A_1152 = arith.addi %mul3A_404, %add3A_1151 : vector<16xi32>
        %gather3A_1153 = tpu.vector_load_idx %arg14[%add3A_1152, %and3A_1092] : memref<640x64xf32, #tpu.memory_space<vmem>>[vector<16xi32>, vector<16xi32>], vector<16xf32>,
        %mul3A_1154 = arith.mulf %gather3A_1153, %gather3A : vector<16xf32>
        %add3A_1155 = arith.addf %scan3A_1078, %mul3A_1154 : vector<16xf32>
        %add3A_1156 = arith.constant 10 : i32
        %add3A_1157 = vector.broadcast %add3A_1156 : i32 to vector<16xi32>
        %add3A_1158 = arith.addi %mul3A_404, %add3A_1157 : vector<16xi32>
        %gather3A_1159 = tpu.vector_load_idx %arg14[%add3A_1158, %and3A_1092] : memref<640x64xf32, #tpu.memory_space<vmem>>[vector<16xi32>, vector<16xi32>], vector<16xf32>,
        %mul3A_1160 = arith.mulf %gather3A_1159, %gather3A : vector<16xf32>
        %add3A_1161 = arith.addf %scan3A_1079, %mul3A_1160 : vector<16xf32>
        %add3A_1162 = arith.constant 11 : i32
        %add3A_1163 = vector.broadcast %add3A_1162 : i32 to vector<16xi32>
        %add3A_1164 = arith.addi %mul3A_404, %add3A_1163 : vector<16xi32>
        %gather3A_1165 = tpu.vector_load_idx %arg14[%add3A_1164, %and3A_1092] : memref<640x64xf32, #tpu.memory_space<vmem>>[vector<16xi32>, vector<16xi32>], vector<16xf32>,
        %mul3A_1166 = arith.mulf %gather3A_1165, %gather3A : vector<16xf32>
        %add3A_1167 = arith.addf %scan3A_1080, %mul3A_1166 : vector<16xf32>
        %add3A_1168 = arith.constant 12 : i32
        %add3A_1169 = vector.broadcast %add3A_1168 : i32 to vector<16xi32>
        %add3A_1170 = arith.addi %mul3A_404, %add3A_1169 : vector<16xi32>
        %gather3A_1171 = tpu.vector_load_idx %arg14[%add3A_1170, %and3A_1092] : memref<640x64xf32, #tpu.memory_space<vmem>>[vector<16xi32>, vector<16xi32>], vector<16xf32>,
        %mul3A_1172 = arith.mulf %gather3A_1171, %gather3A : vector<16xf32>
        %add3A_1173 = arith.addf %scan3A_1081, %mul3A_1172 : vector<16xf32>
        %add3A_1174 = arith.constant 13 : i32
        %add3A_1175 = vector.broadcast %add3A_1174 : i32 to vector<16xi32>
        %add3A_1176 = arith.addi %mul3A_404, %add3A_1175 : vector<16xi32>
        %gather3A_1177 = tpu.vector_load_idx %arg14[%add3A_1176, %and3A_1092] : memref<640x64xf32, #tpu.memory_space<vmem>>[vector<16xi32>, vector<16xi32>], vector<16xf32>,
        %mul3A_1178 = arith.mulf %gather3A_1177, %gather3A : vector<16xf32>
        %add3A_1179 = arith.addf %scan3A_1082, %mul3A_1178 : vector<16xf32>
        %add3A_1180 = arith.constant 14 : i32
        %add3A_1181 = vector.broadcast %add3A_1180 : i32 to vector<16xi32>
        %add3A_1182 = arith.addi %mul3A_404, %add3A_1181 : vector<16xi32>
        %gather3A_1183 = tpu.vector_load_idx %arg14[%add3A_1182, %and3A_1092] : memref<640x64xf32, #tpu.memory_space<vmem>>[vector<16xi32>, vector<16xi32>], vector<16xf32>,
        %mul3A_1184 = arith.mulf %gather3A_1183, %gather3A : vector<16xf32>
        %add3A_1185 = arith.addf %scan3A_1083, %mul3A_1184 : vector<16xf32>
        %add3A_1186 = arith.constant 15 : i32
        %add3A_1187 = vector.broadcast %add3A_1186 : i32 to vector<16xi32>
        %add3A_1188 = arith.addi %mul3A_404, %add3A_1187 : vector<16xi32>
        %gather3A_1189 = tpu.vector_load_idx %arg14[%add3A_1188, %and3A_1092] : memref<640x64xf32, #tpu.memory_space<vmem>>[vector<16xi32>, vector<16xi32>], vector<16xf32>,
        %mul3A_1190 = arith.mulf %gather3A_1189, %gather3A : vector<16xf32>
        %add3A_1191 = arith.addf %scan3A_1084, %mul3A_1190 : vector<16xf32>
        %add3A_1192 = arith.constant 16 : i32
        %add3A_1193 = vector.broadcast %add3A_1192 : i32 to vector<16xi32>
        %add3A_1194 = arith.addi %mul3A_404, %add3A_1193 : vector<16xi32>
        %gather3A_1195 = tpu.vector_load_idx %arg14[%add3A_1194, %and3A_1092] : memref<640x64xf32, #tpu.memory_space<vmem>>[vector<16xi32>, vector<16xi32>], vector<16xf32>,
        %mul3A_1196 = arith.mulf %gather3A_1195, %gather3A : vector<16xf32>
        %add3A_1197 = arith.addf %scan3A_1085, %mul3A_1196 : vector<16xf32>
        %add3A_1198 = arith.constant 17 : i32
        %add3A_1199 = vector.broadcast %add3A_1198 : i32 to vector<16xi32>
        %add3A_1200 = arith.addi %mul3A_404, %add3A_1199 : vector<16xi32>
        %gather3A_1201 = tpu.vector_load_idx %arg14[%add3A_1200, %and3A_1092] : memref<640x64xf32, #tpu.memory_space<vmem>>[vector<16xi32>, vector<16xi32>], vector<16xf32>,
        %mul3A_1202 = arith.mulf %gather3A_1201, %gather3A : vector<16xf32>
        %add3A_1203 = arith.addf %scan3A_1086, %mul3A_1202 : vector<16xf32>
        %add3A_1204 = arith.constant 18 : i32
        %add3A_1205 = vector.broadcast %add3A_1204 : i32 to vector<16xi32>
        %add3A_1206 = arith.addi %mul3A_404, %add3A_1205 : vector<16xi32>
        %gather3A_1207 = tpu.vector_load_idx %arg14[%add3A_1206, %and3A_1092] : memref<640x64xf32, #tpu.memory_space<vmem>>[vector<16xi32>, vector<16xi32>], vector<16xf32>,
        %mul3A_1208 = arith.mulf %gather3A_1207, %gather3A : vector<16xf32>
        %add3A_1209 = arith.addf %scan3A_1087, %mul3A_1208 : vector<16xf32>
        %add3A_1210 = arith.constant 19 : i32
        %add3A_1211 = vector.broadcast %add3A_1210 : i32 to vector<16xi32>
        %add3A_1212 = arith.addi %mul3A_404, %add3A_1211 : vector<16xi32>
        %gather3A_1213 = tpu.vector_load_idx %arg14[%add3A_1212, %and3A_1092] : memref<640x64xf32, #tpu.memory_space<vmem>>[vector<16xi32>, vector<16xi32>], vector<16xf32>,
        %mul3A_1214 = arith.mulf %gather3A_1213, %gather3A : vector<16xf32>
        %add3A_1215 = arith.addf %scan3A_1088, %mul3A_1214 : vector<16xf32>
        scf.yield %add3A_1095, %add3A_1101, %add3A_1107, %add3A_1113, %add3A_1119, %add3A_1125, %add3A_1131, %add3A_1137, %add3A_1143, %add3A_1149, %add3A_1155, %add3A_1161, %add3A_1167, %add3A_1173, %add3A_1179, %add3A_1185, %add3A_1191, %add3A_1197, %add3A_1203, %add3A_1209, %add3A_1215 : vector<16xf32>, vector<16xf32>, vector<16xf32>, vector<16xf32>, vector<16xf32>, vector<16xf32>, vector<16xf32>, vector<16xf32>, vector<16xf32>, vector<16xf32>, vector<16xf32>, vector<16xf32>, vector<16xf32>, vector<16xf32>, vector<16xf32>, vector<16xf32>, vector<16xf32>, vector<16xf32>, vector<16xf32>, vector<16xf32>, vector<16xf32>
      }
      %scan3A_452 = arith.constant 64 : i32
      %add3A_453 = arith.constant 16 : i32
      %add3A_454 = arith.addi %mul3A_197, %add3A_453 : i32
      %swap3A_455 = arith.index_cast %add3A_454 : i32 to index
      %swap3A_456 = tpu.vector_load %arg18[%swap3A_455] {strides = array<i32>} : memref<512xf32, #tpu.memory_space<vmem>>, vector<16xf32>,
      tpu.vector_store %arg18[%swap3A_455], %scan3A_451#0 {strides = array<i32>} : memref<512xf32, #tpu.memory_space<vmem>>, vector<16xf32>,
      %mul3A_457 = arith.constant 2 : i32
      %mul3A_458 = arith.muli %mul3A_79, %mul3A_457 : i32
      %add3A_459 = arith.constant 1 : i32
      %add3A_460 = arith.addi %mul3A_458, %add3A_459 : i32
      %mul3A_461 = arith.constant 320 : i32
      %mul3A_462 = arith.muli %add3A_460, %mul3A_461 : i32
      %neg3A_463 = arith.constant 0.000000e+00 : f32
      %neg3A_464 = vector.broadcast %neg3A_463 : f32 to vector<16xf32>
      %neg3A_465 = arith.subf %neg3A_464, %scan3A_451#1 : vector<16xf32>
      %add3A_466 = arith.constant 0 : i32
      %add3A_467 = arith.addi %mul3A_462, %add3A_466 : i32
      %swap3A_468 = arith.index_cast %add3A_467 : i32 to index
      %swap3A_469 = tpu.vector_load %arg19[%swap3A_468] {strides = array<i32>} : memref<10240xf32, #tpu.memory_space<vmem>>, vector<16xf32>,
      tpu.vector_store %arg19[%swap3A_468], %neg3A_465 {strides = array<i32>} : memref<10240xf32, #tpu.memory_space<vmem>>, vector<16xf32>,
      %neg3A_470 = arith.constant 0.000000e+00 : f32
      %neg3A_471 = vector.broadcast %neg3A_470 : f32 to vector<16xf32>
      %neg3A_472 = arith.subf %neg3A_471, %scan3A_451#2 : vector<16xf32>
      %add3A_473 = arith.constant 16 : i32
      %add3A_474 = arith.addi %mul3A_462, %add3A_473 : i32
      %swap3A_475 = arith.index_cast %add3A_474 : i32 to index
      %swap3A_476 = tpu.vector_load %arg19[%swap3A_475] {strides = array<i32>} : memref<10240xf32, #tpu.memory_space<vmem>>, vector<16xf32>,
      tpu.vector_store %arg19[%swap3A_475], %neg3A_472 {strides = array<i32>} : memref<10240xf32, #tpu.memory_space<vmem>>, vector<16xf32>,
      %neg3A_477 = arith.constant 0.000000e+00 : f32
      %neg3A_478 = vector.broadcast %neg3A_477 : f32 to vector<16xf32>
      %neg3A_479 = arith.subf %neg3A_478, %scan3A_451#3 : vector<16xf32>
      %add3A_480 = arith.constant 32 : i32
      %add3A_481 = arith.addi %mul3A_462, %add3A_480 : i32
      %swap3A_482 = arith.index_cast %add3A_481 : i32 to index
      %swap3A_483 = tpu.vector_load %arg19[%swap3A_482] {strides = array<i32>} : memref<10240xf32, #tpu.memory_space<vmem>>, vector<16xf32>,
      tpu.vector_store %arg19[%swap3A_482], %neg3A_479 {strides = array<i32>} : memref<10240xf32, #tpu.memory_space<vmem>>, vector<16xf32>,
      %neg3A_484 = arith.constant 0.000000e+00 : f32
      %neg3A_485 = vector.broadcast %neg3A_484 : f32 to vector<16xf32>
      %neg3A_486 = arith.subf %neg3A_485, %scan3A_451#4 : vector<16xf32>
      %add3A_487 = arith.constant 48 : i32
      %add3A_488 = arith.addi %mul3A_462, %add3A_487 : i32
      %swap3A_489 = arith.index_cast %add3A_488 : i32 to index
      %swap3A_490 = tpu.vector_load %arg19[%swap3A_489] {strides = array<i32>} : memref<10240xf32, #tpu.memory_space<vmem>>, vector<16xf32>,
      tpu.vector_store %arg19[%swap3A_489], %neg3A_486 {strides = array<i32>} : memref<10240xf32, #tpu.memory_space<vmem>>, vector<16xf32>,
      %neg3A_491 = arith.constant 0.000000e+00 : f32
      %neg3A_492 = vector.broadcast %neg3A_491 : f32 to vector<16xf32>
      %neg3A_493 = arith.subf %neg3A_492, %scan3A_451#5 : vector<16xf32>
      %add3A_494 = arith.constant 64 : i32
      %add3A_495 = arith.addi %mul3A_462, %add3A_494 : i32
      %swap3A_496 = arith.index_cast %add3A_495 : i32 to index
      %swap3A_497 = tpu.vector_load %arg19[%swap3A_496] {strides = array<i32>} : memref<10240xf32, #tpu.memory_space<vmem>>, vector<16xf32>,
      tpu.vector_store %arg19[%swap3A_496], %neg3A_493 {strides = array<i32>} : memref<10240xf32, #tpu.memory_space<vmem>>, vector<16xf32>,
      %neg3A_498 = arith.constant 0.000000e+00 : f32
      %neg3A_499 = vector.broadcast %neg3A_498 : f32 to vector<16xf32>
      %neg3A_500 = arith.subf %neg3A_499, %scan3A_451#6 : vector<16xf32>
      %add3A_501 = arith.constant 80 : i32
      %add3A_502 = arith.addi %mul3A_462, %add3A_501 : i32
      %swap3A_503 = arith.index_cast %add3A_502 : i32 to index
      %swap3A_504 = tpu.vector_load %arg19[%swap3A_503] {strides = array<i32>} : memref<10240xf32, #tpu.memory_space<vmem>>, vector<16xf32>,
      tpu.vector_store %arg19[%swap3A_503], %neg3A_500 {strides = array<i32>} : memref<10240xf32, #tpu.memory_space<vmem>>, vector<16xf32>,
      %neg3A_505 = arith.constant 0.000000e+00 : f32
      %neg3A_506 = vector.broadcast %neg3A_505 : f32 to vector<16xf32>
      %neg3A_507 = arith.subf %neg3A_506, %scan3A_451#7 : vector<16xf32>
      %add3A_508 = arith.constant 96 : i32
      %add3A_509 = arith.addi %mul3A_462, %add3A_508 : i32
      %swap3A_510 = arith.index_cast %add3A_509 : i32 to index
      %swap3A_511 = tpu.vector_load %arg19[%swap3A_510] {strides = array<i32>} : memref<10240xf32, #tpu.memory_space<vmem>>, vector<16xf32>,
      tpu.vector_store %arg19[%swap3A_510], %neg3A_507 {strides = array<i32>} : memref<10240xf32, #tpu.memory_space<vmem>>, vector<16xf32>,
      %neg3A_512 = arith.constant 0.000000e+00 : f32
      %neg3A_513 = vector.broadcast %neg3A_512 : f32 to vector<16xf32>
      %neg3A_514 = arith.subf %neg3A_513, %scan3A_451#8 : vector<16xf32>
      %add3A_515 = arith.constant 112 : i32
      %add3A_516 = arith.addi %mul3A_462, %add3A_515 : i32
      %swap3A_517 = arith.index_cast %add3A_516 : i32 to index
      %swap3A_518 = tpu.vector_load %arg19[%swap3A_517] {strides = array<i32>} : memref<10240xf32, #tpu.memory_space<vmem>>, vector<16xf32>,
      tpu.vector_store %arg19[%swap3A_517], %neg3A_514 {strides = array<i32>} : memref<10240xf32, #tpu.memory_space<vmem>>, vector<16xf32>,
      %neg3A_519 = arith.constant 0.000000e+00 : f32
      %neg3A_520 = vector.broadcast %neg3A_519 : f32 to vector<16xf32>
      %neg3A_521 = arith.subf %neg3A_520, %scan3A_451#9 : vector<16xf32>
      %add3A_522 = arith.constant 128 : i32
      %add3A_523 = arith.addi %mul3A_462, %add3A_522 : i32
      %swap3A_524 = arith.index_cast %add3A_523 : i32 to index
      %swap3A_525 = tpu.vector_load %arg19[%swap3A_524] {strides = array<i32>} : memref<10240xf32, #tpu.memory_space<vmem>>, vector<16xf32>,
      tpu.vector_store %arg19[%swap3A_524], %neg3A_521 {strides = array<i32>} : memref<10240xf32, #tpu.memory_space<vmem>>, vector<16xf32>,
      %neg3A_526 = arith.constant 0.000000e+00 : f32
      %neg3A_527 = vector.broadcast %neg3A_526 : f32 to vector<16xf32>
      %neg3A_528 = arith.subf %neg3A_527, %scan3A_451#10 : vector<16xf32>
      %add3A_529 = arith.constant 144 : i32
      %add3A_530 = arith.addi %mul3A_462, %add3A_529 : i32
      %swap3A_531 = arith.index_cast %add3A_530 : i32 to index
      %swap3A_532 = tpu.vector_load %arg19[%swap3A_531] {strides = array<i32>} : memref<10240xf32, #tpu.memory_space<vmem>>, vector<16xf32>,
      tpu.vector_store %arg19[%swap3A_531], %neg3A_528 {strides = array<i32>} : memref<10240xf32, #tpu.memory_space<vmem>>, vector<16xf32>,
      %neg3A_533 = arith.constant 0.000000e+00 : f32
      %neg3A_534 = vector.broadcast %neg3A_533 : f32 to vector<16xf32>
      %neg3A_535 = arith.subf %neg3A_534, %scan3A_451#11 : vector<16xf32>
      %add3A_536 = arith.constant 160 : i32
      %add3A_537 = arith.addi %mul3A_462, %add3A_536 : i32
      %swap3A_538 = arith.index_cast %add3A_537 : i32 to index
      %swap3A_539 = tpu.vector_load %arg19[%swap3A_538] {strides = array<i32>} : memref<10240xf32, #tpu.memory_space<vmem>>, vector<16xf32>,
      tpu.vector_store %arg19[%swap3A_538], %neg3A_535 {strides = array<i32>} : memref<10240xf32, #tpu.memory_space<vmem>>, vector<16xf32>,
      %neg3A_540 = arith.constant 0.000000e+00 : f32
      %neg3A_541 = vector.broadcast %neg3A_540 : f32 to vector<16xf32>
      %neg3A_542 = arith.subf %neg3A_541, %scan3A_451#12 : vector<16xf32>
      %add3A_543 = arith.constant 176 : i32
      %add3A_544 = arith.addi %mul3A_462, %add3A_543 : i32
      %swap3A_545 = arith.index_cast %add3A_544 : i32 to index
      %swap3A_546 = tpu.vector_load %arg19[%swap3A_545] {strides = array<i32>} : memref<10240xf32, #tpu.memory_space<vmem>>, vector<16xf32>,
      tpu.vector_store %arg19[%swap3A_545], %neg3A_542 {strides = array<i32>} : memref<10240xf32, #tpu.memory_space<vmem>>, vector<16xf32>,
      %neg3A_547 = arith.constant 0.000000e+00 : f32
      %neg3A_548 = vector.broadcast %neg3A_547 : f32 to vector<16xf32>
      %neg3A_549 = arith.subf %neg3A_548, %scan3A_451#13 : vector<16xf32>
      %add3A_550 = arith.constant 192 : i32
      %add3A_551 = arith.addi %mul3A_462, %add3A_550 : i32
      %swap3A_552 = arith.index_cast %add3A_551 : i32 to index
      %swap3A_553 = tpu.vector_load %arg19[%swap3A_552] {strides = array<i32>} : memref<10240xf32, #tpu.memory_space<vmem>>, vector<16xf32>,
      tpu.vector_store %arg19[%swap3A_552], %neg3A_549 {strides = array<i32>} : memref<10240xf32, #tpu.memory_space<vmem>>, vector<16xf32>,
      %neg3A_554 = arith.constant 0.000000e+00 : f32
      %neg3A_555 = vector.broadcast %neg3A_554 : f32 to vector<16xf32>
      %neg3A_556 = arith.subf %neg3A_555, %scan3A_451#14 : vector<16xf32>
      %add3A_557 = arith.constant 208 : i32
      %add3A_558 = arith.addi %mul3A_462, %add3A_557 : i32
      %swap3A_559 = arith.index_cast %add3A_558 : i32 to index
      %swap3A_560 = tpu.vector_load %arg19[%swap3A_559] {strides = array<i32>} : memref<10240xf32, #tpu.memory_space<vmem>>, vector<16xf32>,
      tpu.vector_store %arg19[%swap3A_559], %neg3A_556 {strides = array<i32>} : memref<10240xf32, #tpu.memory_space<vmem>>, vector<16xf32>,
      %neg3A_561 = arith.constant 0.000000e+00 : f32
      %neg3A_562 = vector.broadcast %neg3A_561 : f32 to vector<16xf32>
      %neg3A_563 = arith.subf %neg3A_562, %scan3A_451#15 : vector<16xf32>
      %add3A_564 = arith.constant 224 : i32
      %add3A_565 = arith.addi %mul3A_462, %add3A_564 : i32
      %swap3A_566 = arith.index_cast %add3A_565 : i32 to index
      %swap3A_567 = tpu.vector_load %arg19[%swap3A_566] {strides = array<i32>} : memref<10240xf32, #tpu.memory_space<vmem>>, vector<16xf32>,
      tpu.vector_store %arg19[%swap3A_566], %neg3A_563 {strides = array<i32>} : memref<10240xf32, #tpu.memory_space<vmem>>, vector<16xf32>,
      %neg3A_568 = arith.constant 0.000000e+00 : f32
      %neg3A_569 = vector.broadcast %neg3A_568 : f32 to vector<16xf32>
      %neg3A_570 = arith.subf %neg3A_569, %scan3A_451#16 : vector<16xf32>
      %add3A_571 = arith.constant 240 : i32
      %add3A_572 = arith.addi %mul3A_462, %add3A_571 : i32
      %swap3A_573 = arith.index_cast %add3A_572 : i32 to index
      %swap3A_574 = tpu.vector_load %arg19[%swap3A_573] {strides = array<i32>} : memref<10240xf32, #tpu.memory_space<vmem>>, vector<16xf32>,
      tpu.vector_store %arg19[%swap3A_573], %neg3A_570 {strides = array<i32>} : memref<10240xf32, #tpu.memory_space<vmem>>, vector<16xf32>,
      %neg3A_575 = arith.constant 0.000000e+00 : f32
      %neg3A_576 = vector.broadcast %neg3A_575 : f32 to vector<16xf32>
      %neg3A_577 = arith.subf %neg3A_576, %scan3A_451#17 : vector<16xf32>
      %add3A_578 = arith.constant 256 : i32
      %add3A_579 = arith.addi %mul3A_462, %add3A_578 : i32
      %swap3A_580 = arith.index_cast %add3A_579 : i32 to index
      %swap3A_581 = tpu.vector_load %arg19[%swap3A_580] {strides = array<i32>} : memref<10240xf32, #tpu.memory_space<vmem>>, vector<16xf32>,
      tpu.vector_store %arg19[%swap3A_580], %neg3A_577 {strides = array<i32>} : memref<10240xf32, #tpu.memory_space<vmem>>, vector<16xf32>,
      %neg3A_582 = arith.constant 0.000000e+00 : f32
      %neg3A_583 = vector.broadcast %neg3A_582 : f32 to vector<16xf32>
      %neg3A_584 = arith.subf %neg3A_583, %scan3A_451#18 : vector<16xf32>
      %add3A_585 = arith.constant 272 : i32
      %add3A_586 = arith.addi %mul3A_462, %add3A_585 : i32
      %swap3A_587 = arith.index_cast %add3A_586 : i32 to index
      %swap3A_588 = tpu.vector_load %arg19[%swap3A_587] {strides = array<i32>} : memref<10240xf32, #tpu.memory_space<vmem>>, vector<16xf32>,
      tpu.vector_store %arg19[%swap3A_587], %neg3A_584 {strides = array<i32>} : memref<10240xf32, #tpu.memory_space<vmem>>, vector<16xf32>,
      %neg3A_589 = arith.constant 0.000000e+00 : f32
      %neg3A_590 = vector.broadcast %neg3A_589 : f32 to vector<16xf32>
      %neg3A_591 = arith.subf %neg3A_590, %scan3A_451#19 : vector<16xf32>
      %add3A_592 = arith.constant 288 : i32
      %add3A_593 = arith.addi %mul3A_462, %add3A_592 : i32
      %swap3A_594 = arith.index_cast %add3A_593 : i32 to index
      %swap3A_595 = tpu.vector_load %arg19[%swap3A_594] {strides = array<i32>} : memref<10240xf32, #tpu.memory_space<vmem>>, vector<16xf32>,
      tpu.vector_store %arg19[%swap3A_594], %neg3A_591 {strides = array<i32>} : memref<10240xf32, #tpu.memory_space<vmem>>, vector<16xf32>,
      %neg3A_596 = arith.constant 0.000000e+00 : f32
      %neg3A_597 = vector.broadcast %neg3A_596 : f32 to vector<16xf32>
      %neg3A_598 = arith.subf %neg3A_597, %scan3A_451#20 : vector<16xf32>
      %add3A_599 = arith.constant 304 : i32
      %add3A_600 = arith.addi %mul3A_462, %add3A_599 : i32
      %swap3A_601 = arith.index_cast %add3A_600 : i32 to index
      %swap3A_602 = tpu.vector_load %arg19[%swap3A_601] {strides = array<i32>} : memref<10240xf32, #tpu.memory_space<vmem>>, vector<16xf32>,
      tpu.vector_store %arg19[%swap3A_601], %neg3A_598 {strides = array<i32>} : memref<10240xf32, #tpu.memory_space<vmem>>, vector<16xf32>,
      %lt3A = arith.constant 7 : i32
      %lt3A_603 = arith.cmpi slt, %scan3A_77, %lt3A : i32
      %convert_element_type3A = arith.extui %lt3A_603 : i1 to i32
      %cond3A = arith.constant 0 : i32
      %cond3A_604 = arith.cmpi ne, %convert_element_type3A, %cond3A : i32
      scf.if %cond3A_604 {
        %add3A_1067 = arith.constant 2 : i32
        %add3A_1068 = arith.addi %mul3A_79, %add3A_1067 : i32
        %mul3A_1069 = arith.constant 32 : i32
        %mul3A_1070 = arith.muli %add3A_1068, %mul3A_1069 : i32
        %dma_start3A_1071 = tpu.memref_slice %arg9[%mul3A_1070] : memref<512xi32, #tpu.memory_space<vmem>> -> memref<32xi32, #tpu.memory_space<vmem>>
        %dma_start3A_1072 = arith.constant 0 : i32
        %dma_start3A_1073 = arith.constant 0 : i32
        %dma_start3A_1074 = tpu.memref_slice %arg5[%dma_start3A_1072, %dma_start3A_1073] : memref<1015808x64xf32, #tpu.memory_space<hbm>> -> memref<1015808x64xf32, #tpu.memory_space<hbm>>
        tpu.enqueue_indirect_dma source(%dma_start3A_1074 : memref<1015808x64xf32, #tpu.memory_space<hbm>>) target(%arg12 : memref<32x64xf32, #tpu.memory_space<vmem>>) offsets(%dma_start3A_1071 : memref<32xi32, #tpu.memory_space<vmem>>) semaphore(%arg20 : memref<!tpu.dma_semaphore, #tpu.memory_space<semaphore_mem>>)
        %dma_start3A_1075 = tpu.memref_slice %arg10[%mul3A_1070] : memref<512xi32, #tpu.memory_space<vmem>> -> memref<32xi32, #tpu.memory_space<vmem>>
        %dma_start3A_1076 = arith.constant 0 : i32
        %dma_start3A_1077 = arith.constant 0 : i32
        %dma_start3A_1078 = tpu.memref_slice %arg6[%dma_start3A_1076, %dma_start3A_1077] : memref<1015808x64xf32, #tpu.memory_space<hbm>> -> memref<1015808x64xf32, #tpu.memory_space<hbm>>
        tpu.enqueue_indirect_dma source(%dma_start3A_1078 : memref<1015808x64xf32, #tpu.memory_space<hbm>>) target(%arg13 : memref<32x64xf32, #tpu.memory_space<vmem>>) offsets(%dma_start3A_1075 : memref<32xi32, #tpu.memory_space<vmem>>) semaphore(%arg20 : memref<!tpu.dma_semaphore, #tpu.memory_space<semaphore_mem>>)
        %mul3A_1079 = arith.constant 640 : i32
        %mul3A_1080 = arith.muli %add3A_1068, %mul3A_1079 : i32
        %add3A_1081 = arith.constant 0 : i32
        %add3A_1082 = arith.addi %mul3A_1080, %add3A_1081 : i32
        %dma_start3A_1083 = arith.constant 0 : i32
        %dma_start3A_1084 = arith.constant 0 : i32
        %dma_start3A_1085 = tpu.memref_slice %arg14[%dma_start3A_1083, %dma_start3A_1084] : memref<640x64xf32, #tpu.memory_space<vmem>> -> memref<128x64xf32, #tpu.memory_space<vmem>>
        %dma_start3A_1086 = tpu.memref_slice %arg11[%add3A_1082] : memref<10240xi32, #tpu.memory_space<vmem>> -> memref<128xi32, #tpu.memory_space<vmem>>
        %dma_start3A_1087 = arith.constant 0 : i32
        %dma_start3A_1088 = arith.constant 0 : i32
        %dma_start3A_1089 = tpu.memref_slice %arg5[%dma_start3A_1087, %dma_start3A_1088] : memref<1015808x64xf32, #tpu.memory_space<hbm>> -> memref<1015808x64xf32, #tpu.memory_space<hbm>>
        tpu.enqueue_indirect_dma source(%dma_start3A_1089 : memref<1015808x64xf32, #tpu.memory_space<hbm>>) target(%dma_start3A_1085 : memref<128x64xf32, #tpu.memory_space<vmem>>) offsets(%dma_start3A_1086 : memref<128xi32, #tpu.memory_space<vmem>>) semaphore(%arg20 : memref<!tpu.dma_semaphore, #tpu.memory_space<semaphore_mem>>)
        %mul3A_1090 = arith.constant 640 : i32
        %mul3A_1091 = arith.muli %add3A_1068, %mul3A_1090 : i32
        %add3A_1092 = arith.constant 128 : i32
        %add3A_1093 = arith.addi %mul3A_1091, %add3A_1092 : i32
        %dma_start3A_1094 = arith.constant 128 : i32
        %dma_start3A_1095 = arith.constant 0 : i32
        %dma_start3A_1096 = tpu.memref_slice %arg14[%dma_start3A_1094, %dma_start3A_1095] : memref<640x64xf32, #tpu.memory_space<vmem>> -> memref<128x64xf32, #tpu.memory_space<vmem>>
        %dma_start3A_1097 = tpu.memref_slice %arg11[%add3A_1093] : memref<10240xi32, #tpu.memory_space<vmem>> -> memref<128xi32, #tpu.memory_space<vmem>>
        %dma_start3A_1098 = arith.constant 0 : i32
        %dma_start3A_1099 = arith.constant 0 : i32
        %dma_start3A_1100 = tpu.memref_slice %arg5[%dma_start3A_1098, %dma_start3A_1099] : memref<1015808x64xf32, #tpu.memory_space<hbm>> -> memref<1015808x64xf32, #tpu.memory_space<hbm>>
        tpu.enqueue_indirect_dma source(%dma_start3A_1100 : memref<1015808x64xf32, #tpu.memory_space<hbm>>) target(%dma_start3A_1096 : memref<128x64xf32, #tpu.memory_space<vmem>>) offsets(%dma_start3A_1097 : memref<128xi32, #tpu.memory_space<vmem>>) semaphore(%arg20 : memref<!tpu.dma_semaphore, #tpu.memory_space<semaphore_mem>>)
        %mul3A_1101 = arith.constant 640 : i32
        %mul3A_1102 = arith.muli %add3A_1068, %mul3A_1101 : i32
        %add3A_1103 = arith.constant 256 : i32
        %add3A_1104 = arith.addi %mul3A_1102, %add3A_1103 : i32
        %dma_start3A_1105 = arith.constant 256 : i32
        %dma_start3A_1106 = arith.constant 0 : i32
        %dma_start3A_1107 = tpu.memref_slice %arg14[%dma_start3A_1105, %dma_start3A_1106] : memref<640x64xf32, #tpu.memory_space<vmem>> -> memref<128x64xf32, #tpu.memory_space<vmem>>
        %dma_start3A_1108 = tpu.memref_slice %arg11[%add3A_1104] : memref<10240xi32, #tpu.memory_space<vmem>> -> memref<128xi32, #tpu.memory_space<vmem>>
        %dma_start3A_1109 = arith.constant 0 : i32
        %dma_start3A_1110 = arith.constant 0 : i32
        %dma_start3A_1111 = tpu.memref_slice %arg5[%dma_start3A_1109, %dma_start3A_1110] : memref<1015808x64xf32, #tpu.memory_space<hbm>> -> memref<1015808x64xf32, #tpu.memory_space<hbm>>
        tpu.enqueue_indirect_dma source(%dma_start3A_1111 : memref<1015808x64xf32, #tpu.memory_space<hbm>>) target(%dma_start3A_1107 : memref<128x64xf32, #tpu.memory_space<vmem>>) offsets(%dma_start3A_1108 : memref<128xi32, #tpu.memory_space<vmem>>) semaphore(%arg20 : memref<!tpu.dma_semaphore, #tpu.memory_space<semaphore_mem>>)
        %mul3A_1112 = arith.constant 640 : i32
        %mul3A_1113 = arith.muli %add3A_1068, %mul3A_1112 : i32
        %add3A_1114 = arith.constant 384 : i32
        %add3A_1115 = arith.addi %mul3A_1113, %add3A_1114 : i32
        %dma_start3A_1116 = arith.constant 384 : i32
        %dma_start3A_1117 = arith.constant 0 : i32
        %dma_start3A_1118 = tpu.memref_slice %arg14[%dma_start3A_1116, %dma_start3A_1117] : memref<640x64xf32, #tpu.memory_space<vmem>> -> memref<128x64xf32, #tpu.memory_space<vmem>>
        %dma_start3A_1119 = tpu.memref_slice %arg11[%add3A_1115] : memref<10240xi32, #tpu.memory_space<vmem>> -> memref<128xi32, #tpu.memory_space<vmem>>
        %dma_start3A_1120 = arith.constant 0 : i32
        %dma_start3A_1121 = arith.constant 0 : i32
        %dma_start3A_1122 = tpu.memref_slice %arg5[%dma_start3A_1120, %dma_start3A_1121] : memref<1015808x64xf32, #tpu.memory_space<hbm>> -> memref<1015808x64xf32, #tpu.memory_space<hbm>>
        tpu.enqueue_indirect_dma source(%dma_start3A_1122 : memref<1015808x64xf32, #tpu.memory_space<hbm>>) target(%dma_start3A_1118 : memref<128x64xf32, #tpu.memory_space<vmem>>) offsets(%dma_start3A_1119 : memref<128xi32, #tpu.memory_space<vmem>>) semaphore(%arg20 : memref<!tpu.dma_semaphore, #tpu.memory_space<semaphore_mem>>)
        %mul3A_1123 = arith.constant 640 : i32
        %mul3A_1124 = arith.muli %add3A_1068, %mul3A_1123 : i32
        %add3A_1125 = arith.constant 512 : i32
        %add3A_1126 = arith.addi %mul3A_1124, %add3A_1125 : i32
        %dma_start3A_1127 = arith.constant 512 : i32
        %dma_start3A_1128 = arith.constant 0 : i32
        %dma_start3A_1129 = tpu.memref_slice %arg14[%dma_start3A_1127, %dma_start3A_1128] : memref<640x64xf32, #tpu.memory_space<vmem>> -> memref<128x64xf32, #tpu.memory_space<vmem>>
        %dma_start3A_1130 = tpu.memref_slice %arg11[%add3A_1126] : memref<10240xi32, #tpu.memory_space<vmem>> -> memref<128xi32, #tpu.memory_space<vmem>>
        %dma_start3A_1131 = arith.constant 0 : i32
        %dma_start3A_1132 = arith.constant 0 : i32
        %dma_start3A_1133 = tpu.memref_slice %arg5[%dma_start3A_1131, %dma_start3A_1132] : memref<1015808x64xf32, #tpu.memory_space<hbm>> -> memref<1015808x64xf32, #tpu.memory_space<hbm>>
        tpu.enqueue_indirect_dma source(%dma_start3A_1133 : memref<1015808x64xf32, #tpu.memory_space<hbm>>) target(%dma_start3A_1129 : memref<128x64xf32, #tpu.memory_space<vmem>>) offsets(%dma_start3A_1130 : memref<128xi32, #tpu.memory_space<vmem>>) semaphore(%arg20 : memref<!tpu.dma_semaphore, #tpu.memory_space<semaphore_mem>>)
      } else {
      }
      %dma_wait3A_605 = arith.constant 0 : i32
      %dma_wait3A_606 = tpu.memref_slice %arg9[%dma_wait3A_605] : memref<512xi32, #tpu.memory_space<vmem>> -> memref<32xi32, #tpu.memory_space<vmem>>
      %dma_wait3A_607 = arith.constant 0 : i32
      %dma_wait3A_608 = arith.constant 0 : i32
      %dma_wait3A_609 = tpu.memref_slice %arg5[%dma_wait3A_607, %dma_wait3A_608] : memref<1015808x64xf32, #tpu.memory_space<hbm>> -> memref<1015808x64xf32, #tpu.memory_space<hbm>>
      tpu.wait_indirect_dma semaphore(%arg21 : memref<!tpu.dma_semaphore, #tpu.memory_space<semaphore_mem>>) src(%dma_wait3A_609 : memref<1015808x64xf32, #tpu.memory_space<hbm>>) dst(%arg15 : memref<32x64xf32, #tpu.memory_space<vmem>>)
      %dma_wait3A_610 = arith.constant 0 : i32
      %dma_wait3A_611 = tpu.memref_slice %arg10[%dma_wait3A_610] : memref<512xi32, #tpu.memory_space<vmem>> -> memref<32xi32, #tpu.memory_space<vmem>>
      %dma_wait3A_612 = arith.constant 0 : i32
      %dma_wait3A_613 = arith.constant 0 : i32
      %dma_wait3A_614 = tpu.memref_slice %arg6[%dma_wait3A_612, %dma_wait3A_613] : memref<1015808x64xf32, #tpu.memory_space<hbm>> -> memref<1015808x64xf32, #tpu.memory_space<hbm>>
      tpu.wait_indirect_dma semaphore(%arg21 : memref<!tpu.dma_semaphore, #tpu.memory_space<semaphore_mem>>) src(%dma_wait3A_614 : memref<1015808x64xf32, #tpu.memory_space<hbm>>) dst(%arg16 : memref<32x64xf32, #tpu.memory_space<vmem>>)
      %dma_wait3A_615 = arith.constant 0 : i32
      %dma_wait3A_616 = arith.constant 0 : i32
      %dma_wait3A_617 = tpu.memref_slice %arg17[%dma_wait3A_615, %dma_wait3A_616] : memref<640x64xf32, #tpu.memory_space<vmem>> -> memref<128x64xf32, #tpu.memory_space<vmem>>
      %dma_wait3A_618 = arith.constant 0 : i32
      %dma_wait3A_619 = tpu.memref_slice %arg11[%dma_wait3A_618] : memref<10240xi32, #tpu.memory_space<vmem>> -> memref<128xi32, #tpu.memory_space<vmem>>
      %dma_wait3A_620 = arith.constant 0 : i32
      %dma_wait3A_621 = arith.constant 0 : i32
      %dma_wait3A_622 = tpu.memref_slice %arg5[%dma_wait3A_620, %dma_wait3A_621] : memref<1015808x64xf32, #tpu.memory_space<hbm>> -> memref<1015808x64xf32, #tpu.memory_space<hbm>>
      tpu.wait_indirect_dma semaphore(%arg21 : memref<!tpu.dma_semaphore, #tpu.memory_space<semaphore_mem>>) src(%dma_wait3A_622 : memref<1015808x64xf32, #tpu.memory_space<hbm>>) dst(%dma_wait3A_617 : memref<128x64xf32, #tpu.memory_space<vmem>>)
      %dma_wait3A_623 = arith.constant 128 : i32
      %dma_wait3A_624 = arith.constant 0 : i32
      %dma_wait3A_625 = tpu.memref_slice %arg17[%dma_wait3A_623, %dma_wait3A_624] : memref<640x64xf32, #tpu.memory_space<vmem>> -> memref<128x64xf32, #tpu.memory_space<vmem>>
      %dma_wait3A_626 = arith.constant 128 : i32
      %dma_wait3A_627 = tpu.memref_slice %arg11[%dma_wait3A_626] : memref<10240xi32, #tpu.memory_space<vmem>> -> memref<128xi32, #tpu.memory_space<vmem>>
      %dma_wait3A_628 = arith.constant 0 : i32
      %dma_wait3A_629 = arith.constant 0 : i32
      %dma_wait3A_630 = tpu.memref_slice %arg5[%dma_wait3A_628, %dma_wait3A_629] : memref<1015808x64xf32, #tpu.memory_space<hbm>> -> memref<1015808x64xf32, #tpu.memory_space<hbm>>
      tpu.wait_indirect_dma semaphore(%arg21 : memref<!tpu.dma_semaphore, #tpu.memory_space<semaphore_mem>>) src(%dma_wait3A_630 : memref<1015808x64xf32, #tpu.memory_space<hbm>>) dst(%dma_wait3A_625 : memref<128x64xf32, #tpu.memory_space<vmem>>)
      %dma_wait3A_631 = arith.constant 256 : i32
      %dma_wait3A_632 = arith.constant 0 : i32
      %dma_wait3A_633 = tpu.memref_slice %arg17[%dma_wait3A_631, %dma_wait3A_632] : memref<640x64xf32, #tpu.memory_space<vmem>> -> memref<128x64xf32, #tpu.memory_space<vmem>>
      %dma_wait3A_634 = arith.constant 256 : i32
      %dma_wait3A_635 = tpu.memref_slice %arg11[%dma_wait3A_634] : memref<10240xi32, #tpu.memory_space<vmem>> -> memref<128xi32, #tpu.memory_space<vmem>>
      %dma_wait3A_636 = arith.constant 0 : i32
      %dma_wait3A_637 = arith.constant 0 : i32
      %dma_wait3A_638 = tpu.memref_slice %arg5[%dma_wait3A_636, %dma_wait3A_637] : memref<1015808x64xf32, #tpu.memory_space<hbm>> -> memref<1015808x64xf32, #tpu.memory_space<hbm>>
      tpu.wait_indirect_dma semaphore(%arg21 : memref<!tpu.dma_semaphore, #tpu.memory_space<semaphore_mem>>) src(%dma_wait3A_638 : memref<1015808x64xf32, #tpu.memory_space<hbm>>) dst(%dma_wait3A_633 : memref<128x64xf32, #tpu.memory_space<vmem>>)
      %dma_wait3A_639 = arith.constant 384 : i32
      %dma_wait3A_640 = arith.constant 0 : i32
      %dma_wait3A_641 = tpu.memref_slice %arg17[%dma_wait3A_639, %dma_wait3A_640] : memref<640x64xf32, #tpu.memory_space<vmem>> -> memref<128x64xf32, #tpu.memory_space<vmem>>
      %dma_wait3A_642 = arith.constant 384 : i32
      %dma_wait3A_643 = tpu.memref_slice %arg11[%dma_wait3A_642] : memref<10240xi32, #tpu.memory_space<vmem>> -> memref<128xi32, #tpu.memory_space<vmem>>
      %dma_wait3A_644 = arith.constant 0 : i32
      %dma_wait3A_645 = arith.constant 0 : i32
      %dma_wait3A_646 = tpu.memref_slice %arg5[%dma_wait3A_644, %dma_wait3A_645] : memref<1015808x64xf32, #tpu.memory_space<hbm>> -> memref<1015808x64xf32, #tpu.memory_space<hbm>>
      tpu.wait_indirect_dma semaphore(%arg21 : memref<!tpu.dma_semaphore, #tpu.memory_space<semaphore_mem>>) src(%dma_wait3A_646 : memref<1015808x64xf32, #tpu.memory_space<hbm>>) dst(%dma_wait3A_641 : memref<128x64xf32, #tpu.memory_space<vmem>>)
      %dma_wait3A_647 = arith.constant 512 : i32
      %dma_wait3A_648 = arith.constant 0 : i32
      %dma_wait3A_649 = tpu.memref_slice %arg17[%dma_wait3A_647, %dma_wait3A_648] : memref<640x64xf32, #tpu.memory_space<vmem>> -> memref<128x64xf32, #tpu.memory_space<vmem>>
      %dma_wait3A_650 = arith.constant 512 : i32
      %dma_wait3A_651 = tpu.memref_slice %arg11[%dma_wait3A_650] : memref<10240xi32, #tpu.memory_space<vmem>> -> memref<128xi32, #tpu.memory_space<vmem>>
      %dma_wait3A_652 = arith.constant 0 : i32
      %dma_wait3A_653 = arith.constant 0 : i32
      %dma_wait3A_654 = tpu.memref_slice %arg5[%dma_wait3A_652, %dma_wait3A_653] : memref<1015808x64xf32, #tpu.memory_space<hbm>> -> memref<1015808x64xf32, #tpu.memory_space<hbm>>
      tpu.wait_indirect_dma semaphore(%arg21 : memref<!tpu.dma_semaphore, #tpu.memory_space<semaphore_mem>>) src(%dma_wait3A_654 : memref<1015808x64xf32, #tpu.memory_space<hbm>>) dst(%dma_wait3A_649 : memref<128x64xf32, #tpu.memory_space<vmem>>)
      %add3A_655 = arith.constant 1 : i32
      %add3A_656 = arith.addi %mul3A_79, %add3A_655 : i32
      %mul3A_657 = arith.constant 32 : i32
      %mul3A_658 = arith.muli %add3A_656, %mul3A_657 : i32
      %add3A_659 = arith.constant 0 : i32
      %add3A_660 = vector.broadcast %add3A_659 : i32 to vector<16xi32>
      %add3A_661 = arith.addi %add3A_660, %iota3A : vector<16xi32>
      %mul3A_662 = arith.constant 20 : i32
      %mul3A_663 = vector.broadcast %mul3A_662 : i32 to vector<16xi32>
      %mul3A_664 = arith.muli %add3A_661, %mul3A_663 : vector<16xi32>
      %broadcast_in_dim3A_665 = arith.constant 0.000000e+00 : f32
      %broadcast_in_dim3A_666 = vector.broadcast %broadcast_in_dim3A_665 : f32 to vector<16xf32>
      %broadcast_in_dim3A_667 = arith.constant 0.000000e+00 : f32
      %broadcast_in_dim3A_668 = vector.broadcast %broadcast_in_dim3A_667 : f32 to vector<16xf32>
      %broadcast_in_dim3A_669 = arith.constant 0.000000e+00 : f32
      %broadcast_in_dim3A_670 = vector.broadcast %broadcast_in_dim3A_669 : f32 to vector<16xf32>
      %broadcast_in_dim3A_671 = arith.constant 0.000000e+00 : f32
      %broadcast_in_dim3A_672 = vector.broadcast %broadcast_in_dim3A_671 : f32 to vector<16xf32>
      %broadcast_in_dim3A_673 = arith.constant 0.000000e+00 : f32
      %broadcast_in_dim3A_674 = vector.broadcast %broadcast_in_dim3A_673 : f32 to vector<16xf32>
      %broadcast_in_dim3A_675 = arith.constant 0.000000e+00 : f32
      %broadcast_in_dim3A_676 = vector.broadcast %broadcast_in_dim3A_675 : f32 to vector<16xf32>
      %broadcast_in_dim3A_677 = arith.constant 0.000000e+00 : f32
      %broadcast_in_dim3A_678 = vector.broadcast %broadcast_in_dim3A_677 : f32 to vector<16xf32>
      %broadcast_in_dim3A_679 = arith.constant 0.000000e+00 : f32
      %broadcast_in_dim3A_680 = vector.broadcast %broadcast_in_dim3A_679 : f32 to vector<16xf32>
      %broadcast_in_dim3A_681 = arith.constant 0.000000e+00 : f32
      %broadcast_in_dim3A_682 = vector.broadcast %broadcast_in_dim3A_681 : f32 to vector<16xf32>
      %broadcast_in_dim3A_683 = arith.constant 0.000000e+00 : f32
      %broadcast_in_dim3A_684 = vector.broadcast %broadcast_in_dim3A_683 : f32 to vector<16xf32>
      %broadcast_in_dim3A_685 = arith.constant 0.000000e+00 : f32
      %broadcast_in_dim3A_686 = vector.broadcast %broadcast_in_dim3A_685 : f32 to vector<16xf32>
      %broadcast_in_dim3A_687 = arith.constant 0.000000e+00 : f32
      %broadcast_in_dim3A_688 = vector.broadcast %broadcast_in_dim3A_687 : f32 to vector<16xf32>
      %broadcast_in_dim3A_689 = arith.constant 0.000000e+00 : f32
      %broadcast_in_dim3A_690 = vector.broadcast %broadcast_in_dim3A_689 : f32 to vector<16xf32>
      %broadcast_in_dim3A_691 = arith.constant 0.000000e+00 : f32
      %broadcast_in_dim3A_692 = vector.broadcast %broadcast_in_dim3A_691 : f32 to vector<16xf32>
      %broadcast_in_dim3A_693 = arith.constant 0.000000e+00 : f32
      %broadcast_in_dim3A_694 = vector.broadcast %broadcast_in_dim3A_693 : f32 to vector<16xf32>
      %broadcast_in_dim3A_695 = arith.constant 0.000000e+00 : f32
      %broadcast_in_dim3A_696 = vector.broadcast %broadcast_in_dim3A_695 : f32 to vector<16xf32>
      %broadcast_in_dim3A_697 = arith.constant 0.000000e+00 : f32
      %broadcast_in_dim3A_698 = vector.broadcast %broadcast_in_dim3A_697 : f32 to vector<16xf32>
      %broadcast_in_dim3A_699 = arith.constant 0.000000e+00 : f32
      %broadcast_in_dim3A_700 = vector.broadcast %broadcast_in_dim3A_699 : f32 to vector<16xf32>
      %broadcast_in_dim3A_701 = arith.constant 0.000000e+00 : f32
      %broadcast_in_dim3A_702 = vector.broadcast %broadcast_in_dim3A_701 : f32 to vector<16xf32>
      %broadcast_in_dim3A_703 = arith.constant 0.000000e+00 : f32
      %broadcast_in_dim3A_704 = vector.broadcast %broadcast_in_dim3A_703 : f32 to vector<16xf32>
      %broadcast_in_dim3A_705 = arith.constant 0.000000e+00 : f32
      %broadcast_in_dim3A_706 = vector.broadcast %broadcast_in_dim3A_705 : f32 to vector<16xf32>
      %scan3A_707 = arith.constant 0 : i32
      %scan3A_708 = arith.constant 64 : i32
      %scan3A_709 = arith.addi %scan3A_707, %scan3A_708 : i32
      %scan3A_710 = arith.constant 1 : i32
      %scan3A_711:21 = scf.for %scan3A_1067 = %scan3A_707 to %scan3A_709 step %scan3A_710 iter_args(%scan3A_1068 = %broadcast_in_dim3A_666, %scan3A_1069 = %broadcast_in_dim3A_668, %scan3A_1070 = %broadcast_in_dim3A_670, %scan3A_1071 = %broadcast_in_dim3A_672, %scan3A_1072 = %broadcast_in_dim3A_674, %scan3A_1073 = %broadcast_in_dim3A_676, %scan3A_1074 = %broadcast_in_dim3A_678, %scan3A_1075 = %broadcast_in_dim3A_680, %scan3A_1076 = %broadcast_in_dim3A_682, %scan3A_1077 = %broadcast_in_dim3A_684, %scan3A_1078 = %broadcast_in_dim3A_686, %scan3A_1079 = %broadcast_in_dim3A_688, %scan3A_1080 = %broadcast_in_dim3A_690, %scan3A_1081 = %broadcast_in_dim3A_692, %scan3A_1082 = %broadcast_in_dim3A_694, %scan3A_1083 = %broadcast_in_dim3A_696, %scan3A_1084 = %broadcast_in_dim3A_698, %scan3A_1085 = %broadcast_in_dim3A_700, %scan3A_1086 = %broadcast_in_dim3A_702, %scan3A_1087 = %broadcast_in_dim3A_704, %scan3A_1088 = %broadcast_in_dim3A_706) -> (vector<16xf32>, vector<16xf32>, vector<16xf32>, vector<16xf32>, vector<16xf32>, vector<16xf32>, vector<16xf32>, vector<16xf32>, vector<16xf32>, vector<16xf32>, vector<16xf32>, vector<16xf32>, vector<16xf32>, vector<16xf32>, vector<16xf32>, vector<16xf32>, vector<16xf32>, vector<16xf32>, vector<16xf32>, vector<16xf32>, vector<16xf32>)  : i32 {
        %add3A_1089 = vector.broadcast %scan3A_1067 : i32 to vector<16xi32>
        %add3A_1090 = arith.addi %add3A_1089, %iota3A : vector<16xi32>
        %and3A = arith.constant 63 : i32
        %and3A_1091 = vector.broadcast %and3A : i32 to vector<16xi32>
        %and3A_1092 = arith.andi %add3A_1090, %and3A_1091 : vector<16xi32>
        %gather3A = tpu.vector_load_idx %arg16[%add3A_661, %and3A_1092] : memref<32x64xf32, #tpu.memory_space<vmem>>[vector<16xi32>, vector<16xi32>], vector<16xf32>,
        %gather3A_1093 = tpu.vector_load_idx %arg15[%add3A_661, %and3A_1092] : memref<32x64xf32, #tpu.memory_space<vmem>>[vector<16xi32>, vector<16xi32>], vector<16xf32>,
        %mul3A_1094 = arith.mulf %gather3A, %gather3A_1093 : vector<16xf32>
        %add3A_1095 = arith.addf %scan3A_1068, %mul3A_1094 : vector<16xf32>
        %add3A_1096 = arith.constant 0 : i32
        %add3A_1097 = vector.broadcast %add3A_1096 : i32 to vector<16xi32>
        %add3A_1098 = arith.addi %mul3A_664, %add3A_1097 : vector<16xi32>
        %gather3A_1099 = tpu.vector_load_idx %arg17[%add3A_1098, %and3A_1092] : memref<640x64xf32, #tpu.memory_space<vmem>>[vector<16xi32>, vector<16xi32>], vector<16xf32>,
        %mul3A_1100 = arith.mulf %gather3A_1099, %gather3A : vector<16xf32>
        %add3A_1101 = arith.addf %scan3A_1069, %mul3A_1100 : vector<16xf32>
        %add3A_1102 = arith.constant 1 : i32
        %add3A_1103 = vector.broadcast %add3A_1102 : i32 to vector<16xi32>
        %add3A_1104 = arith.addi %mul3A_664, %add3A_1103 : vector<16xi32>
        %gather3A_1105 = tpu.vector_load_idx %arg17[%add3A_1104, %and3A_1092] : memref<640x64xf32, #tpu.memory_space<vmem>>[vector<16xi32>, vector<16xi32>], vector<16xf32>,
        %mul3A_1106 = arith.mulf %gather3A_1105, %gather3A : vector<16xf32>
        %add3A_1107 = arith.addf %scan3A_1070, %mul3A_1106 : vector<16xf32>
        %add3A_1108 = arith.constant 2 : i32
        %add3A_1109 = vector.broadcast %add3A_1108 : i32 to vector<16xi32>
        %add3A_1110 = arith.addi %mul3A_664, %add3A_1109 : vector<16xi32>
        %gather3A_1111 = tpu.vector_load_idx %arg17[%add3A_1110, %and3A_1092] : memref<640x64xf32, #tpu.memory_space<vmem>>[vector<16xi32>, vector<16xi32>], vector<16xf32>,
        %mul3A_1112 = arith.mulf %gather3A_1111, %gather3A : vector<16xf32>
        %add3A_1113 = arith.addf %scan3A_1071, %mul3A_1112 : vector<16xf32>
        %add3A_1114 = arith.constant 3 : i32
        %add3A_1115 = vector.broadcast %add3A_1114 : i32 to vector<16xi32>
        %add3A_1116 = arith.addi %mul3A_664, %add3A_1115 : vector<16xi32>
        %gather3A_1117 = tpu.vector_load_idx %arg17[%add3A_1116, %and3A_1092] : memref<640x64xf32, #tpu.memory_space<vmem>>[vector<16xi32>, vector<16xi32>], vector<16xf32>,
        %mul3A_1118 = arith.mulf %gather3A_1117, %gather3A : vector<16xf32>
        %add3A_1119 = arith.addf %scan3A_1072, %mul3A_1118 : vector<16xf32>
        %add3A_1120 = arith.constant 4 : i32
        %add3A_1121 = vector.broadcast %add3A_1120 : i32 to vector<16xi32>
        %add3A_1122 = arith.addi %mul3A_664, %add3A_1121 : vector<16xi32>
        %gather3A_1123 = tpu.vector_load_idx %arg17[%add3A_1122, %and3A_1092] : memref<640x64xf32, #tpu.memory_space<vmem>>[vector<16xi32>, vector<16xi32>], vector<16xf32>,
        %mul3A_1124 = arith.mulf %gather3A_1123, %gather3A : vector<16xf32>
        %add3A_1125 = arith.addf %scan3A_1073, %mul3A_1124 : vector<16xf32>
        %add3A_1126 = arith.constant 5 : i32
        %add3A_1127 = vector.broadcast %add3A_1126 : i32 to vector<16xi32>
        %add3A_1128 = arith.addi %mul3A_664, %add3A_1127 : vector<16xi32>
        %gather3A_1129 = tpu.vector_load_idx %arg17[%add3A_1128, %and3A_1092] : memref<640x64xf32, #tpu.memory_space<vmem>>[vector<16xi32>, vector<16xi32>], vector<16xf32>,
        %mul3A_1130 = arith.mulf %gather3A_1129, %gather3A : vector<16xf32>
        %add3A_1131 = arith.addf %scan3A_1074, %mul3A_1130 : vector<16xf32>
        %add3A_1132 = arith.constant 6 : i32
        %add3A_1133 = vector.broadcast %add3A_1132 : i32 to vector<16xi32>
        %add3A_1134 = arith.addi %mul3A_664, %add3A_1133 : vector<16xi32>
        %gather3A_1135 = tpu.vector_load_idx %arg17[%add3A_1134, %and3A_1092] : memref<640x64xf32, #tpu.memory_space<vmem>>[vector<16xi32>, vector<16xi32>], vector<16xf32>,
        %mul3A_1136 = arith.mulf %gather3A_1135, %gather3A : vector<16xf32>
        %add3A_1137 = arith.addf %scan3A_1075, %mul3A_1136 : vector<16xf32>
        %add3A_1138 = arith.constant 7 : i32
        %add3A_1139 = vector.broadcast %add3A_1138 : i32 to vector<16xi32>
        %add3A_1140 = arith.addi %mul3A_664, %add3A_1139 : vector<16xi32>
        %gather3A_1141 = tpu.vector_load_idx %arg17[%add3A_1140, %and3A_1092] : memref<640x64xf32, #tpu.memory_space<vmem>>[vector<16xi32>, vector<16xi32>], vector<16xf32>,
        %mul3A_1142 = arith.mulf %gather3A_1141, %gather3A : vector<16xf32>
        %add3A_1143 = arith.addf %scan3A_1076, %mul3A_1142 : vector<16xf32>
        %add3A_1144 = arith.constant 8 : i32
        %add3A_1145 = vector.broadcast %add3A_1144 : i32 to vector<16xi32>
        %add3A_1146 = arith.addi %mul3A_664, %add3A_1145 : vector<16xi32>
        %gather3A_1147 = tpu.vector_load_idx %arg17[%add3A_1146, %and3A_1092] : memref<640x64xf32, #tpu.memory_space<vmem>>[vector<16xi32>, vector<16xi32>], vector<16xf32>,
        %mul3A_1148 = arith.mulf %gather3A_1147, %gather3A : vector<16xf32>
        %add3A_1149 = arith.addf %scan3A_1077, %mul3A_1148 : vector<16xf32>
        %add3A_1150 = arith.constant 9 : i32
        %add3A_1151 = vector.broadcast %add3A_1150 : i32 to vector<16xi32>
        %add3A_1152 = arith.addi %mul3A_664, %add3A_1151 : vector<16xi32>
        %gather3A_1153 = tpu.vector_load_idx %arg17[%add3A_1152, %and3A_1092] : memref<640x64xf32, #tpu.memory_space<vmem>>[vector<16xi32>, vector<16xi32>], vector<16xf32>,
        %mul3A_1154 = arith.mulf %gather3A_1153, %gather3A : vector<16xf32>
        %add3A_1155 = arith.addf %scan3A_1078, %mul3A_1154 : vector<16xf32>
        %add3A_1156 = arith.constant 10 : i32
        %add3A_1157 = vector.broadcast %add3A_1156 : i32 to vector<16xi32>
        %add3A_1158 = arith.addi %mul3A_664, %add3A_1157 : vector<16xi32>
        %gather3A_1159 = tpu.vector_load_idx %arg17[%add3A_1158, %and3A_1092] : memref<640x64xf32, #tpu.memory_space<vmem>>[vector<16xi32>, vector<16xi32>], vector<16xf32>,
        %mul3A_1160 = arith.mulf %gather3A_1159, %gather3A : vector<16xf32>
        %add3A_1161 = arith.addf %scan3A_1079, %mul3A_1160 : vector<16xf32>
        %add3A_1162 = arith.constant 11 : i32
        %add3A_1163 = vector.broadcast %add3A_1162 : i32 to vector<16xi32>
        %add3A_1164 = arith.addi %mul3A_664, %add3A_1163 : vector<16xi32>
        %gather3A_1165 = tpu.vector_load_idx %arg17[%add3A_1164, %and3A_1092] : memref<640x64xf32, #tpu.memory_space<vmem>>[vector<16xi32>, vector<16xi32>], vector<16xf32>,
        %mul3A_1166 = arith.mulf %gather3A_1165, %gather3A : vector<16xf32>
        %add3A_1167 = arith.addf %scan3A_1080, %mul3A_1166 : vector<16xf32>
        %add3A_1168 = arith.constant 12 : i32
        %add3A_1169 = vector.broadcast %add3A_1168 : i32 to vector<16xi32>
        %add3A_1170 = arith.addi %mul3A_664, %add3A_1169 : vector<16xi32>
        %gather3A_1171 = tpu.vector_load_idx %arg17[%add3A_1170, %and3A_1092] : memref<640x64xf32, #tpu.memory_space<vmem>>[vector<16xi32>, vector<16xi32>], vector<16xf32>,
        %mul3A_1172 = arith.mulf %gather3A_1171, %gather3A : vector<16xf32>
        %add3A_1173 = arith.addf %scan3A_1081, %mul3A_1172 : vector<16xf32>
        %add3A_1174 = arith.constant 13 : i32
        %add3A_1175 = vector.broadcast %add3A_1174 : i32 to vector<16xi32>
        %add3A_1176 = arith.addi %mul3A_664, %add3A_1175 : vector<16xi32>
        %gather3A_1177 = tpu.vector_load_idx %arg17[%add3A_1176, %and3A_1092] : memref<640x64xf32, #tpu.memory_space<vmem>>[vector<16xi32>, vector<16xi32>], vector<16xf32>,
        %mul3A_1178 = arith.mulf %gather3A_1177, %gather3A : vector<16xf32>
        %add3A_1179 = arith.addf %scan3A_1082, %mul3A_1178 : vector<16xf32>
        %add3A_1180 = arith.constant 14 : i32
        %add3A_1181 = vector.broadcast %add3A_1180 : i32 to vector<16xi32>
        %add3A_1182 = arith.addi %mul3A_664, %add3A_1181 : vector<16xi32>
        %gather3A_1183 = tpu.vector_load_idx %arg17[%add3A_1182, %and3A_1092] : memref<640x64xf32, #tpu.memory_space<vmem>>[vector<16xi32>, vector<16xi32>], vector<16xf32>,
        %mul3A_1184 = arith.mulf %gather3A_1183, %gather3A : vector<16xf32>
        %add3A_1185 = arith.addf %scan3A_1083, %mul3A_1184 : vector<16xf32>
        %add3A_1186 = arith.constant 15 : i32
        %add3A_1187 = vector.broadcast %add3A_1186 : i32 to vector<16xi32>
        %add3A_1188 = arith.addi %mul3A_664, %add3A_1187 : vector<16xi32>
        %gather3A_1189 = tpu.vector_load_idx %arg17[%add3A_1188, %and3A_1092] : memref<640x64xf32, #tpu.memory_space<vmem>>[vector<16xi32>, vector<16xi32>], vector<16xf32>,
        %mul3A_1190 = arith.mulf %gather3A_1189, %gather3A : vector<16xf32>
        %add3A_1191 = arith.addf %scan3A_1084, %mul3A_1190 : vector<16xf32>
        %add3A_1192 = arith.constant 16 : i32
        %add3A_1193 = vector.broadcast %add3A_1192 : i32 to vector<16xi32>
        %add3A_1194 = arith.addi %mul3A_664, %add3A_1193 : vector<16xi32>
        %gather3A_1195 = tpu.vector_load_idx %arg17[%add3A_1194, %and3A_1092] : memref<640x64xf32, #tpu.memory_space<vmem>>[vector<16xi32>, vector<16xi32>], vector<16xf32>,
        %mul3A_1196 = arith.mulf %gather3A_1195, %gather3A : vector<16xf32>
        %add3A_1197 = arith.addf %scan3A_1085, %mul3A_1196 : vector<16xf32>
        %add3A_1198 = arith.constant 17 : i32
        %add3A_1199 = vector.broadcast %add3A_1198 : i32 to vector<16xi32>
        %add3A_1200 = arith.addi %mul3A_664, %add3A_1199 : vector<16xi32>
        %gather3A_1201 = tpu.vector_load_idx %arg17[%add3A_1200, %and3A_1092] : memref<640x64xf32, #tpu.memory_space<vmem>>[vector<16xi32>, vector<16xi32>], vector<16xf32>,
        %mul3A_1202 = arith.mulf %gather3A_1201, %gather3A : vector<16xf32>
        %add3A_1203 = arith.addf %scan3A_1086, %mul3A_1202 : vector<16xf32>
        %add3A_1204 = arith.constant 18 : i32
        %add3A_1205 = vector.broadcast %add3A_1204 : i32 to vector<16xi32>
        %add3A_1206 = arith.addi %mul3A_664, %add3A_1205 : vector<16xi32>
        %gather3A_1207 = tpu.vector_load_idx %arg17[%add3A_1206, %and3A_1092] : memref<640x64xf32, #tpu.memory_space<vmem>>[vector<16xi32>, vector<16xi32>], vector<16xf32>,
        %mul3A_1208 = arith.mulf %gather3A_1207, %gather3A : vector<16xf32>
        %add3A_1209 = arith.addf %scan3A_1087, %mul3A_1208 : vector<16xf32>
        %add3A_1210 = arith.constant 19 : i32
        %add3A_1211 = vector.broadcast %add3A_1210 : i32 to vector<16xi32>
        %add3A_1212 = arith.addi %mul3A_664, %add3A_1211 : vector<16xi32>
        %gather3A_1213 = tpu.vector_load_idx %arg17[%add3A_1212, %and3A_1092] : memref<640x64xf32, #tpu.memory_space<vmem>>[vector<16xi32>, vector<16xi32>], vector<16xf32>,
        %mul3A_1214 = arith.mulf %gather3A_1213, %gather3A : vector<16xf32>
        %add3A_1215 = arith.addf %scan3A_1088, %mul3A_1214 : vector<16xf32>
        scf.yield %add3A_1095, %add3A_1101, %add3A_1107, %add3A_1113, %add3A_1119, %add3A_1125, %add3A_1131, %add3A_1137, %add3A_1143, %add3A_1149, %add3A_1155, %add3A_1161, %add3A_1167, %add3A_1173, %add3A_1179, %add3A_1185, %add3A_1191, %add3A_1197, %add3A_1203, %add3A_1209, %add3A_1215 : vector<16xf32>, vector<16xf32>, vector<16xf32>, vector<16xf32>, vector<16xf32>, vector<16xf32>, vector<16xf32>, vector<16xf32>, vector<16xf32>, vector<16xf32>, vector<16xf32>, vector<16xf32>, vector<16xf32>, vector<16xf32>, vector<16xf32>, vector<16xf32>, vector<16xf32>, vector<16xf32>, vector<16xf32>, vector<16xf32>, vector<16xf32>
      }
      %scan3A_712 = arith.constant 64 : i32
      %add3A_713 = arith.constant 0 : i32
      %add3A_714 = arith.addi %mul3A_658, %add3A_713 : i32
      %swap3A_715 = arith.index_cast %add3A_714 : i32 to index
      %swap3A_716 = tpu.vector_load %arg18[%swap3A_715] {strides = array<i32>} : memref<512xf32, #tpu.memory_space<vmem>>, vector<16xf32>,
      tpu.vector_store %arg18[%swap3A_715], %scan3A_711#0 {strides = array<i32>} : memref<512xf32, #tpu.memory_space<vmem>>, vector<16xf32>,
      %mul3A_717 = arith.constant 2 : i32
      %mul3A_718 = arith.muli %add3A_656, %mul3A_717 : i32
      %add3A_719 = arith.constant 0 : i32
      %add3A_720 = arith.addi %mul3A_718, %add3A_719 : i32
      %mul3A_721 = arith.constant 320 : i32
      %mul3A_722 = arith.muli %add3A_720, %mul3A_721 : i32
      %neg3A_723 = arith.constant 0.000000e+00 : f32
      %neg3A_724 = vector.broadcast %neg3A_723 : f32 to vector<16xf32>
      %neg3A_725 = arith.subf %neg3A_724, %scan3A_711#1 : vector<16xf32>
      %add3A_726 = arith.constant 0 : i32
      %add3A_727 = arith.addi %mul3A_722, %add3A_726 : i32
      %swap3A_728 = arith.index_cast %add3A_727 : i32 to index
      %swap3A_729 = tpu.vector_load %arg19[%swap3A_728] {strides = array<i32>} : memref<10240xf32, #tpu.memory_space<vmem>>, vector<16xf32>,
      tpu.vector_store %arg19[%swap3A_728], %neg3A_725 {strides = array<i32>} : memref<10240xf32, #tpu.memory_space<vmem>>, vector<16xf32>,
      %neg3A_730 = arith.constant 0.000000e+00 : f32
      %neg3A_731 = vector.broadcast %neg3A_730 : f32 to vector<16xf32>
      %neg3A_732 = arith.subf %neg3A_731, %scan3A_711#2 : vector<16xf32>
      %add3A_733 = arith.constant 16 : i32
      %add3A_734 = arith.addi %mul3A_722, %add3A_733 : i32
      %swap3A_735 = arith.index_cast %add3A_734 : i32 to index
      %swap3A_736 = tpu.vector_load %arg19[%swap3A_735] {strides = array<i32>} : memref<10240xf32, #tpu.memory_space<vmem>>, vector<16xf32>,
      tpu.vector_store %arg19[%swap3A_735], %neg3A_732 {strides = array<i32>} : memref<10240xf32, #tpu.memory_space<vmem>>, vector<16xf32>,
      %neg3A_737 = arith.constant 0.000000e+00 : f32
      %neg3A_738 = vector.broadcast %neg3A_737 : f32 to vector<16xf32>
      %neg3A_739 = arith.subf %neg3A_738, %scan3A_711#3 : vector<16xf32>
      %add3A_740 = arith.constant 32 : i32
      %add3A_741 = arith.addi %mul3A_722, %add3A_740 : i32
      %swap3A_742 = arith.index_cast %add3A_741 : i32 to index
      %swap3A_743 = tpu.vector_load %arg19[%swap3A_742] {strides = array<i32>} : memref<10240xf32, #tpu.memory_space<vmem>>, vector<16xf32>,
      tpu.vector_store %arg19[%swap3A_742], %neg3A_739 {strides = array<i32>} : memref<10240xf32, #tpu.memory_space<vmem>>, vector<16xf32>,
      %neg3A_744 = arith.constant 0.000000e+00 : f32
      %neg3A_745 = vector.broadcast %neg3A_744 : f32 to vector<16xf32>
      %neg3A_746 = arith.subf %neg3A_745, %scan3A_711#4 : vector<16xf32>
      %add3A_747 = arith.constant 48 : i32
      %add3A_748 = arith.addi %mul3A_722, %add3A_747 : i32
      %swap3A_749 = arith.index_cast %add3A_748 : i32 to index
      %swap3A_750 = tpu.vector_load %arg19[%swap3A_749] {strides = array<i32>} : memref<10240xf32, #tpu.memory_space<vmem>>, vector<16xf32>,
      tpu.vector_store %arg19[%swap3A_749], %neg3A_746 {strides = array<i32>} : memref<10240xf32, #tpu.memory_space<vmem>>, vector<16xf32>,
      %neg3A_751 = arith.constant 0.000000e+00 : f32
      %neg3A_752 = vector.broadcast %neg3A_751 : f32 to vector<16xf32>
      %neg3A_753 = arith.subf %neg3A_752, %scan3A_711#5 : vector<16xf32>
      %add3A_754 = arith.constant 64 : i32
      %add3A_755 = arith.addi %mul3A_722, %add3A_754 : i32
      %swap3A_756 = arith.index_cast %add3A_755 : i32 to index
      %swap3A_757 = tpu.vector_load %arg19[%swap3A_756] {strides = array<i32>} : memref<10240xf32, #tpu.memory_space<vmem>>, vector<16xf32>,
      tpu.vector_store %arg19[%swap3A_756], %neg3A_753 {strides = array<i32>} : memref<10240xf32, #tpu.memory_space<vmem>>, vector<16xf32>,
      %neg3A_758 = arith.constant 0.000000e+00 : f32
      %neg3A_759 = vector.broadcast %neg3A_758 : f32 to vector<16xf32>
      %neg3A_760 = arith.subf %neg3A_759, %scan3A_711#6 : vector<16xf32>
      %add3A_761 = arith.constant 80 : i32
      %add3A_762 = arith.addi %mul3A_722, %add3A_761 : i32
      %swap3A_763 = arith.index_cast %add3A_762 : i32 to index
      %swap3A_764 = tpu.vector_load %arg19[%swap3A_763] {strides = array<i32>} : memref<10240xf32, #tpu.memory_space<vmem>>, vector<16xf32>,
      tpu.vector_store %arg19[%swap3A_763], %neg3A_760 {strides = array<i32>} : memref<10240xf32, #tpu.memory_space<vmem>>, vector<16xf32>,
      %neg3A_765 = arith.constant 0.000000e+00 : f32
      %neg3A_766 = vector.broadcast %neg3A_765 : f32 to vector<16xf32>
      %neg3A_767 = arith.subf %neg3A_766, %scan3A_711#7 : vector<16xf32>
      %add3A_768 = arith.constant 96 : i32
      %add3A_769 = arith.addi %mul3A_722, %add3A_768 : i32
      %swap3A_770 = arith.index_cast %add3A_769 : i32 to index
      %swap3A_771 = tpu.vector_load %arg19[%swap3A_770] {strides = array<i32>} : memref<10240xf32, #tpu.memory_space<vmem>>, vector<16xf32>,
      tpu.vector_store %arg19[%swap3A_770], %neg3A_767 {strides = array<i32>} : memref<10240xf32, #tpu.memory_space<vmem>>, vector<16xf32>,
      %neg3A_772 = arith.constant 0.000000e+00 : f32
      %neg3A_773 = vector.broadcast %neg3A_772 : f32 to vector<16xf32>
      %neg3A_774 = arith.subf %neg3A_773, %scan3A_711#8 : vector<16xf32>
      %add3A_775 = arith.constant 112 : i32
      %add3A_776 = arith.addi %mul3A_722, %add3A_775 : i32
      %swap3A_777 = arith.index_cast %add3A_776 : i32 to index
      %swap3A_778 = tpu.vector_load %arg19[%swap3A_777] {strides = array<i32>} : memref<10240xf32, #tpu.memory_space<vmem>>, vector<16xf32>,
      tpu.vector_store %arg19[%swap3A_777], %neg3A_774 {strides = array<i32>} : memref<10240xf32, #tpu.memory_space<vmem>>, vector<16xf32>,
      %neg3A_779 = arith.constant 0.000000e+00 : f32
      %neg3A_780 = vector.broadcast %neg3A_779 : f32 to vector<16xf32>
      %neg3A_781 = arith.subf %neg3A_780, %scan3A_711#9 : vector<16xf32>
      %add3A_782 = arith.constant 128 : i32
      %add3A_783 = arith.addi %mul3A_722, %add3A_782 : i32
      %swap3A_784 = arith.index_cast %add3A_783 : i32 to index
      %swap3A_785 = tpu.vector_load %arg19[%swap3A_784] {strides = array<i32>} : memref<10240xf32, #tpu.memory_space<vmem>>, vector<16xf32>,
      tpu.vector_store %arg19[%swap3A_784], %neg3A_781 {strides = array<i32>} : memref<10240xf32, #tpu.memory_space<vmem>>, vector<16xf32>,
      %neg3A_786 = arith.constant 0.000000e+00 : f32
      %neg3A_787 = vector.broadcast %neg3A_786 : f32 to vector<16xf32>
      %neg3A_788 = arith.subf %neg3A_787, %scan3A_711#10 : vector<16xf32>
      %add3A_789 = arith.constant 144 : i32
      %add3A_790 = arith.addi %mul3A_722, %add3A_789 : i32
      %swap3A_791 = arith.index_cast %add3A_790 : i32 to index
      %swap3A_792 = tpu.vector_load %arg19[%swap3A_791] {strides = array<i32>} : memref<10240xf32, #tpu.memory_space<vmem>>, vector<16xf32>,
      tpu.vector_store %arg19[%swap3A_791], %neg3A_788 {strides = array<i32>} : memref<10240xf32, #tpu.memory_space<vmem>>, vector<16xf32>,
      %neg3A_793 = arith.constant 0.000000e+00 : f32
      %neg3A_794 = vector.broadcast %neg3A_793 : f32 to vector<16xf32>
      %neg3A_795 = arith.subf %neg3A_794, %scan3A_711#11 : vector<16xf32>
      %add3A_796 = arith.constant 160 : i32
      %add3A_797 = arith.addi %mul3A_722, %add3A_796 : i32
      %swap3A_798 = arith.index_cast %add3A_797 : i32 to index
      %swap3A_799 = tpu.vector_load %arg19[%swap3A_798] {strides = array<i32>} : memref<10240xf32, #tpu.memory_space<vmem>>, vector<16xf32>,
      tpu.vector_store %arg19[%swap3A_798], %neg3A_795 {strides = array<i32>} : memref<10240xf32, #tpu.memory_space<vmem>>, vector<16xf32>,
      %neg3A_800 = arith.constant 0.000000e+00 : f32
      %neg3A_801 = vector.broadcast %neg3A_800 : f32 to vector<16xf32>
      %neg3A_802 = arith.subf %neg3A_801, %scan3A_711#12 : vector<16xf32>
      %add3A_803 = arith.constant 176 : i32
      %add3A_804 = arith.addi %mul3A_722, %add3A_803 : i32
      %swap3A_805 = arith.index_cast %add3A_804 : i32 to index
      %swap3A_806 = tpu.vector_load %arg19[%swap3A_805] {strides = array<i32>} : memref<10240xf32, #tpu.memory_space<vmem>>, vector<16xf32>,
      tpu.vector_store %arg19[%swap3A_805], %neg3A_802 {strides = array<i32>} : memref<10240xf32, #tpu.memory_space<vmem>>, vector<16xf32>,
      %neg3A_807 = arith.constant 0.000000e+00 : f32
      %neg3A_808 = vector.broadcast %neg3A_807 : f32 to vector<16xf32>
      %neg3A_809 = arith.subf %neg3A_808, %scan3A_711#13 : vector<16xf32>
      %add3A_810 = arith.constant 192 : i32
      %add3A_811 = arith.addi %mul3A_722, %add3A_810 : i32
      %swap3A_812 = arith.index_cast %add3A_811 : i32 to index
      %swap3A_813 = tpu.vector_load %arg19[%swap3A_812] {strides = array<i32>} : memref<10240xf32, #tpu.memory_space<vmem>>, vector<16xf32>,
      tpu.vector_store %arg19[%swap3A_812], %neg3A_809 {strides = array<i32>} : memref<10240xf32, #tpu.memory_space<vmem>>, vector<16xf32>,
      %neg3A_814 = arith.constant 0.000000e+00 : f32
      %neg3A_815 = vector.broadcast %neg3A_814 : f32 to vector<16xf32>
      %neg3A_816 = arith.subf %neg3A_815, %scan3A_711#14 : vector<16xf32>
      %add3A_817 = arith.constant 208 : i32
      %add3A_818 = arith.addi %mul3A_722, %add3A_817 : i32
      %swap3A_819 = arith.index_cast %add3A_818 : i32 to index
      %swap3A_820 = tpu.vector_load %arg19[%swap3A_819] {strides = array<i32>} : memref<10240xf32, #tpu.memory_space<vmem>>, vector<16xf32>,
      tpu.vector_store %arg19[%swap3A_819], %neg3A_816 {strides = array<i32>} : memref<10240xf32, #tpu.memory_space<vmem>>, vector<16xf32>,
      %neg3A_821 = arith.constant 0.000000e+00 : f32
      %neg3A_822 = vector.broadcast %neg3A_821 : f32 to vector<16xf32>
      %neg3A_823 = arith.subf %neg3A_822, %scan3A_711#15 : vector<16xf32>
      %add3A_824 = arith.constant 224 : i32
      %add3A_825 = arith.addi %mul3A_722, %add3A_824 : i32
      %swap3A_826 = arith.index_cast %add3A_825 : i32 to index
      %swap3A_827 = tpu.vector_load %arg19[%swap3A_826] {strides = array<i32>} : memref<10240xf32, #tpu.memory_space<vmem>>, vector<16xf32>,
      tpu.vector_store %arg19[%swap3A_826], %neg3A_823 {strides = array<i32>} : memref<10240xf32, #tpu.memory_space<vmem>>, vector<16xf32>,
      %neg3A_828 = arith.constant 0.000000e+00 : f32
      %neg3A_829 = vector.broadcast %neg3A_828 : f32 to vector<16xf32>
      %neg3A_830 = arith.subf %neg3A_829, %scan3A_711#16 : vector<16xf32>
      %add3A_831 = arith.constant 240 : i32
      %add3A_832 = arith.addi %mul3A_722, %add3A_831 : i32
      %swap3A_833 = arith.index_cast %add3A_832 : i32 to index
      %swap3A_834 = tpu.vector_load %arg19[%swap3A_833] {strides = array<i32>} : memref<10240xf32, #tpu.memory_space<vmem>>, vector<16xf32>,
      tpu.vector_store %arg19[%swap3A_833], %neg3A_830 {strides = array<i32>} : memref<10240xf32, #tpu.memory_space<vmem>>, vector<16xf32>,
      %neg3A_835 = arith.constant 0.000000e+00 : f32
      %neg3A_836 = vector.broadcast %neg3A_835 : f32 to vector<16xf32>
      %neg3A_837 = arith.subf %neg3A_836, %scan3A_711#17 : vector<16xf32>
      %add3A_838 = arith.constant 256 : i32
      %add3A_839 = arith.addi %mul3A_722, %add3A_838 : i32
      %swap3A_840 = arith.index_cast %add3A_839 : i32 to index
      %swap3A_841 = tpu.vector_load %arg19[%swap3A_840] {strides = array<i32>} : memref<10240xf32, #tpu.memory_space<vmem>>, vector<16xf32>,
      tpu.vector_store %arg19[%swap3A_840], %neg3A_837 {strides = array<i32>} : memref<10240xf32, #tpu.memory_space<vmem>>, vector<16xf32>,
      %neg3A_842 = arith.constant 0.000000e+00 : f32
      %neg3A_843 = vector.broadcast %neg3A_842 : f32 to vector<16xf32>
      %neg3A_844 = arith.subf %neg3A_843, %scan3A_711#18 : vector<16xf32>
      %add3A_845 = arith.constant 272 : i32
      %add3A_846 = arith.addi %mul3A_722, %add3A_845 : i32
      %swap3A_847 = arith.index_cast %add3A_846 : i32 to index
      %swap3A_848 = tpu.vector_load %arg19[%swap3A_847] {strides = array<i32>} : memref<10240xf32, #tpu.memory_space<vmem>>, vector<16xf32>,
      tpu.vector_store %arg19[%swap3A_847], %neg3A_844 {strides = array<i32>} : memref<10240xf32, #tpu.memory_space<vmem>>, vector<16xf32>,
      %neg3A_849 = arith.constant 0.000000e+00 : f32
      %neg3A_850 = vector.broadcast %neg3A_849 : f32 to vector<16xf32>
      %neg3A_851 = arith.subf %neg3A_850, %scan3A_711#19 : vector<16xf32>
      %add3A_852 = arith.constant 288 : i32
      %add3A_853 = arith.addi %mul3A_722, %add3A_852 : i32
      %swap3A_854 = arith.index_cast %add3A_853 : i32 to index
      %swap3A_855 = tpu.vector_load %arg19[%swap3A_854] {strides = array<i32>} : memref<10240xf32, #tpu.memory_space<vmem>>, vector<16xf32>,
      tpu.vector_store %arg19[%swap3A_854], %neg3A_851 {strides = array<i32>} : memref<10240xf32, #tpu.memory_space<vmem>>, vector<16xf32>,
      %neg3A_856 = arith.constant 0.000000e+00 : f32
      %neg3A_857 = vector.broadcast %neg3A_856 : f32 to vector<16xf32>
      %neg3A_858 = arith.subf %neg3A_857, %scan3A_711#20 : vector<16xf32>
      %add3A_859 = arith.constant 304 : i32
      %add3A_860 = arith.addi %mul3A_722, %add3A_859 : i32
      %swap3A_861 = arith.index_cast %add3A_860 : i32 to index
      %swap3A_862 = tpu.vector_load %arg19[%swap3A_861] {strides = array<i32>} : memref<10240xf32, #tpu.memory_space<vmem>>, vector<16xf32>,
      tpu.vector_store %arg19[%swap3A_861], %neg3A_858 {strides = array<i32>} : memref<10240xf32, #tpu.memory_space<vmem>>, vector<16xf32>,
      %add3A_863 = arith.constant 16 : i32
      %add3A_864 = vector.broadcast %add3A_863 : i32 to vector<16xi32>
      %add3A_865 = arith.addi %add3A_864, %iota3A : vector<16xi32>
      %mul3A_866 = arith.constant 20 : i32
      %mul3A_867 = vector.broadcast %mul3A_866 : i32 to vector<16xi32>
      %mul3A_868 = arith.muli %add3A_865, %mul3A_867 : vector<16xi32>
      %broadcast_in_dim3A_869 = arith.constant 0.000000e+00 : f32
      %broadcast_in_dim3A_870 = vector.broadcast %broadcast_in_dim3A_869 : f32 to vector<16xf32>
      %broadcast_in_dim3A_871 = arith.constant 0.000000e+00 : f32
      %broadcast_in_dim3A_872 = vector.broadcast %broadcast_in_dim3A_871 : f32 to vector<16xf32>
      %broadcast_in_dim3A_873 = arith.constant 0.000000e+00 : f32
      %broadcast_in_dim3A_874 = vector.broadcast %broadcast_in_dim3A_873 : f32 to vector<16xf32>
      %broadcast_in_dim3A_875 = arith.constant 0.000000e+00 : f32
      %broadcast_in_dim3A_876 = vector.broadcast %broadcast_in_dim3A_875 : f32 to vector<16xf32>
      %broadcast_in_dim3A_877 = arith.constant 0.000000e+00 : f32
      %broadcast_in_dim3A_878 = vector.broadcast %broadcast_in_dim3A_877 : f32 to vector<16xf32>
      %broadcast_in_dim3A_879 = arith.constant 0.000000e+00 : f32
      %broadcast_in_dim3A_880 = vector.broadcast %broadcast_in_dim3A_879 : f32 to vector<16xf32>
      %broadcast_in_dim3A_881 = arith.constant 0.000000e+00 : f32
      %broadcast_in_dim3A_882 = vector.broadcast %broadcast_in_dim3A_881 : f32 to vector<16xf32>
      %broadcast_in_dim3A_883 = arith.constant 0.000000e+00 : f32
      %broadcast_in_dim3A_884 = vector.broadcast %broadcast_in_dim3A_883 : f32 to vector<16xf32>
      %broadcast_in_dim3A_885 = arith.constant 0.000000e+00 : f32
      %broadcast_in_dim3A_886 = vector.broadcast %broadcast_in_dim3A_885 : f32 to vector<16xf32>
      %broadcast_in_dim3A_887 = arith.constant 0.000000e+00 : f32
      %broadcast_in_dim3A_888 = vector.broadcast %broadcast_in_dim3A_887 : f32 to vector<16xf32>
      %broadcast_in_dim3A_889 = arith.constant 0.000000e+00 : f32
      %broadcast_in_dim3A_890 = vector.broadcast %broadcast_in_dim3A_889 : f32 to vector<16xf32>
      %broadcast_in_dim3A_891 = arith.constant 0.000000e+00 : f32
      %broadcast_in_dim3A_892 = vector.broadcast %broadcast_in_dim3A_891 : f32 to vector<16xf32>
      %broadcast_in_dim3A_893 = arith.constant 0.000000e+00 : f32
      %broadcast_in_dim3A_894 = vector.broadcast %broadcast_in_dim3A_893 : f32 to vector<16xf32>
      %broadcast_in_dim3A_895 = arith.constant 0.000000e+00 : f32
      %broadcast_in_dim3A_896 = vector.broadcast %broadcast_in_dim3A_895 : f32 to vector<16xf32>
      %broadcast_in_dim3A_897 = arith.constant 0.000000e+00 : f32
      %broadcast_in_dim3A_898 = vector.broadcast %broadcast_in_dim3A_897 : f32 to vector<16xf32>
      %broadcast_in_dim3A_899 = arith.constant 0.000000e+00 : f32
      %broadcast_in_dim3A_900 = vector.broadcast %broadcast_in_dim3A_899 : f32 to vector<16xf32>
      %broadcast_in_dim3A_901 = arith.constant 0.000000e+00 : f32
      %broadcast_in_dim3A_902 = vector.broadcast %broadcast_in_dim3A_901 : f32 to vector<16xf32>
      %broadcast_in_dim3A_903 = arith.constant 0.000000e+00 : f32
      %broadcast_in_dim3A_904 = vector.broadcast %broadcast_in_dim3A_903 : f32 to vector<16xf32>
      %broadcast_in_dim3A_905 = arith.constant 0.000000e+00 : f32
      %broadcast_in_dim3A_906 = vector.broadcast %broadcast_in_dim3A_905 : f32 to vector<16xf32>
      %broadcast_in_dim3A_907 = arith.constant 0.000000e+00 : f32
      %broadcast_in_dim3A_908 = vector.broadcast %broadcast_in_dim3A_907 : f32 to vector<16xf32>
      %broadcast_in_dim3A_909 = arith.constant 0.000000e+00 : f32
      %broadcast_in_dim3A_910 = vector.broadcast %broadcast_in_dim3A_909 : f32 to vector<16xf32>
      %scan3A_911 = arith.constant 0 : i32
      %scan3A_912 = arith.constant 64 : i32
      %scan3A_913 = arith.addi %scan3A_911, %scan3A_912 : i32
      %scan3A_914 = arith.constant 1 : i32
      %scan3A_915:21 = scf.for %scan3A_1067 = %scan3A_911 to %scan3A_913 step %scan3A_914 iter_args(%scan3A_1068 = %broadcast_in_dim3A_870, %scan3A_1069 = %broadcast_in_dim3A_872, %scan3A_1070 = %broadcast_in_dim3A_874, %scan3A_1071 = %broadcast_in_dim3A_876, %scan3A_1072 = %broadcast_in_dim3A_878, %scan3A_1073 = %broadcast_in_dim3A_880, %scan3A_1074 = %broadcast_in_dim3A_882, %scan3A_1075 = %broadcast_in_dim3A_884, %scan3A_1076 = %broadcast_in_dim3A_886, %scan3A_1077 = %broadcast_in_dim3A_888, %scan3A_1078 = %broadcast_in_dim3A_890, %scan3A_1079 = %broadcast_in_dim3A_892, %scan3A_1080 = %broadcast_in_dim3A_894, %scan3A_1081 = %broadcast_in_dim3A_896, %scan3A_1082 = %broadcast_in_dim3A_898, %scan3A_1083 = %broadcast_in_dim3A_900, %scan3A_1084 = %broadcast_in_dim3A_902, %scan3A_1085 = %broadcast_in_dim3A_904, %scan3A_1086 = %broadcast_in_dim3A_906, %scan3A_1087 = %broadcast_in_dim3A_908, %scan3A_1088 = %broadcast_in_dim3A_910) -> (vector<16xf32>, vector<16xf32>, vector<16xf32>, vector<16xf32>, vector<16xf32>, vector<16xf32>, vector<16xf32>, vector<16xf32>, vector<16xf32>, vector<16xf32>, vector<16xf32>, vector<16xf32>, vector<16xf32>, vector<16xf32>, vector<16xf32>, vector<16xf32>, vector<16xf32>, vector<16xf32>, vector<16xf32>, vector<16xf32>, vector<16xf32>)  : i32 {
        %add3A_1089 = vector.broadcast %scan3A_1067 : i32 to vector<16xi32>
        %add3A_1090 = arith.addi %add3A_1089, %iota3A : vector<16xi32>
        %and3A = arith.constant 63 : i32
        %and3A_1091 = vector.broadcast %and3A : i32 to vector<16xi32>
        %and3A_1092 = arith.andi %add3A_1090, %and3A_1091 : vector<16xi32>
        %gather3A = tpu.vector_load_idx %arg16[%add3A_865, %and3A_1092] : memref<32x64xf32, #tpu.memory_space<vmem>>[vector<16xi32>, vector<16xi32>], vector<16xf32>,
        %gather3A_1093 = tpu.vector_load_idx %arg15[%add3A_865, %and3A_1092] : memref<32x64xf32, #tpu.memory_space<vmem>>[vector<16xi32>, vector<16xi32>], vector<16xf32>,
        %mul3A_1094 = arith.mulf %gather3A, %gather3A_1093 : vector<16xf32>
        %add3A_1095 = arith.addf %scan3A_1068, %mul3A_1094 : vector<16xf32>
        %add3A_1096 = arith.constant 0 : i32
        %add3A_1097 = vector.broadcast %add3A_1096 : i32 to vector<16xi32>
        %add3A_1098 = arith.addi %mul3A_868, %add3A_1097 : vector<16xi32>
        %gather3A_1099 = tpu.vector_load_idx %arg17[%add3A_1098, %and3A_1092] : memref<640x64xf32, #tpu.memory_space<vmem>>[vector<16xi32>, vector<16xi32>], vector<16xf32>,
        %mul3A_1100 = arith.mulf %gather3A_1099, %gather3A : vector<16xf32>
        %add3A_1101 = arith.addf %scan3A_1069, %mul3A_1100 : vector<16xf32>
        %add3A_1102 = arith.constant 1 : i32
        %add3A_1103 = vector.broadcast %add3A_1102 : i32 to vector<16xi32>
        %add3A_1104 = arith.addi %mul3A_868, %add3A_1103 : vector<16xi32>
        %gather3A_1105 = tpu.vector_load_idx %arg17[%add3A_1104, %and3A_1092] : memref<640x64xf32, #tpu.memory_space<vmem>>[vector<16xi32>, vector<16xi32>], vector<16xf32>,
        %mul3A_1106 = arith.mulf %gather3A_1105, %gather3A : vector<16xf32>
        %add3A_1107 = arith.addf %scan3A_1070, %mul3A_1106 : vector<16xf32>
        %add3A_1108 = arith.constant 2 : i32
        %add3A_1109 = vector.broadcast %add3A_1108 : i32 to vector<16xi32>
        %add3A_1110 = arith.addi %mul3A_868, %add3A_1109 : vector<16xi32>
        %gather3A_1111 = tpu.vector_load_idx %arg17[%add3A_1110, %and3A_1092] : memref<640x64xf32, #tpu.memory_space<vmem>>[vector<16xi32>, vector<16xi32>], vector<16xf32>,
        %mul3A_1112 = arith.mulf %gather3A_1111, %gather3A : vector<16xf32>
        %add3A_1113 = arith.addf %scan3A_1071, %mul3A_1112 : vector<16xf32>
        %add3A_1114 = arith.constant 3 : i32
        %add3A_1115 = vector.broadcast %add3A_1114 : i32 to vector<16xi32>
        %add3A_1116 = arith.addi %mul3A_868, %add3A_1115 : vector<16xi32>
        %gather3A_1117 = tpu.vector_load_idx %arg17[%add3A_1116, %and3A_1092] : memref<640x64xf32, #tpu.memory_space<vmem>>[vector<16xi32>, vector<16xi32>], vector<16xf32>,
        %mul3A_1118 = arith.mulf %gather3A_1117, %gather3A : vector<16xf32>
        %add3A_1119 = arith.addf %scan3A_1072, %mul3A_1118 : vector<16xf32>
        %add3A_1120 = arith.constant 4 : i32
        %add3A_1121 = vector.broadcast %add3A_1120 : i32 to vector<16xi32>
        %add3A_1122 = arith.addi %mul3A_868, %add3A_1121 : vector<16xi32>
        %gather3A_1123 = tpu.vector_load_idx %arg17[%add3A_1122, %and3A_1092] : memref<640x64xf32, #tpu.memory_space<vmem>>[vector<16xi32>, vector<16xi32>], vector<16xf32>,
        %mul3A_1124 = arith.mulf %gather3A_1123, %gather3A : vector<16xf32>
        %add3A_1125 = arith.addf %scan3A_1073, %mul3A_1124 : vector<16xf32>
        %add3A_1126 = arith.constant 5 : i32
        %add3A_1127 = vector.broadcast %add3A_1126 : i32 to vector<16xi32>
        %add3A_1128 = arith.addi %mul3A_868, %add3A_1127 : vector<16xi32>
        %gather3A_1129 = tpu.vector_load_idx %arg17[%add3A_1128, %and3A_1092] : memref<640x64xf32, #tpu.memory_space<vmem>>[vector<16xi32>, vector<16xi32>], vector<16xf32>,
        %mul3A_1130 = arith.mulf %gather3A_1129, %gather3A : vector<16xf32>
        %add3A_1131 = arith.addf %scan3A_1074, %mul3A_1130 : vector<16xf32>
        %add3A_1132 = arith.constant 6 : i32
        %add3A_1133 = vector.broadcast %add3A_1132 : i32 to vector<16xi32>
        %add3A_1134 = arith.addi %mul3A_868, %add3A_1133 : vector<16xi32>
        %gather3A_1135 = tpu.vector_load_idx %arg17[%add3A_1134, %and3A_1092] : memref<640x64xf32, #tpu.memory_space<vmem>>[vector<16xi32>, vector<16xi32>], vector<16xf32>,
        %mul3A_1136 = arith.mulf %gather3A_1135, %gather3A : vector<16xf32>
        %add3A_1137 = arith.addf %scan3A_1075, %mul3A_1136 : vector<16xf32>
        %add3A_1138 = arith.constant 7 : i32
        %add3A_1139 = vector.broadcast %add3A_1138 : i32 to vector<16xi32>
        %add3A_1140 = arith.addi %mul3A_868, %add3A_1139 : vector<16xi32>
        %gather3A_1141 = tpu.vector_load_idx %arg17[%add3A_1140, %and3A_1092] : memref<640x64xf32, #tpu.memory_space<vmem>>[vector<16xi32>, vector<16xi32>], vector<16xf32>,
        %mul3A_1142 = arith.mulf %gather3A_1141, %gather3A : vector<16xf32>
        %add3A_1143 = arith.addf %scan3A_1076, %mul3A_1142 : vector<16xf32>
        %add3A_1144 = arith.constant 8 : i32
        %add3A_1145 = vector.broadcast %add3A_1144 : i32 to vector<16xi32>
        %add3A_1146 = arith.addi %mul3A_868, %add3A_1145 : vector<16xi32>
        %gather3A_1147 = tpu.vector_load_idx %arg17[%add3A_1146, %and3A_1092] : memref<640x64xf32, #tpu.memory_space<vmem>>[vector<16xi32>, vector<16xi32>], vector<16xf32>,
        %mul3A_1148 = arith.mulf %gather3A_1147, %gather3A : vector<16xf32>
        %add3A_1149 = arith.addf %scan3A_1077, %mul3A_1148 : vector<16xf32>
        %add3A_1150 = arith.constant 9 : i32
        %add3A_1151 = vector.broadcast %add3A_1150 : i32 to vector<16xi32>
        %add3A_1152 = arith.addi %mul3A_868, %add3A_1151 : vector<16xi32>
        %gather3A_1153 = tpu.vector_load_idx %arg17[%add3A_1152, %and3A_1092] : memref<640x64xf32, #tpu.memory_space<vmem>>[vector<16xi32>, vector<16xi32>], vector<16xf32>,
        %mul3A_1154 = arith.mulf %gather3A_1153, %gather3A : vector<16xf32>
        %add3A_1155 = arith.addf %scan3A_1078, %mul3A_1154 : vector<16xf32>
        %add3A_1156 = arith.constant 10 : i32
        %add3A_1157 = vector.broadcast %add3A_1156 : i32 to vector<16xi32>
        %add3A_1158 = arith.addi %mul3A_868, %add3A_1157 : vector<16xi32>
        %gather3A_1159 = tpu.vector_load_idx %arg17[%add3A_1158, %and3A_1092] : memref<640x64xf32, #tpu.memory_space<vmem>>[vector<16xi32>, vector<16xi32>], vector<16xf32>,
        %mul3A_1160 = arith.mulf %gather3A_1159, %gather3A : vector<16xf32>
        %add3A_1161 = arith.addf %scan3A_1079, %mul3A_1160 : vector<16xf32>
        %add3A_1162 = arith.constant 11 : i32
        %add3A_1163 = vector.broadcast %add3A_1162 : i32 to vector<16xi32>
        %add3A_1164 = arith.addi %mul3A_868, %add3A_1163 : vector<16xi32>
        %gather3A_1165 = tpu.vector_load_idx %arg17[%add3A_1164, %and3A_1092] : memref<640x64xf32, #tpu.memory_space<vmem>>[vector<16xi32>, vector<16xi32>], vector<16xf32>,
        %mul3A_1166 = arith.mulf %gather3A_1165, %gather3A : vector<16xf32>
        %add3A_1167 = arith.addf %scan3A_1080, %mul3A_1166 : vector<16xf32>
        %add3A_1168 = arith.constant 12 : i32
        %add3A_1169 = vector.broadcast %add3A_1168 : i32 to vector<16xi32>
        %add3A_1170 = arith.addi %mul3A_868, %add3A_1169 : vector<16xi32>
        %gather3A_1171 = tpu.vector_load_idx %arg17[%add3A_1170, %and3A_1092] : memref<640x64xf32, #tpu.memory_space<vmem>>[vector<16xi32>, vector<16xi32>], vector<16xf32>,
        %mul3A_1172 = arith.mulf %gather3A_1171, %gather3A : vector<16xf32>
        %add3A_1173 = arith.addf %scan3A_1081, %mul3A_1172 : vector<16xf32>
        %add3A_1174 = arith.constant 13 : i32
        %add3A_1175 = vector.broadcast %add3A_1174 : i32 to vector<16xi32>
        %add3A_1176 = arith.addi %mul3A_868, %add3A_1175 : vector<16xi32>
        %gather3A_1177 = tpu.vector_load_idx %arg17[%add3A_1176, %and3A_1092] : memref<640x64xf32, #tpu.memory_space<vmem>>[vector<16xi32>, vector<16xi32>], vector<16xf32>,
        %mul3A_1178 = arith.mulf %gather3A_1177, %gather3A : vector<16xf32>
        %add3A_1179 = arith.addf %scan3A_1082, %mul3A_1178 : vector<16xf32>
        %add3A_1180 = arith.constant 14 : i32
        %add3A_1181 = vector.broadcast %add3A_1180 : i32 to vector<16xi32>
        %add3A_1182 = arith.addi %mul3A_868, %add3A_1181 : vector<16xi32>
        %gather3A_1183 = tpu.vector_load_idx %arg17[%add3A_1182, %and3A_1092] : memref<640x64xf32, #tpu.memory_space<vmem>>[vector<16xi32>, vector<16xi32>], vector<16xf32>,
        %mul3A_1184 = arith.mulf %gather3A_1183, %gather3A : vector<16xf32>
        %add3A_1185 = arith.addf %scan3A_1083, %mul3A_1184 : vector<16xf32>
        %add3A_1186 = arith.constant 15 : i32
        %add3A_1187 = vector.broadcast %add3A_1186 : i32 to vector<16xi32>
        %add3A_1188 = arith.addi %mul3A_868, %add3A_1187 : vector<16xi32>
        %gather3A_1189 = tpu.vector_load_idx %arg17[%add3A_1188, %and3A_1092] : memref<640x64xf32, #tpu.memory_space<vmem>>[vector<16xi32>, vector<16xi32>], vector<16xf32>,
        %mul3A_1190 = arith.mulf %gather3A_1189, %gather3A : vector<16xf32>
        %add3A_1191 = arith.addf %scan3A_1084, %mul3A_1190 : vector<16xf32>
        %add3A_1192 = arith.constant 16 : i32
        %add3A_1193 = vector.broadcast %add3A_1192 : i32 to vector<16xi32>
        %add3A_1194 = arith.addi %mul3A_868, %add3A_1193 : vector<16xi32>
        %gather3A_1195 = tpu.vector_load_idx %arg17[%add3A_1194, %and3A_1092] : memref<640x64xf32, #tpu.memory_space<vmem>>[vector<16xi32>, vector<16xi32>], vector<16xf32>,
        %mul3A_1196 = arith.mulf %gather3A_1195, %gather3A : vector<16xf32>
        %add3A_1197 = arith.addf %scan3A_1085, %mul3A_1196 : vector<16xf32>
        %add3A_1198 = arith.constant 17 : i32
        %add3A_1199 = vector.broadcast %add3A_1198 : i32 to vector<16xi32>
        %add3A_1200 = arith.addi %mul3A_868, %add3A_1199 : vector<16xi32>
        %gather3A_1201 = tpu.vector_load_idx %arg17[%add3A_1200, %and3A_1092] : memref<640x64xf32, #tpu.memory_space<vmem>>[vector<16xi32>, vector<16xi32>], vector<16xf32>,
        %mul3A_1202 = arith.mulf %gather3A_1201, %gather3A : vector<16xf32>
        %add3A_1203 = arith.addf %scan3A_1086, %mul3A_1202 : vector<16xf32>
        %add3A_1204 = arith.constant 18 : i32
        %add3A_1205 = vector.broadcast %add3A_1204 : i32 to vector<16xi32>
        %add3A_1206 = arith.addi %mul3A_868, %add3A_1205 : vector<16xi32>
        %gather3A_1207 = tpu.vector_load_idx %arg17[%add3A_1206, %and3A_1092] : memref<640x64xf32, #tpu.memory_space<vmem>>[vector<16xi32>, vector<16xi32>], vector<16xf32>,
        %mul3A_1208 = arith.mulf %gather3A_1207, %gather3A : vector<16xf32>
        %add3A_1209 = arith.addf %scan3A_1087, %mul3A_1208 : vector<16xf32>
        %add3A_1210 = arith.constant 19 : i32
        %add3A_1211 = vector.broadcast %add3A_1210 : i32 to vector<16xi32>
        %add3A_1212 = arith.addi %mul3A_868, %add3A_1211 : vector<16xi32>
        %gather3A_1213 = tpu.vector_load_idx %arg17[%add3A_1212, %and3A_1092] : memref<640x64xf32, #tpu.memory_space<vmem>>[vector<16xi32>, vector<16xi32>], vector<16xf32>,
        %mul3A_1214 = arith.mulf %gather3A_1213, %gather3A : vector<16xf32>
        %add3A_1215 = arith.addf %scan3A_1088, %mul3A_1214 : vector<16xf32>
        scf.yield %add3A_1095, %add3A_1101, %add3A_1107, %add3A_1113, %add3A_1119, %add3A_1125, %add3A_1131, %add3A_1137, %add3A_1143, %add3A_1149, %add3A_1155, %add3A_1161, %add3A_1167, %add3A_1173, %add3A_1179, %add3A_1185, %add3A_1191, %add3A_1197, %add3A_1203, %add3A_1209, %add3A_1215 : vector<16xf32>, vector<16xf32>, vector<16xf32>, vector<16xf32>, vector<16xf32>, vector<16xf32>, vector<16xf32>, vector<16xf32>, vector<16xf32>, vector<16xf32>, vector<16xf32>, vector<16xf32>, vector<16xf32>, vector<16xf32>, vector<16xf32>, vector<16xf32>, vector<16xf32>, vector<16xf32>, vector<16xf32>, vector<16xf32>, vector<16xf32>
      }
      %scan3A_916 = arith.constant 64 : i32
      %add3A_917 = arith.constant 16 : i32
      %add3A_918 = arith.addi %mul3A_658, %add3A_917 : i32
      %swap3A_919 = arith.index_cast %add3A_918 : i32 to index
      %swap3A_920 = tpu.vector_load %arg18[%swap3A_919] {strides = array<i32>} : memref<512xf32, #tpu.memory_space<vmem>>, vector<16xf32>,
      tpu.vector_store %arg18[%swap3A_919], %scan3A_915#0 {strides = array<i32>} : memref<512xf32, #tpu.memory_space<vmem>>, vector<16xf32>,
      %mul3A_921 = arith.constant 2 : i32
      %mul3A_922 = arith.muli %add3A_656, %mul3A_921 : i32
      %add3A_923 = arith.constant 1 : i32
      %add3A_924 = arith.addi %mul3A_922, %add3A_923 : i32
      %mul3A_925 = arith.constant 320 : i32
      %mul3A_926 = arith.muli %add3A_924, %mul3A_925 : i32
      %neg3A_927 = arith.constant 0.000000e+00 : f32
      %neg3A_928 = vector.broadcast %neg3A_927 : f32 to vector<16xf32>
      %neg3A_929 = arith.subf %neg3A_928, %scan3A_915#1 : vector<16xf32>
      %add3A_930 = arith.constant 0 : i32
      %add3A_931 = arith.addi %mul3A_926, %add3A_930 : i32
      %swap3A_932 = arith.index_cast %add3A_931 : i32 to index
      %swap3A_933 = tpu.vector_load %arg19[%swap3A_932] {strides = array<i32>} : memref<10240xf32, #tpu.memory_space<vmem>>, vector<16xf32>,
      tpu.vector_store %arg19[%swap3A_932], %neg3A_929 {strides = array<i32>} : memref<10240xf32, #tpu.memory_space<vmem>>, vector<16xf32>,
      %neg3A_934 = arith.constant 0.000000e+00 : f32
      %neg3A_935 = vector.broadcast %neg3A_934 : f32 to vector<16xf32>
      %neg3A_936 = arith.subf %neg3A_935, %scan3A_915#2 : vector<16xf32>
      %add3A_937 = arith.constant 16 : i32
      %add3A_938 = arith.addi %mul3A_926, %add3A_937 : i32
      %swap3A_939 = arith.index_cast %add3A_938 : i32 to index
      %swap3A_940 = tpu.vector_load %arg19[%swap3A_939] {strides = array<i32>} : memref<10240xf32, #tpu.memory_space<vmem>>, vector<16xf32>,
      tpu.vector_store %arg19[%swap3A_939], %neg3A_936 {strides = array<i32>} : memref<10240xf32, #tpu.memory_space<vmem>>, vector<16xf32>,
      %neg3A_941 = arith.constant 0.000000e+00 : f32
      %neg3A_942 = vector.broadcast %neg3A_941 : f32 to vector<16xf32>
      %neg3A_943 = arith.subf %neg3A_942, %scan3A_915#3 : vector<16xf32>
      %add3A_944 = arith.constant 32 : i32
      %add3A_945 = arith.addi %mul3A_926, %add3A_944 : i32
      %swap3A_946 = arith.index_cast %add3A_945 : i32 to index
      %swap3A_947 = tpu.vector_load %arg19[%swap3A_946] {strides = array<i32>} : memref<10240xf32, #tpu.memory_space<vmem>>, vector<16xf32>,
      tpu.vector_store %arg19[%swap3A_946], %neg3A_943 {strides = array<i32>} : memref<10240xf32, #tpu.memory_space<vmem>>, vector<16xf32>,
      %neg3A_948 = arith.constant 0.000000e+00 : f32
      %neg3A_949 = vector.broadcast %neg3A_948 : f32 to vector<16xf32>
      %neg3A_950 = arith.subf %neg3A_949, %scan3A_915#4 : vector<16xf32>
      %add3A_951 = arith.constant 48 : i32
      %add3A_952 = arith.addi %mul3A_926, %add3A_951 : i32
      %swap3A_953 = arith.index_cast %add3A_952 : i32 to index
      %swap3A_954 = tpu.vector_load %arg19[%swap3A_953] {strides = array<i32>} : memref<10240xf32, #tpu.memory_space<vmem>>, vector<16xf32>,
      tpu.vector_store %arg19[%swap3A_953], %neg3A_950 {strides = array<i32>} : memref<10240xf32, #tpu.memory_space<vmem>>, vector<16xf32>,
      %neg3A_955 = arith.constant 0.000000e+00 : f32
      %neg3A_956 = vector.broadcast %neg3A_955 : f32 to vector<16xf32>
      %neg3A_957 = arith.subf %neg3A_956, %scan3A_915#5 : vector<16xf32>
      %add3A_958 = arith.constant 64 : i32
      %add3A_959 = arith.addi %mul3A_926, %add3A_958 : i32
      %swap3A_960 = arith.index_cast %add3A_959 : i32 to index
      %swap3A_961 = tpu.vector_load %arg19[%swap3A_960] {strides = array<i32>} : memref<10240xf32, #tpu.memory_space<vmem>>, vector<16xf32>,
      tpu.vector_store %arg19[%swap3A_960], %neg3A_957 {strides = array<i32>} : memref<10240xf32, #tpu.memory_space<vmem>>, vector<16xf32>,
      %neg3A_962 = arith.constant 0.000000e+00 : f32
      %neg3A_963 = vector.broadcast %neg3A_962 : f32 to vector<16xf32>
      %neg3A_964 = arith.subf %neg3A_963, %scan3A_915#6 : vector<16xf32>
      %add3A_965 = arith.constant 80 : i32
      %add3A_966 = arith.addi %mul3A_926, %add3A_965 : i32
      %swap3A_967 = arith.index_cast %add3A_966 : i32 to index
      %swap3A_968 = tpu.vector_load %arg19[%swap3A_967] {strides = array<i32>} : memref<10240xf32, #tpu.memory_space<vmem>>, vector<16xf32>,
      tpu.vector_store %arg19[%swap3A_967], %neg3A_964 {strides = array<i32>} : memref<10240xf32, #tpu.memory_space<vmem>>, vector<16xf32>,
      %neg3A_969 = arith.constant 0.000000e+00 : f32
      %neg3A_970 = vector.broadcast %neg3A_969 : f32 to vector<16xf32>
      %neg3A_971 = arith.subf %neg3A_970, %scan3A_915#7 : vector<16xf32>
      %add3A_972 = arith.constant 96 : i32
      %add3A_973 = arith.addi %mul3A_926, %add3A_972 : i32
      %swap3A_974 = arith.index_cast %add3A_973 : i32 to index
      %swap3A_975 = tpu.vector_load %arg19[%swap3A_974] {strides = array<i32>} : memref<10240xf32, #tpu.memory_space<vmem>>, vector<16xf32>,
      tpu.vector_store %arg19[%swap3A_974], %neg3A_971 {strides = array<i32>} : memref<10240xf32, #tpu.memory_space<vmem>>, vector<16xf32>,
      %neg3A_976 = arith.constant 0.000000e+00 : f32
      %neg3A_977 = vector.broadcast %neg3A_976 : f32 to vector<16xf32>
      %neg3A_978 = arith.subf %neg3A_977, %scan3A_915#8 : vector<16xf32>
      %add3A_979 = arith.constant 112 : i32
      %add3A_980 = arith.addi %mul3A_926, %add3A_979 : i32
      %swap3A_981 = arith.index_cast %add3A_980 : i32 to index
      %swap3A_982 = tpu.vector_load %arg19[%swap3A_981] {strides = array<i32>} : memref<10240xf32, #tpu.memory_space<vmem>>, vector<16xf32>,
      tpu.vector_store %arg19[%swap3A_981], %neg3A_978 {strides = array<i32>} : memref<10240xf32, #tpu.memory_space<vmem>>, vector<16xf32>,
      %neg3A_983 = arith.constant 0.000000e+00 : f32
      %neg3A_984 = vector.broadcast %neg3A_983 : f32 to vector<16xf32>
      %neg3A_985 = arith.subf %neg3A_984, %scan3A_915#9 : vector<16xf32>
      %add3A_986 = arith.constant 128 : i32
      %add3A_987 = arith.addi %mul3A_926, %add3A_986 : i32
      %swap3A_988 = arith.index_cast %add3A_987 : i32 to index
      %swap3A_989 = tpu.vector_load %arg19[%swap3A_988] {strides = array<i32>} : memref<10240xf32, #tpu.memory_space<vmem>>, vector<16xf32>,
      tpu.vector_store %arg19[%swap3A_988], %neg3A_985 {strides = array<i32>} : memref<10240xf32, #tpu.memory_space<vmem>>, vector<16xf32>,
      %neg3A_990 = arith.constant 0.000000e+00 : f32
      %neg3A_991 = vector.broadcast %neg3A_990 : f32 to vector<16xf32>
      %neg3A_992 = arith.subf %neg3A_991, %scan3A_915#10 : vector<16xf32>
      %add3A_993 = arith.constant 144 : i32
      %add3A_994 = arith.addi %mul3A_926, %add3A_993 : i32
      %swap3A_995 = arith.index_cast %add3A_994 : i32 to index
      %swap3A_996 = tpu.vector_load %arg19[%swap3A_995] {strides = array<i32>} : memref<10240xf32, #tpu.memory_space<vmem>>, vector<16xf32>,
      tpu.vector_store %arg19[%swap3A_995], %neg3A_992 {strides = array<i32>} : memref<10240xf32, #tpu.memory_space<vmem>>, vector<16xf32>,
      %neg3A_997 = arith.constant 0.000000e+00 : f32
      %neg3A_998 = vector.broadcast %neg3A_997 : f32 to vector<16xf32>
      %neg3A_999 = arith.subf %neg3A_998, %scan3A_915#11 : vector<16xf32>
      %add3A_1000 = arith.constant 160 : i32
      %add3A_1001 = arith.addi %mul3A_926, %add3A_1000 : i32
      %swap3A_1002 = arith.index_cast %add3A_1001 : i32 to index
      %swap3A_1003 = tpu.vector_load %arg19[%swap3A_1002] {strides = array<i32>} : memref<10240xf32, #tpu.memory_space<vmem>>, vector<16xf32>,
      tpu.vector_store %arg19[%swap3A_1002], %neg3A_999 {strides = array<i32>} : memref<10240xf32, #tpu.memory_space<vmem>>, vector<16xf32>,
      %neg3A_1004 = arith.constant 0.000000e+00 : f32
      %neg3A_1005 = vector.broadcast %neg3A_1004 : f32 to vector<16xf32>
      %neg3A_1006 = arith.subf %neg3A_1005, %scan3A_915#12 : vector<16xf32>
      %add3A_1007 = arith.constant 176 : i32
      %add3A_1008 = arith.addi %mul3A_926, %add3A_1007 : i32
      %swap3A_1009 = arith.index_cast %add3A_1008 : i32 to index
      %swap3A_1010 = tpu.vector_load %arg19[%swap3A_1009] {strides = array<i32>} : memref<10240xf32, #tpu.memory_space<vmem>>, vector<16xf32>,
      tpu.vector_store %arg19[%swap3A_1009], %neg3A_1006 {strides = array<i32>} : memref<10240xf32, #tpu.memory_space<vmem>>, vector<16xf32>,
      %neg3A_1011 = arith.constant 0.000000e+00 : f32
      %neg3A_1012 = vector.broadcast %neg3A_1011 : f32 to vector<16xf32>
      %neg3A_1013 = arith.subf %neg3A_1012, %scan3A_915#13 : vector<16xf32>
      %add3A_1014 = arith.constant 192 : i32
      %add3A_1015 = arith.addi %mul3A_926, %add3A_1014 : i32
      %swap3A_1016 = arith.index_cast %add3A_1015 : i32 to index
      %swap3A_1017 = tpu.vector_load %arg19[%swap3A_1016] {strides = array<i32>} : memref<10240xf32, #tpu.memory_space<vmem>>, vector<16xf32>,
      tpu.vector_store %arg19[%swap3A_1016], %neg3A_1013 {strides = array<i32>} : memref<10240xf32, #tpu.memory_space<vmem>>, vector<16xf32>,
      %neg3A_1018 = arith.constant 0.000000e+00 : f32
      %neg3A_1019 = vector.broadcast %neg3A_1018 : f32 to vector<16xf32>
      %neg3A_1020 = arith.subf %neg3A_1019, %scan3A_915#14 : vector<16xf32>
      %add3A_1021 = arith.constant 208 : i32
      %add3A_1022 = arith.addi %mul3A_926, %add3A_1021 : i32
      %swap3A_1023 = arith.index_cast %add3A_1022 : i32 to index
      %swap3A_1024 = tpu.vector_load %arg19[%swap3A_1023] {strides = array<i32>} : memref<10240xf32, #tpu.memory_space<vmem>>, vector<16xf32>,
      tpu.vector_store %arg19[%swap3A_1023], %neg3A_1020 {strides = array<i32>} : memref<10240xf32, #tpu.memory_space<vmem>>, vector<16xf32>,
      %neg3A_1025 = arith.constant 0.000000e+00 : f32
      %neg3A_1026 = vector.broadcast %neg3A_1025 : f32 to vector<16xf32>
      %neg3A_1027 = arith.subf %neg3A_1026, %scan3A_915#15 : vector<16xf32>
      %add3A_1028 = arith.constant 224 : i32
      %add3A_1029 = arith.addi %mul3A_926, %add3A_1028 : i32
      %swap3A_1030 = arith.index_cast %add3A_1029 : i32 to index
      %swap3A_1031 = tpu.vector_load %arg19[%swap3A_1030] {strides = array<i32>} : memref<10240xf32, #tpu.memory_space<vmem>>, vector<16xf32>,
      tpu.vector_store %arg19[%swap3A_1030], %neg3A_1027 {strides = array<i32>} : memref<10240xf32, #tpu.memory_space<vmem>>, vector<16xf32>,
      %neg3A_1032 = arith.constant 0.000000e+00 : f32
      %neg3A_1033 = vector.broadcast %neg3A_1032 : f32 to vector<16xf32>
      %neg3A_1034 = arith.subf %neg3A_1033, %scan3A_915#16 : vector<16xf32>
      %add3A_1035 = arith.constant 240 : i32
      %add3A_1036 = arith.addi %mul3A_926, %add3A_1035 : i32
      %swap3A_1037 = arith.index_cast %add3A_1036 : i32 to index
      %swap3A_1038 = tpu.vector_load %arg19[%swap3A_1037] {strides = array<i32>} : memref<10240xf32, #tpu.memory_space<vmem>>, vector<16xf32>,
      tpu.vector_store %arg19[%swap3A_1037], %neg3A_1034 {strides = array<i32>} : memref<10240xf32, #tpu.memory_space<vmem>>, vector<16xf32>,
      %neg3A_1039 = arith.constant 0.000000e+00 : f32
      %neg3A_1040 = vector.broadcast %neg3A_1039 : f32 to vector<16xf32>
      %neg3A_1041 = arith.subf %neg3A_1040, %scan3A_915#17 : vector<16xf32>
      %add3A_1042 = arith.constant 256 : i32
      %add3A_1043 = arith.addi %mul3A_926, %add3A_1042 : i32
      %swap3A_1044 = arith.index_cast %add3A_1043 : i32 to index
      %swap3A_1045 = tpu.vector_load %arg19[%swap3A_1044] {strides = array<i32>} : memref<10240xf32, #tpu.memory_space<vmem>>, vector<16xf32>,
      tpu.vector_store %arg19[%swap3A_1044], %neg3A_1041 {strides = array<i32>} : memref<10240xf32, #tpu.memory_space<vmem>>, vector<16xf32>,
      %neg3A_1046 = arith.constant 0.000000e+00 : f32
      %neg3A_1047 = vector.broadcast %neg3A_1046 : f32 to vector<16xf32>
      %neg3A_1048 = arith.subf %neg3A_1047, %scan3A_915#18 : vector<16xf32>
      %add3A_1049 = arith.constant 272 : i32
      %add3A_1050 = arith.addi %mul3A_926, %add3A_1049 : i32
      %swap3A_1051 = arith.index_cast %add3A_1050 : i32 to index
      %swap3A_1052 = tpu.vector_load %arg19[%swap3A_1051] {strides = array<i32>} : memref<10240xf32, #tpu.memory_space<vmem>>, vector<16xf32>,
      tpu.vector_store %arg19[%swap3A_1051], %neg3A_1048 {strides = array<i32>} : memref<10240xf32, #tpu.memory_space<vmem>>, vector<16xf32>,
      %neg3A_1053 = arith.constant 0.000000e+00 : f32
      %neg3A_1054 = vector.broadcast %neg3A_1053 : f32 to vector<16xf32>
      %neg3A_1055 = arith.subf %neg3A_1054, %scan3A_915#19 : vector<16xf32>
      %add3A_1056 = arith.constant 288 : i32
      %add3A_1057 = arith.addi %mul3A_926, %add3A_1056 : i32
      %swap3A_1058 = arith.index_cast %add3A_1057 : i32 to index
      %swap3A_1059 = tpu.vector_load %arg19[%swap3A_1058] {strides = array<i32>} : memref<10240xf32, #tpu.memory_space<vmem>>, vector<16xf32>,
      tpu.vector_store %arg19[%swap3A_1058], %neg3A_1055 {strides = array<i32>} : memref<10240xf32, #tpu.memory_space<vmem>>, vector<16xf32>,
      %neg3A_1060 = arith.constant 0.000000e+00 : f32
      %neg3A_1061 = vector.broadcast %neg3A_1060 : f32 to vector<16xf32>
      %neg3A_1062 = arith.subf %neg3A_1061, %scan3A_915#20 : vector<16xf32>
      %add3A_1063 = arith.constant 304 : i32
      %add3A_1064 = arith.addi %mul3A_926, %add3A_1063 : i32
      %swap3A_1065 = arith.index_cast %add3A_1064 : i32 to index
      %swap3A_1066 = tpu.vector_load %arg19[%swap3A_1065] {strides = array<i32>} : memref<10240xf32, #tpu.memory_space<vmem>>, vector<16xf32>,
      tpu.vector_store %arg19[%swap3A_1065], %neg3A_1062 {strides = array<i32>} : memref<10240xf32, #tpu.memory_space<vmem>>, vector<16xf32>,
    }
    %scan3A_76 = arith.constant 8 : i32
    "tpu.region"() ({
      %run_scoped3A = tpu.sem_alloc : memref<!tpu.dma_semaphore, #tpu.memory_space<semaphore_mem>>
      %dma_start3A_77 = tpu.memref_slice %arg7[%mul3A_2] : memref<16384xf32, #tpu.memory_space<hbm>> -> memref<512xf32, #tpu.memory_space<hbm>>
      %dma_start3A_78 = tpu.memref_slice %arg7[%mul3A_2] : memref<16384xf32, #tpu.memory_space<hbm>> -> memref<512xf32, #tpu.memory_space<hbm>>
      tpu.enqueue_dma source(%arg18 : memref<512xf32, #tpu.memory_space<vmem>>) target(%dma_start3A_78 : memref<512xf32, #tpu.memory_space<hbm>>) target_semaphore(%run_scoped3A : memref<!tpu.dma_semaphore, #tpu.memory_space<semaphore_mem>>)
      %dma_wait3A = tpu.memref_slice %arg7[%mul3A_2] : memref<16384xf32, #tpu.memory_space<hbm>> -> memref<512xf32, #tpu.memory_space<hbm>>
      %dma_wait3A_79 = tpu.memref_slice %arg7[%mul3A_2] : memref<16384xf32, #tpu.memory_space<hbm>> -> memref<512xf32, #tpu.memory_space<hbm>>
      tpu.wait_dma2 semaphore(%run_scoped3A : memref<!tpu.dma_semaphore, #tpu.memory_space<semaphore_mem>>) src(%arg18 : memref<512xf32, #tpu.memory_space<vmem>>) dst(%dma_wait3A_79 : memref<512xf32, #tpu.memory_space<hbm>>)
      tpu.yield
    }) : () -> ()
    "tpu.region"() ({
      %run_scoped3A = tpu.sem_alloc : memref<!tpu.dma_semaphore, #tpu.memory_space<semaphore_mem>>
      %dma_start3A_77 = tpu.memref_slice %arg8[%mul3A_4] : memref<327680xf32, #tpu.memory_space<hbm>> -> memref<10240xf32, #tpu.memory_space<hbm>>
      %dma_start3A_78 = tpu.memref_slice %arg8[%mul3A_4] : memref<327680xf32, #tpu.memory_space<hbm>> -> memref<10240xf32, #tpu.memory_space<hbm>>
      tpu.enqueue_dma source(%arg19 : memref<10240xf32, #tpu.memory_space<vmem>>) target(%dma_start3A_78 : memref<10240xf32, #tpu.memory_space<hbm>>) target_semaphore(%run_scoped3A : memref<!tpu.dma_semaphore, #tpu.memory_space<semaphore_mem>>)
      %dma_wait3A = tpu.memref_slice %arg8[%mul3A_4] : memref<327680xf32, #tpu.memory_space<hbm>> -> memref<10240xf32, #tpu.memory_space<hbm>>
      %dma_wait3A_79 = tpu.memref_slice %arg8[%mul3A_4] : memref<327680xf32, #tpu.memory_space<hbm>> -> memref<10240xf32, #tpu.memory_space<hbm>>
      tpu.wait_dma2 semaphore(%run_scoped3A : memref<!tpu.dma_semaphore, #tpu.memory_space<semaphore_mem>>) src(%arg19 : memref<10240xf32, #tpu.memory_space<vmem>>) dst(%dma_wait3A_79 : memref<10240xf32, #tpu.memory_space<hbm>>)
      tpu.yield
    }) : () -> ()
    return
  }
}

module attributes {stable_mosaic.version = 14 : i64} {
  func.func @_transpose_body(%arg0: i32, %arg1: memref<64x32768xf32, #tpu.memory_space<vmem>>, %arg2: memref<16384x128xf32, #tpu.memory_space<vmem>>) attributes {dimension_semantics = [#tpu.dimension_semantics<arbitrary>], iteration_bounds = array<i64: 31>, scalar_prefetch = 0 : i64, scratch_operands = 0 : i64, tpu.core_type = #tpu.core_type<tc>, window_params = [{transform_indices = @transform_0, window_bounds = array<i64: 64, 32768>}, {transform_indices = @transform_1, window_bounds = array<i64: 16384, 128>}]} {
    %get3A = arith.constant 0 : index
    %get3A_0 = arith.constant 0 : index
    %get3A_1 = vector.load %arg1[%get3A, %get3A_0] : memref<64x32768xf32, #tpu.memory_space<vmem>>, vector<64x32768xf32>
    %slice3A = vector.extract_strided_slice %get3A_1 {offsets = [0, 0], sizes = [64, 16384], strides = [1, 1]} : vector<64x32768xf32> to vector<64x16384xf32>
    %slice3A_2 = vector.extract_strided_slice %get3A_1 {offsets = [0, 16384], sizes = [64, 16384], strides = [1, 1]} : vector<64x32768xf32> to vector<64x16384xf32>
    %concatenate3A = tpu.concatenate %slice3A, %slice3A_2 in 0 : vector<64x16384xf32>, vector<64x16384xf32> -> vector<128x16384xf32>
    %transpose3A = tpu.transpose %concatenate3A, [1, 0] : vector<128x16384xf32> -> vector<16384x128xf32>
    %swap3A = arith.constant 0 : index
    %swap3A_3 = arith.constant 0 : index
    %swap3A_4 = vector.load %arg2[%swap3A, %swap3A_3] : memref<16384x128xf32, #tpu.memory_space<vmem>>, vector<16384x128xf32>
    tpu.vector_store %arg2[%swap3A, %swap3A_3], %transpose3A {strides = array<i32>} : memref<16384x128xf32, #tpu.memory_space<vmem>>, vector<16384x128xf32>,
    return
  }
  func.func @transform_0(%arg0: i32) -> (i32, i32) {
    %c0_i32 = arith.constant 0 : i32
    %c0_i32_0 = arith.constant 0 : i32
    return %c0_i32, %arg0 : i32, i32
  }
  func.func @transform_1(%arg0: i32) -> (i32, i32) {
    %c0_i32 = arith.constant 0 : i32
    %c0_i32_0 = arith.constant 0 : i32
    return %arg0, %c0_i32 : i32, i32
  }
}

module attributes {stable_mosaic.version = 14 : i64} {
  func.func @_loss_body(%arg0: memref<128x128xf32, #tpu.memory_space<vmem>>, %arg1: memref<2560x128xf32, #tpu.memory_space<vmem>>, %arg2: memref<1x1xf32, #tpu.memory_space<smem>>) attributes {dimension_semantics = [], scalar_prefetch = 0 : i64, scratch_operands = 0 : i64, tpu.core_type = #tpu.core_type<tc>} {
    %get3A = arith.constant 0 : index
    %get3A_0 = arith.constant 0 : index
    %get3A_1 = vector.load %arg0[%get3A, %get3A_0] : memref<128x128xf32, #tpu.memory_space<vmem>>, vector<128x128xf32>
    %neg3A = arith.constant 0.000000e+00 : f32
    %neg3A_2 = vector.broadcast %neg3A : f32 to vector<128x128xf32>
    %neg3A_3 = arith.subf %neg3A_2, %get3A_1 : vector<128x128xf32>
    %custom_jvp_call3A = arith.constant 0.000000e+00 : f32
    %max3A = vector.broadcast %custom_jvp_call3A : f32 to vector<128x128xf32>
    %max3A_4 = arith.maximumf %neg3A_3, %max3A : vector<128x128xf32>
    %sub3A = vector.broadcast %custom_jvp_call3A : f32 to vector<128x128xf32>
    %sub3A_5 = arith.subf %neg3A_3, %sub3A : vector<128x128xf32>
    %ne3A = arith.cmpf one, %sub3A_5, %sub3A_5 : vector<128x128xf32>
    %add3A = vector.broadcast %custom_jvp_call3A : f32 to vector<128x128xf32>
    %add3A_6 = arith.addf %neg3A_3, %add3A : vector<128x128xf32>
    %abs3A = math.absf %sub3A_5 : vector<128x128xf32>
    %neg3A_7 = arith.constant 0.000000e+00 : f32
    %neg3A_8 = vector.broadcast %neg3A_7 : f32 to vector<128x128xf32>
    %neg3A_9 = arith.subf %neg3A_8, %abs3A : vector<128x128xf32>
    %exp3A = math.exp %neg3A_9 : vector<128x128xf32>
    %log1p3A = math.log1p %exp3A : vector<128x128xf32>
    %add3A_10 = arith.addf %max3A_4, %log1p3A : vector<128x128xf32>
    %select_n3A = arith.select %ne3A, %add3A_6, %add3A_10 : vector<128x128xi1>, vector<128x128xf32>
    %neg3A_11 = arith.constant 0.000000e+00 : f32
    %neg3A_12 = vector.broadcast %neg3A_11 : f32 to vector<128x128xf32>
    %neg3A_13 = arith.subf %neg3A_12, %select_n3A : vector<128x128xf32>
    %reduce_sum3A = vector.shape_cast %neg3A_13 : vector<128x128xf32> to vector<1x128x128xf32>
    %reduce_sum3A_14 = arith.constant dense<0.000000e+00> : vector<1xf32>
    %reduce_sum3A_15 = vector.multi_reduction <add>, %reduce_sum3A, %reduce_sum3A_14 [1, 2] : vector<1x128x128xf32> to vector<1xf32>
    %reduce_sum3A_16 = vector.shape_cast %reduce_sum3A_15 : vector<1xf32> to vector<1x1x1xf32>
    %reduce_sum3A_17 = vector.extract %reduce_sum3A_16[0, 0, 0] : f32 from vector<1x1x1xf32>
    %get3A_18 = arith.constant 0 : index
    %get3A_19 = arith.constant 0 : index
    %get3A_20 = vector.load %arg1[%get3A_18, %get3A_19] : memref<2560x128xf32, #tpu.memory_space<vmem>>, vector<2560x128xf32>
    %neg3A_21 = arith.constant 0.000000e+00 : f32
    %neg3A_22 = vector.broadcast %neg3A_21 : f32 to vector<2560x128xf32>
    %neg3A_23 = arith.subf %neg3A_22, %get3A_20 : vector<2560x128xf32>
    %custom_jvp_call3A_24 = arith.constant 0.000000e+00 : f32
    %max3A_25 = vector.broadcast %custom_jvp_call3A_24 : f32 to vector<2560x128xf32>
    %max3A_26 = arith.maximumf %neg3A_23, %max3A_25 : vector<2560x128xf32>
    %sub3A_27 = vector.broadcast %custom_jvp_call3A_24 : f32 to vector<2560x128xf32>
    %sub3A_28 = arith.subf %neg3A_23, %sub3A_27 : vector<2560x128xf32>
    %ne3A_29 = arith.cmpf one, %sub3A_28, %sub3A_28 : vector<2560x128xf32>
    %add3A_30 = vector.broadcast %custom_jvp_call3A_24 : f32 to vector<2560x128xf32>
    %add3A_31 = arith.addf %neg3A_23, %add3A_30 : vector<2560x128xf32>
    %abs3A_32 = math.absf %sub3A_28 : vector<2560x128xf32>
    %neg3A_33 = arith.constant 0.000000e+00 : f32
    %neg3A_34 = vector.broadcast %neg3A_33 : f32 to vector<2560x128xf32>
    %neg3A_35 = arith.subf %neg3A_34, %abs3A_32 : vector<2560x128xf32>
    %exp3A_36 = math.exp %neg3A_35 : vector<2560x128xf32>
    %log1p3A_37 = math.log1p %exp3A_36 : vector<2560x128xf32>
    %add3A_38 = arith.addf %max3A_26, %log1p3A_37 : vector<2560x128xf32>
    %select_n3A_39 = arith.select %ne3A_29, %add3A_31, %add3A_38 : vector<2560x128xi1>, vector<2560x128xf32>
    %neg3A_40 = arith.constant 0.000000e+00 : f32
    %neg3A_41 = vector.broadcast %neg3A_40 : f32 to vector<2560x128xf32>
    %neg3A_42 = arith.subf %neg3A_41, %select_n3A_39 : vector<2560x128xf32>
    %reduce_sum3A_43 = vector.shape_cast %neg3A_42 : vector<2560x128xf32> to vector<1x2560x128xf32>
    %reduce_sum3A_44 = arith.constant dense<0.000000e+00> : vector<1xf32>
    %reduce_sum3A_45 = vector.multi_reduction <add>, %reduce_sum3A_43, %reduce_sum3A_44 [1, 2] : vector<1x2560x128xf32> to vector<1xf32>
    %reduce_sum3A_46 = vector.shape_cast %reduce_sum3A_45 : vector<1xf32> to vector<1x1x1xf32>
    %reduce_sum3A_47 = vector.extract %reduce_sum3A_46[0, 0, 0] : f32 from vector<1x1x1xf32>
    %add3A_48 = arith.addf %reduce_sum3A_17, %reduce_sum3A_47 : f32
    %div3A = arith.constant 1.638400e+04 : f32
    %div3A_49 = arith.divf %add3A_48, %div3A : f32
    %neg3A_50 = arith.constant 0.000000e+00 : f32
    %neg3A_51 = arith.subf %neg3A_50, %div3A_49 : f32
    %swap3A = arith.constant 0 : index
    %swap3A_52 = arith.constant 0 : index
    %swap3A_53 = memref.load %arg2[%swap3A, %swap3A_52] : memref<1x1xf32, #tpu.memory_space<smem>>
    memref.store %neg3A_51, %arg2[%swap3A, %swap3A_52] : memref<1x1xf32, #tpu.memory_space<smem>>
    return
  }
}

</mosaic_0001>

<sc_bundles>
// kernel: kernel.6.cloned.1.call-start
scs
__scs_entry_jumppad:
0x0: {  	(pc) =	sbr.rel $0x88, $3  }
0x1: {  	(tag) =	ssettag $0x0;
	lr =	simm.s32 $0x1  }
0x2: {  	[smem:$0x3F9C] =	sst lr;
	_ =	strace $0xD0000000  }
0x3: {  	_ = 	snop  }
0x4: {  	_ = 	snop  }
0x5: {  	_ = 	snop  }
0x6: {  	_ = 	snop  }
0x7: {  	_ = 	snop  }
__scs_overlays_trampoline_lowered:
0x8: {  	[smem:$0x3FAB] =	sst s0  }
0x9: {  	[smem:$0x3FAC] =	sst s1  }
0xa: {  	[smem:$0x3FAD] =	sst s2  }
0xb: {  	[smem:$0x3FAE] =	sst s3  }
0xc: {  	[smem:$0x3FAF] =	sst s4  }
0xd: {  	[smem:$0x3FB0] =	sst s5  }
0xe: {  	[smem:$0x3FB1] =	sst s6  }
0xf: {  	[smem:$0x3FB2] =	sst s7  }
0x10: {  	[smem:$0x3FB3] =	sst s8  }
0x11: {  	[smem:$0x3FB4] =	sst s9;
	s0 =	simm.s32 @!p0 $0x0  }
0x12: {  	s1 =	sld [smem:$0x3F9A];
	s0 =	simm.s32 @p0 $0x1  }
0x13: {  	[smem:$0x3FB5] =	sst s0;
	s0 =	simm.s32 @!p1 $0x0  }
0x14: {  	s2 =	sld [smem:$0x3F99];
	s0 =	simm.s32 @p1 $0x1  }
0x15: {  	[smem:$0x3FB6] =	sst s0;
	s0 =	simm.s32 @!p2 $0x0  }
0x16: {  	s3 =	sld [smem:$0x3FDB];
	s0 =	simm.s32 @p2 $0x1  }
0x17: {  	s4 =	simm.s32 $0x1BF5;
	[smem:$0x3FB8] =	sst s0  }
0x18: {  	s0 =	sld [smem:$0x3F9B];
	_ =	swait.ge [sflag:s4], $0x0  }
0x19: {  	s7 =	sld [smem:$0x3F9C]  }
0x1a: {  	s8 =	sadd.s32 $0xFFFFE003, lr  }
0x1b: {  	s9 =	sadd.s32 $0xFFFFFEF7, lr;
	s5 =	simm.s32 $0xFFFFFFFF;
	p2 =	slt.u32 s8, $0xFFFFF086  }
0x1c: {  	p1 =	slt.u32 s9, $0xF7A;
	s5 =	simm.s32 @!p2 $0x0  }
0x1d: {  	s5 =	simm.s32 @p1 $0x1;
	p0 =	seq.s32 s7, s2  }
0x1e: {  	s7 =	smul.u32 @!p0 $0xF7A, s2;
	p2 =	seq.s32 @!p0 s5, $0x0  }
0x1f: {  	s9 =	smul.u32 $0xF7A, s1;
	s8 =	simm.s32 @!p0 $0x1BF5;
	p2 =	por !p2, p0  }
0x20: {  	[sflag:s8] =	ssyncset.s32 @!p0 $0xFFFFF086;
	s6 =	sadd.s32 @!p0 s3, s7;
	s7 =	simm.s32 @!p0 $0x108  }
0x21: {  	s3 =	sadd.s32 s3, s9;
	s6 =	sadd.s32 @!p0 $0x88, s6;
	s7 =	simm.s32 @p2 $0x1082  }
0x22: {  	[simem:s7], [sflag:s8] =	dma.local @!p0 [hbm:s6], $0xF7A  }
0x23: {  	s9 =	sor.u32 $0xD0000000, s2;
	s6 =	simm.s32 $0x108;
	_ =	swait.ge @!p0 [sflag:s8], $0x0  }
0x24: {  	s3 =	sadd.s32 $0x88, s3;
	s6 =	simm.s32 @!p1 $0x1082;
	[sflag:s4] =	ssyncset.s32 $0xFFFFF086  }
0x25: {  	[simem:s6], [sflag:s4] =	dma.local [hbm:s3], $0xF7A  }
0x26: {  	[smem:$0x3F9C] =	sst s1;
	(tag) =	ssettag s2;
	_ =	strace s9  }
0x27: {  	s1 =	sld [smem:$0x3FAC]  }
0x28: {  	s2 =	sld [smem:$0x3FAD]  }
0x29: {  	s4 =	sld [smem:$0x3FAF]  }
0x2a: {  	p0 =	seq.s32 s5, $0x0;
	s5 =	sld [smem:$0x3FB0]  }
0x2b: {  	s6 =	sld [smem:$0x3FB1]  }
0x2c: {  	s7 =	sld [smem:$0x3FB2]  }
0x2d: {  	s3 =	simm.s32 $0x108;
	s8 =	sld [smem:$0x3FB3]  }
0x2e: {  	s3 =	simm.s32 @!p0 $0x1082;
	s9 =	sld [smem:$0x3FB4]  }
0x2f: {  	lr =	sadd.s32 s0, s3;
	s0 =	sld [smem:$0x3FAB]  }
0x30: {  	s3 =	sld [smem:$0x3FAE]  }
0x31: {  	[smem:$0x3FB7] =	sst s10  }
0x32: {  	s10 =	sld [smem:$0x3FB5];
	_ =	sdelay $0x3  }
0x33: {  	p0 =	seq.s32 s10, $0x1;
	s10 =	sld [smem:$0x3FB7];
	_ =	sdelay $0x3  }
0x34: {  	[smem:$0x3FB7] =	sst s10  }
0x35: {  	s10 =	sld [smem:$0x3FB6];
	_ =	sdelay $0x3  }
0x36: {  	p1 =	seq.s32 s10, $0x1;
	s10 =	sld [smem:$0x3FB7];
	_ =	sdelay $0x3  }
0x37: {  	[smem:$0x3FB7] =	sst s10  }
0x38: {  	s10 =	sld [smem:$0x3FB8]  }
0x39: {  	_ = 	snop;
	(pc) =	sbr.ind lr, $3  }
0x3a: {  	_ = 	snop  }
0x3b: {  	_ = 	snop  }
0x3c: {  	p2 =	seq.s32 s10, $0x1;
	s10 =	sld [smem:$0x3FB7]  }
0x3d: {  	_ =	shalt  }
0x3e: {  	_ =	shalt  }
0x3f: {  	_ =	shalt  }
0x40: {  	_ =	shalt  }
0x41: {  	_ =	shalt  }
0x42: {  	_ =	shalt  }
0x43: {  	_ =	shalt  }
0x44: {  	_ =	shalt  }
0x45: {  	_ =	shalt  }
0x46: {  	_ =	shalt  }
0x47: {  	_ =	shalt  }
0x48: {  	_ =	shalt  }
0x49: {  	_ =	shalt  }
0x4a: {  	_ =	shalt  }
0x4b: {  	_ =	shalt  }
0x4c: {  	_ =	shalt  }
0x4d: {  	_ =	shalt  }
0x4e: {  	_ =	shalt  }
0x4f: {  	_ =	shalt  }
0x50: {  	_ =	shalt  }
0x51: {  	_ =	shalt  }
0x52: {  	_ =	shalt  }
0x53: {  	_ =	shalt  }
0x54: {  	_ =	shalt  }
0x55: {  	_ =	shalt  }
0x56: {  	_ =	shalt  }
0x57: {  	_ =	shalt  }
0x58: {  	_ =	shalt  }
0x59: {  	_ =	shalt  }
0x5a: {  	_ =	shalt  }
0x5b: {  	_ =	shalt  }
0x5c: {  	_ =	shalt  }
0x5d: {  	_ =	shalt  }
0x5e: {  	_ =	shalt  }
0x5f: {  	_ =	shalt  }
0x60: {  	_ =	shalt  }
0x61: {  	_ =	shalt  }
0x62: {  	_ =	shalt  }
0x63: {  	_ =	shalt  }
0x64: {  	_ =	shalt  }
0x65: {  	_ =	shalt  }
0x66: {  	_ =	shalt  }
0x67: {  	_ =	shalt  }
0x68: {  	_ =	shalt  }
0x69: {  	_ =	shalt  }
0x6a: {  	_ =	shalt  }
0x6b: {  	_ =	shalt  }
0x6c: {  	_ =	shalt  }
0x6d: {  	_ =	shalt  }
0x6e: {  	_ =	shalt  }
0x6f: {  	_ =	shalt  }
0x70: {  	_ =	shalt  }
0x71: {  	_ =	shalt  }
0x72: {  	_ =	shalt  }
0x73: {  	_ =	shalt  }
0x74: {  	_ =	shalt  }
0x75: {  	_ =	shalt  }
0x76: {  	_ =	shalt  }
0x77: {  	_ =	shalt  }
0x78: {  	_ =	shalt  }
0x79: {  	_ =	shalt  }
0x7a: {  	_ =	shalt  }
0x7b: {  	_ =	shalt  }
0x7c: {  	_ =	shalt  }
0x7d: {  	_ =	shalt  }
0x7e: {  	_ =	shalt  }
0x7f: {  	_ =	shalt  }
0x80: {  	_ =	shalt  }
0x81: {  	_ =	shalt  }
0x82: {  	_ =	shalt  }
0x83: {  	_ =	shalt  }
0x84: {  	_ =	shalt  }
0x85: {  	_ =	shalt  }
0x86: {  	_ =	shalt  }
0x87: {  	_ =	shalt  }
.Lfunc_end0:
.L_simem_size_0:
called_computation_lowered:
.L_overlay_start_0:
0x88: {  	s2 =	sld [smem:$0x3FD9]  }
0x89: {  	s3 =	sld [smem:$0x3FFE];
	_ =	sdelay $0x1  }
0x8a: {  	s1 =	srdreg.scid  }
0x8b: {  	s0 =	sand.u32 $0x1, s1  }
0x8c: {  	s17 =	sshll.u32 s0, $0xA;
	s2 =	sadd.s32 s3, s2  }
0x8d: {  	s2 =	sadd.s32 s2, s17  }
0x8e: {  	[smem:$0x3FC3] =	sst s2  }
0x8f: {  	_ = 	snop  }
0x90: {  	s2 =	sld [smem:$0x3FC9]  }
0x91: {  	s18 =	sld [smem:$0x3FC8];
	(tm) =	ssettm $0x1  }
0x92: {  	s4 =	sld [smem:$0x3FFB];
	_ =	sdelay $0x3  }
0x93: {  	_ =	strace s4  }
0x94: {  	s4 =	sld [smem:$0x3FFC];
	_ =	sdelay $0x3  }
0x95: {  	_ =	strace s4  }
0x96: {  	s4 =	sld [smem:$0x3FFD];
	_ =	sdelay $0x3  }
0x97: {  	_ =	strace s4  }
0x98: {  	_ =	strace $0x8FFFFFFF  }
0x99: {  	s19 =	sld [smem:$0x3FDB];
	_ =	sdelay $0x1  }
0x9a: {  	s5 =	simm.s32 $_scs_section_size  }
0x9b: {  	s6 =	simm.s32 $_size__tile_overlayer_lowered;
	s7 =	simm.s32 $_tile_overlayer_lowered  }
0x9c: {  	s22 =	simm.s32 $0x1BFF;
	s21 =	sshll.u32 s7, $0x1;
	s4 =	sadd.s32 s5, s19  }
0x9d: {  	s8 =	simm.s32 $0x0;
	s20 =	sshll.u32 s6, $0x1;
	s6 =	sadd.s32 s21, s4  }
0x9e: {  	[timem:s8], [sflag:s22] =	dma.local [hbm:s6], s20  }
0x9f: {  	_ =	swait.ge [sflag:s22], s20  }
0xa0: {  	s5 =	ssub.s32 $0x0, s20;
	[sflag:s22] =	ssyncset.done $0x0  }
0xa1: {  	[sflag:s22] =	ssyncadd.s32 s5;
	_ =	sdelay $0x1  }
0xa2: {  	s23 =	simm.s32 $0x1B8B  }
0xa3: {  	_ =	swait.ge [sflag:s23], $0x1  }
0xa4: {  	[sflag:s23] =	ssyncset.done $0x0  }
0xa5: {  	s25 =	simm.s32 $0x1B8E;
	s24 =	sld [smem:$0x3FFE];
	[sflag:s23] =	ssyncadd.s32 $0xFFFFFFFF  }
0xa6: {  	s26 =	simm.s32 $execute0_lowered;
	[smem:$0x3FD2] =	sst s25  }
0xa7: {  	s6 =	sshll.u32 s26, $0x1;
	_ =	strace $0x80000046;
	[dreg:$0x1] =	wrdreg $0xFFFFFFFF  }
0xa8: {  	s28 =	simm.s32 $_size_execute0_lowered;
	s4 =	sadd.s32 s4, s6;
	[dreg:$0x0] =	wrdreg $0x0  }
0xa9: {  	s6 =	sshll.u32 s28, $0x1;
	[dreg:$0x2] =	wrdreg s4  }
0xaa: {  	[dreg:$0x3] =	wrdreg s6  }
0xab: {  	[dreg:$0x4] =	wrdreg $0xC0  }
0xac: {  	_ =	task [dreg:s8], $0x5FFFF  }
0xad: {  	[dreg:$0x1] =	wrdreg $0xFFFFFFFF  }
0xae: {  	[dreg:$0x0] =	wrdreg $0x60  }
0xaf: {  	[dreg:$0x2] =	wrdreg s2  }
0xb0: {  	[dreg:$0x3] =	wrdreg s18  }
0xb1: {  	[dreg:$0x4] =	wrdreg s24  }
0xb2: {  	[dreg:$0x5] =	wrdreg $0x9  }
0xb3: {  	_ =	task.clear_ibuf [dreg:s8], $0x6FFFF;
	_ =	strace $0x90000046  }
0xb4: {  	s29 =	simm.s32 $0x9;
	_ =	strace $0x80000048  }
0xb5: {  	_ =	swait.ge [sflag:s29], $0x1  }
0xb6: {  	[sflag:s29] =	ssyncadd.s32 $0xFFFFFFFF  }
0xb7: {  	_ =	strace $0x90000048  }
0xb8: {  	_ =	sfence  }
0xb9: {  	s30 =	sld [smem:$0x0];
	_ =	sdelay $0x2  }
0xba: {  	s31 =	sshll.u32 s1, $0xD;
	s1 =	sshrl.u32 s1, $0x2  }
0xbb: {  	s3 =	sand.u32 $0x4000, s31;
	s1 =	sadd.s32 s1, s30  }
0xbc: {  	s0 =	sor.u32 s3, s0;
	s1 =	sshll.u32 s1, $0x11  }
0xbd: {  	s0 =	sor.u32 s1, s0  }
0xbe: {  	s0 =	sadd.s32 $0x8F2B, s0  }
0xbf: {  	[sflag:s0] =	ssyncadd.remote.s32 $0x1  }
0xc0: {  	_ =	sfence.sel $0xFFFF  }
0xc1: {  	[dreg:$0x0] =	wrdreg $0xFFFFFFFF;
	(pc) =	sbr.abs _section_cstart, $3  }
0xc2: {  	[dreg:$0x1] =	wrdreg $0xFFFFFFFF  }
0xc3: {  	_ =	task.clear_ibuf [dreg:s8], $0x2FFFF;
	_ =	strace $0x9FFFFFFF  }
0xc4: {  	(tm) =	ssettm $0x7FFFFFFF  }
0xc5: {  	_ =	shalt  }
tec
execute0_lowered:
.L_overlay_start_1:
0x0: {  	(tag) =	ssettag $0x1  }
0x1: {  	s0 =	rddreg [dreg:$0x0];
	v35 =	vlaneseq.u32  }
0x2: {  	s1 =	rddreg [dreg:$0x1];
	s2 =	simm.s32 $0x0;
	v21 =	vmul.u32 $0x500, v35  }
0x3: {  	[smem:$0x7FF] =	sst s2;
	v22 =	vmul.u32 $0x40, v35  }
0x4: {  	s5 =	rddreg [dreg:$0x2];
	_ =	strace $0x80000047;
	[tilespmem:$0x1FE50] =	vst v21  }
0x5: {  	v0 =	vadd.s32 $0x440, v21;
	[tilespmem:$0x1FE60] =	vst v22  }
0x6: {  	v50 =	vor.u32 $0x400, v22;
	[tilespmem:$0x1FD60] =	vst v0  }
0x7: {  	v51 =	vadd.s32 $0x5040, v21;
	[tilespmem:$0x1FD70] =	vst v50  }
0x8: {  	v52 =	vadd.s32 $0x5080, v21;
	[tilespmem:$0x1FD80] =	vst v51  }
0x9: {  	v53 =	vadd.s32 $0x50C0, v21;
	[tilespmem:$0x1FD90] =	vst v52  }
0xa: {  	v54 =	vadd.s32 $0x5100, v21;
	[tilespmem:$0x1FDA0] =	vst v53  }
0xb: {  	v55 =	vadd.s32 $0x5140, v21;
	[tilespmem:$0x1FDB0] =	vst v54  }
0xc: {  	v56 =	vadd.s32 $0x5180, v21;
	[tilespmem:$0x1FDC0] =	vst v55  }
0xd: {  	v57 =	vadd.s32 $0x51C0, v21;
	[tilespmem:$0x1FDD0] =	vst v56  }
0xe: {  	v58 =	vadd.s32 $0x5200, v21;
	[tilespmem:$0x1FDE0] =	vst v57  }
0xf: {  	v59 =	vadd.s32 $0x5240, v21;
	[tilespmem:$0x1FDF0] =	vst v58  }
0x10: {  	v60 =	vadd.s32 $0x5280, v21;
	[tilespmem:$0x1FE00] =	vst v59  }
0x11: {  	v61 =	vadd.s32 $0x52C0, v21;
	[tilespmem:$0x1FE10] =	vst v60  }
0x12: {  	v62 =	vadd.s32 $0x5300, v21;
	[tilespmem:$0x1FE20] =	vst v61  }
0x13: {  	v63 =	vadd.s32 $0x5340, v21;
	[tilespmem:$0x1FE30] =	vst v62  }
0x14: {  	v23 =	vor.u32 $0x40, v21;
	[tilespmem:$0x1FE40] =	vst v63  }
0x15: {  	v24 =	vor.u32 $0x80, v21;
	[tilespmem:$0x1FE70] =	vst v23  }
0x16: {  	v26 =	vor.u32 $0xC0, v21;
	[tilespmem:$0x1FE80] =	vst v24  }
0x17: {  	v25 =	vadd.s32 $0x100, v21;
	[tilespmem:$0x1FE90] =	vst v26  }
0x18: {  	v27 =	vadd.s32 $0x140, v21;
	[tilespmem:$0x1FEA0] =	vst v25  }
0x19: {  	v28 =	vadd.s32 $0x180, v21;
	[tilespmem:$0x1FEB0] =	vst v27  }
0x1a: {  	v15 =	vadd.s32 $0x340, v21;
	[tilespmem:$0x1FEC0] =	vst v28  }
0x1b: {  	v30 =	vadd.s32 $0x1C0, v21;
	[tilespmem:$0x1FED0] =	vst v15  }
0x1c: {  	v40 =	vadd.s32 $0x380, v21;
	[tilespmem:$0x1FEE0] =	vst v30  }
0x1d: {  	v29 =	vadd.s32 $0x200, v21;
	[tilespmem:$0x1FEF0] =	vst v40  }
0x1e: {  	v16 =	vadd.s32 $0x400, v21;
	[tilespmem:$0x1FF00] =	vst v29  }
0x1f: {  	s3 =	srdreg.scid;
	v31 =	vadd.s32 $0x240, v21;
	[tilespmem:$0x1FF10] =	vst v16  }
0x20: {  	s6 =	stileid.u32;
	s11 =	simm.s32 $0x3;
	s14 =	simm.s32 $0x20;
	v19 =	vadd.s32 $0x480, v21;
	[tilespmem:$0x1FF20] =	vst v31  }
0x21: {  	s15 =	simm.s32 $0x2C00;
	s16 =	simm.s32 $0x3400;
	s17 =	simm.s32 $0x80;
	v32 =	vadd.s32 $0x280, v21;
	[tilespmem:$0x1FF30] =	vst v19  }
0x22: {  	s18 =	simm.s32 $0x3C00;
	s28 =	simm.s32 $0xDC00;
	s29 =	simm.s32 $0xE400;
	v42 =	vadd.s32 $0x4C0, v21;
	[tilespmem:$0x1FF40] =	vst v32  }
0x23: {  	s30 =	simm.s32 $0xEC00;
	s31 =	simm.s32 $0x10C00;
	s19 =	simm.s32 $0x16C00;
	v34 =	vadd.s32 $0x2C0, v21;
	[tilespmem:$0x1FF50] =	vst v42  }
0x24: {  	s20 =	simm.s32 $0x1;
	s4 =	sand.u32 $0x1, s3;
	s6 =	sshll.u32 s6, $0x1;
	v7 =	vadd.s32 $0x5000, v21;
	[tilespmem:$0x1FF60] =	vst v34  }
0x25: {  	s21 =	simm.s32 $0x2;
	s3 =	sadd.s32 $0xAC00, s5;
	s6 =	sor.u32 s4, s6;
	v3 =	vadd.s32 $0x5380, v21;
	[tilespmem:$0x1FF70] =	vst v7  }
0x26: {  	s8 =	ssub.s32 $0x2, s4;
	s4 =	sadd.s32 $0x7CAC00, s5;
	s7 =	sshll.u32 s6, $0x6;
	v41 =	vadd.s32 $0x53C0, v21;
	[tilespmem:$0x1FF80] =	vst v3  }
0x27: {  	s6 =	smul.u32 $0x500, s6;
	s10 =	sshrl.u32 s8, $0x1;
	v33 =	vadd.s32 $0x300, v21;
	s9 =	sadd.s32 s7, s5;
	[tilespmem:$0x1FF90] =	vst v41  }
0x28: {  	v4 =	vadd.s32 $0x5400, v21;
	s23 =	ssub.s32 s8, s10;
	s0 =	sadd.s32 s0, s7;
	s24 =	sadd.s32 s1, s7;
	[tilespmem:$0x1FFA0] =	vst v33  }
0x29: {  	v38 =	vadd.s32 $0x5440, v21;
	s7 =	simm.s32 $0x200;
	s8 =	simm.s32 $0x400;
	[tilespmem:$0x1FFB0] =	vst v4;
	[dreg:$0x4] =	wrdreg s0  }
0x2a: {  	v37 =	vadd.s32 $0x5480, v21;
	s1 =	simm.s32 $0x14C00;
	[tilespmem:$0x1FFC0] =	vst v38;
	s5 =	sadd.s32 s6, s5;
	[dreg:$0x5] =	wrdreg s24  }
0x2b: {  	v36 =	vadd.s32 $0x54C0, v21;
	[tilespmem:$0x1FFD0] =	vst v37;
	s26 =	sadd.s32 $0xF94C00, s9;
	s10 =	smax.u32 s23, $0x1;
	s0 =	simm.s32 $0x12C00  }
0x2c: {  	v17 =	vadd.s32 $0x3C0, v21;
	[tilespmem:$0x1FFE0] =	vst v36;
	s24 =	simm.s32 $0x0;
	s25 =	sadd.s32 $0xC00, s5;
	[dreg:$0x7] =	wrdreg s26  }
0x2d: {  	[tilespmem:$0x1FFF0] =	vst v17;
	s9 =	sadd.s32 $0xF8AC00, s5;
	[dreg:$0x6] =	wrdreg s25;
	s25 =	simm.s32 $0x0  }
.LBB2_1:
0x2e: {  	s5 =	rddreg [dreg:$0x4]  }
0x2f: {  	[tilespmem:s2], [sflag:$0x3] =	stream.linear.gather [hbm4b:s5+s2], $0x200, $0x38;
	[tilespmem:$0x1B600] =	vst v63  }
0x30: {  	_ =	swait.ge [sflag:s11], $0x200  }
0x31: {  	[sflag:s11] =	ssyncset.done $0x0  }
0x32: {  	s23 =	rddreg [dreg:$0x5];
	[sflag:s11] =	ssyncadd.s32 $0xFFFFFE00  }
0x33: {  	[tilespmem:s7], [sflag:$0x3] =	stream.linear.gather [hbm4b:s23+s2], $0x200, $0x38;
	[tilespmem:$0x1B600] =	vst v63  }
0x34: {  	_ =	swait.ge [sflag:s11], $0x200  }
0x35: {  	[sflag:s11] =	ssyncset.done $0x0  }
0x36: {  	s26 =	rddreg [dreg:$0x6];
	[sflag:s11] =	ssyncadd.s32 $0xFFFFFE00  }
0x37: {  	[tilespmem:s8], [sflag:$0x3] =	stream.linear.gather [hbm4b:s26+s2], $0x2800, $0x38;
	[tilespmem:$0x1B600] =	vst v63  }
0x38: {  	_ =	swait.ge [sflag:s11], $0x2800  }
0x39: {  	[sflag:s11] =	ssyncset.done $0x0  }
0x3a: {  	s6 =	simm.s32 $0x40;
	s5 =	simm.s32 $0x0;
	[sflag:s11] =	ssyncadd.s32 $0xFFFFD800  }
.LBB2_2:
0x3b: {  	p0 =	sne.s32 s6, $0x7C0;
	v0 =	vld [tilespmem:s5+$0x0];
	_ =	sdelay $0x4  }
0x3c: {  	v1 =	vand.u32 $0x7FFF, v0  }
.Ltmp0:
0x3d: {  	v0 =	vand.u32 $0xFFFF8000, v0;
	v2 =	vshll.u32 v1, $0x1;
	(pc) =	sbr.rel @p0 .LBB2_2-.Ltmp0, $4  }
0x3e: {  	v0 =	vadd.s32 v0, v2  }
0x3f: {  	vm0 =	vgt.u32 v1, $0x3FFF;
	v1 =	vadd.s32 $0xFFFF8001, v0  }
0x40: {  	v0 =	vsel vm0, v1, v0  }
0x41: {  	[tilespmem:s5+$0x0] =	vst v0;
	s5 =	sshra.s32 s6, $0x2;
	s6 =	sadd.s32 $0x40, s6  }
0x42: {  	v0 =	vld [tilespmem:s5+$0x0];
	_ =	sdelay $0x4  }
0x43: {  	v1 =	vand.u32 $0x7FFF, v0  }
0x44: {  	v0 =	vand.u32 $0xFFFF8000, v0;
	v2 =	vshll.u32 v1, $0x1  }
0x45: {  	v0 =	vadd.s32 v0, v2  }
0x46: {  	vm0 =	vgt.u32 v1, $0x3FFF;
	v63 =	vadd.s32 $0xFFFF8001, v0  }
0x47: {  	v0 =	vsel vm0, v63, v0  }
0x48: {  	s6 =	simm.s32 $0x40;
	[tilespmem:s5+$0x0] =	vst v0;
	s5 =	simm.s32 $0x0  }
.LBB2_4:
0x49: {  	p0 =	sne.s32 s6, $0x7C0;
	v0 =	vld [tilespmem:s5+$0x200];
	_ =	sdelay $0x4  }
0x4a: {  	v1 =	vand.u32 $0x7FFF, v0  }
.Ltmp1:
0x4b: {  	v0 =	vand.u32 $0xFFFF8000, v0;
	v2 =	vshll.u32 v1, $0x1;
	(pc) =	sbr.rel @p0 .LBB2_4-.Ltmp1, $4  }
0x4c: {  	v0 =	vadd.s32 v0, v2  }
0x4d: {  	vm0 =	vgt.u32 v1, $0x3FFF;
	v1 =	vadd.s32 $0xFFFF8001, v0  }
0x4e: {  	v0 =	vsel vm0, v1, v0  }
0x4f: {  	[tilespmem:s5+$0x200] =	vst v0;
	s5 =	sshra.s32 s6, $0x2;
	s6 =	sadd.s32 $0x40, s6  }
0x50: {  	v0 =	vld [tilespmem:s5+$0x200];
	_ =	sdelay $0x4  }
0x51: {  	v1 =	vand.u32 $0x7FFF, v0  }
0x52: {  	v0 =	vand.u32 $0xFFFF8000, v0;
	v2 =	vshll.u32 v1, $0x1  }
0x53: {  	v0 =	vadd.s32 v0, v2  }
0x54: {  	vm0 =	vgt.u32 v1, $0x3FFF;
	v63 =	vadd.s32 $0xFFFF8001, v0  }
0x55: {  	v0 =	vsel vm0, v63, v0  }
0x56: {  	s6 =	simm.s32 $0x40;
	[tilespmem:s5+$0x200] =	vst v0;
	s5 =	simm.s32 $0x0  }
.LBB2_6:
0x57: {  	p0 =	sne.s32 s6, $0x9FC0;
	v0 =	vld [tilespmem:s5+$0x400];
	_ =	sdelay $0x4  }
0x58: {  	v1 =	vand.u32 $0x7FFF, v0  }
.Ltmp2:
0x59: {  	v0 =	vand.u32 $0xFFFF8000, v0;
	v2 =	vshll.u32 v1, $0x1;
	(pc) =	sbr.rel @p0 .LBB2_6-.Ltmp2, $4  }
0x5a: {  	v0 =	vadd.s32 v0, v2  }
0x5b: {  	vm0 =	vgt.u32 v1, $0x3FFF;
	v1 =	vadd.s32 $0xFFFF8001, v0  }
0x5c: {  	v0 =	vsel vm0, v1, v0  }
0x5d: {  	[tilespmem:s5+$0x400] =	vst v0;
	s5 =	sshra.s32 s6, $0x2;
	s6 =	sadd.s32 $0x40, s6  }
0x5e: {  	v0 =	vld [tilespmem:s5+$0x400];
	_ =	sdelay $0x4  }
0x5f: {  	v1 =	vand.u32 $0x7FFF, v0  }
0x60: {  	v0 =	vand.u32 $0xFFFF8000, v0;
	v2 =	vshll.u32 v1, $0x1  }
0x61: {  	v0 =	vadd.s32 v0, v2  }
0x62: {  	vm0 =	vgt.u32 v1, $0x3FFF;
	v63 =	vadd.s32 $0xFFFF8001, v0  }
0x63: {  	v0 =	vsel vm0, v63, v0  }
0x64: {  	[tilespmem:s5+$0x400] =	vst v0  }
0x65: {  	[tilespmem:s15], [sflag:$0x1] =	stream.indirect.gather [hbm4b:s3+s14], $0x40, s25, s14, $0xb8;
	[tilespmem:$0x1B600] =	vst v63  }
0x66: {  	_ = 	snop  }
0x67: {  	[tilespmem:s16], [sflag:$0x1] =	stream.indirect.gather [hbm4b:s4+s14], $0x40, s7, s14, $0xb8;
	[tilespmem:$0x1B600] =	vst v63  }
0x68: {  	_ = 	snop  }
0x69: {  	[tilespmem:s18], [sflag:$0x1] =	stream.indirect.gather [hbm4b:s3+s17], $0x40, s8, s17, $0xb8;
	[tilespmem:$0x1B600] =	vst v63  }
0x6a: {  	s6 =	simm.s32 $0x5C00;
	s7 =	simm.s32 $0x480  }
0x6b: {  	[tilespmem:s6], [sflag:$0x1] =	stream.indirect.gather [hbm4b:s3+s17], $0x40, s7, s17, $0xb8;
	[tilespmem:$0x1B600] =	vst v63  }
0x6c: {  	s12 =	simm.s32 $0x7C00;
	s8 =	simm.s32 $0x500  }
0x6d: {  	[tilespmem:s12], [sflag:$0x1] =	stream.indirect.gather [hbm4b:s3+s17], $0x40, s8, s17, $0xb8;
	[tilespmem:$0x1B600] =	vst v63  }
0x6e: {  	s13 =	simm.s32 $0x580;
	s22 =	simm.s32 $0x9C00  }
0x6f: {  	[tilespmem:s22], [sflag:$0x1] =	stream.indirect.gather [hbm4b:s3+s17], $0x40, s13, s17, $0xb8;
	[tilespmem:$0x1B600] =	vst v63  }
0x70: {  	s23 =	simm.s32 $0x600;
	s26 =	simm.s32 $0xBC00  }
0x71: {  	[tilespmem:s26], [sflag:$0x1] =	stream.indirect.gather [hbm4b:s3+s17], $0x40, s23, s17, $0xb8;
	[tilespmem:$0x1B600] =	vst v63  }
0x72: {  	s26 =	simm.s32 $0x0  }
.LBB2_8:
0x73: {  	s5 =	sshllo.u32 s26, $0x1  }
0x74: {  	s23 =	sshll.u32 s5, $0x5  }
0x75: {  	[tilespmem:s28], [sflag:$0x2] =	stream.indirect.gather [hbm4b:s3+s14], $0x40, s23, s14, $0xb8;
	[tilespmem:$0x1B600] =	vst v63  }
0x76: {  	s22 =	smul.u32 $0x280, s5;
	s6 =	sadd.s32 $0x200, s23  }
0x77: {  	[tilespmem:s29], [sflag:$0x2] =	stream.indirect.gather [hbm4b:s4+s14], $0x40, s6, s14, $0xb8;
	[tilespmem:$0x1B600] =	vst v63  }
0x78: {  	s5 =	sadd.s32 $0x400, s22  }
0x79: {  	[tilespmem:s30], [sflag:$0x2] =	stream.indirect.gather [hbm4b:s3+s17], $0x40, s5, s17, $0xb8;
	[tilespmem:$0x1B600] =	vst v63  }
0x7a: {  	s6 =	sadd.s32 $0x480, s22  }
0x7b: {  	[tilespmem:s31], [sflag:$0x2] =	stream.indirect.gather [hbm4b:s3+s17], $0x40, s6, s17, $0xb8;
	[tilespmem:$0x1B600] =	vst v63  }
0x7c: {  	s7 =	sadd.s32 $0x500, s22  }
0x7d: {  	[tilespmem:s0], [sflag:$0x2] =	stream.indirect.gather [hbm4b:s3+s17], $0x40, s7, s17, $0xb8;
	[tilespmem:$0x1B600] =	vst v63  }
0x7e: {  	s8 =	sadd.s32 $0x580, s22  }
0x7f: {  	[tilespmem:s1], [sflag:$0x2] =	stream.indirect.gather [hbm4b:s3+s17], $0x40, s8, s17, $0xb8;
	[tilespmem:$0x1B600] =	vst v63  }
0x80: {  	s12 =	sadd.s32 $0x600, s22  }
0x81: {  	[tilespmem:s19], [sflag:$0x2] =	stream.indirect.gather [hbm4b:s3+s17], $0x40, s12, s17, $0xb8;
	[tilespmem:$0x1B600] =	vst v63  }
0x82: {  	_ =	swait.ge [sflag:s20], $0x800  }
0x83: {  	[sflag:s20] =	ssyncset.done $0x0  }
0x84: {  	[sflag:s20] =	ssyncadd.s32 $0xFFFFF800  }
0x85: {  	_ =	swait.ge [sflag:s20], $0x800  }
0x86: {  	[sflag:s20] =	ssyncset.done $0x0  }
0x87: {  	[sflag:s20] =	ssyncadd.s32 $0xFFFFF800  }
0x88: {  	_ =	swait.ge [sflag:s20], $0x2000  }
0x89: {  	[sflag:s20] =	ssyncset.done $0x0  }
0x8a: {  	[sflag:s20] =	ssyncadd.s32 $0xFFFFE000  }
0x8b: {  	_ =	swait.ge [sflag:s20], $0x2000  }
0x8c: {  	[sflag:s20] =	ssyncset.done $0x0  }
0x8d: {  	[sflag:s20] =	ssyncadd.s32 $0xFFFFE000  }
0x8e: {  	_ =	swait.ge [sflag:s20], $0x2000  }
0x8f: {  	[sflag:s20] =	ssyncset.done $0x0  }
0x90: {  	v0 =	vadd.s32 s25, v35;
	[sflag:s20] =	ssyncadd.s32 $0xFFFFE000  }
0x91: {  	v0 =	vand.u32 $0x3F, v0;
	_ =	swait.ge [sflag:s20], $0x2000  }
0x92: {  	v1 =	vor.u32 v22, v0;
	[sflag:s20] =	ssyncset.done $0x0  }
0x93: {  	v2 =	vor.u32 v42, v0;
	[sflag:s20] =	ssyncadd.s32 $0xFFFFE000  }
0x94: {  	_ =	swait.ge [sflag:s20], $0x2000  }
0x95: {  	v3 =	vor.u32 v21, v0;
	[sflag:s20] =	ssyncset.done $0x0  }
0x96: {  	v4 =	vor.u32 v23, v0;
	v38 =	vld [tilespmem:$0x1FD60];
	[sflag:s20] =	ssyncadd.s32 $0xFFFFE000  }
0x97: {  	v5 =	vor.u32 v24, v0;
	v51 =	vld.idx.msk [tilespmem:v1+s16+$0x0], $0xffff  }
0x98: {  	v6 =	vor.u32 v26, v0;
	v2 =	vld.idx.msk [tilespmem:v2+s18+$0x0], $0xffff  }
0x99: {  	v52 =	vimm.f32 $0.0e+00;
	v63 =	vimm.f32 $0.0e+00;
	v7 =	vor.u32 v25, v0;
	v8 =	vld.idx.msk [tilespmem:v1+s15+$0x0], $0xffff  }
0x9a: {  	v62 =	vimm.f32 $0.0e+00;
	v61 =	vimm.f32 $0.0e+00;
	v1 =	vor.u32 v27, v0;
	v9 =	vld.idx.msk [tilespmem:v3+s18+$0x0], $0xffff  }
0x9b: {  	v60 =	vimm.f32 $0.0e+00;
	v58 =	vimm.f32 $0.0e+00;
	v10 =	vor.u32 v28, v0;
	v11 =	vld.idx.msk [tilespmem:v4+s18+$0x0], $0xffff  }
0x9c: {  	v59 =	vimm.f32 $0.0e+00;
	v12 =	vor.u32 v30, v0;
	v13 =	vor.u32 v29, v0;
	v14 =	vld.idx.msk [tilespmem:v5+s18+$0x0], $0xffff  }
0x9d: {  	v44 =	vor.u32 v31, v0;
	v53 =	vor.u32 v32, v0;
	v56 =	vor.u32 v15, v0;
	v6 =	vld.idx.msk [tilespmem:v6+s18+$0x0], $0xffff  }
0x9e: {  	v54 =	vor.u32 v34, v0;
	v55 =	vor.u32 v33, v0;
	v5 =	vor.u32 v40, v0;
	v7 =	vld.idx.msk [tilespmem:v7+s18+$0x0], $0xffff  }
0x9f: {  	v4 =	vor.u32 v17, v0;
	v3 =	vor.u32 v16, v0;
	v43 =	vmul.f32 v2, v51;
	v46 =	vld.idx.msk [tilespmem:v1+s18+$0x0], $0xffff  }
0xa0: {  	v2 =	vor.u32 v38, v0;
	v1 =	vor.u32 v19, v0;
	v0 =	vmul.f32 v8, v51;
	v8 =	vld.idx.msk [tilespmem:v10+s18+$0x0], $0xffff  }
0xa1: {  	v57 =	vimm.f32 $0.0e+00;
	v9 =	vmul.f32 v9, v51;
	v10 =	vmul.f32 v11, v51;
	v11 =	vld.idx.msk [tilespmem:v12+s18+$0x0], $0xffff  }
0xa2: {  	v6 =	vmul.f32 v6, v51;
	v12 =	vld.idx.msk [tilespmem:v56+s18+$0x0], $0xffff;
	v56 =	vimm.f32 $0.0e+00;
	v43 =	vadd.f32 v43, v52  }
0xa3: {  	s13 =	simm.s32 $0x1;
	v50 =	vadd.f32 v0, v52;
	v0 =	vmul.f32 v14, v51;
	v49 =	vadd.f32 v9, v52  }
0xa4: {  	v9 =	vmul.f32 v7, v51;
	v45 =	vadd.f32 v6, v52;
	v7 =	vld.idx.msk [tilespmem:v13+s18+$0x0], $0xffff;
	v6 =	vadd.s32 s13, v35  }
0xa5: {  	v48 =	vadd.f32 v10, v52;
	v10 =	vld.idx.msk [tilespmem:v54+s18+$0x0], $0xffff;
	v54 =	vimm.f32 $0.0e+00;
	v6 =	vand.u32 $0x3F, v6  }
0xa6: {  	v47 =	vadd.f32 v0, v52;
	v0 =	vmul.f32 v46, v51;
	v14 =	vmul.f32 v8, v51;
	v8 =	vld.idx.msk [tilespmem:v44+s18+$0x0], $0xffff  }
0xa7: {  	v37 =	vmovc v17;
	s5 =	sshll.u32 s26, $0x1;
	v46 =	vadd.f32 v9, v52;
	v13 =	vmul.f32 v11, v51;
	v11 =	vld.idx.msk [tilespmem:v55+s18+$0x0], $0xffff;
	v55 =	vimm.f32 $0.0e+00  }
0xa8: {  	v39 =	vmovc v15;
	v41 =	vmovc v16;
	s6 =	simm.s32 $0x2;
	s12 =	sadd.s32 $0x100, s22;
	s13 =	sadd.s32 $0x80, s22;
	v9 =	vld.idx.msk [tilespmem:v53+s18+$0x0], $0xffff;
	v53 =	vimm.f32 $0.0e+00;
	v44 =	vadd.f32 v0, v52;
	v0 =	vimm.f32 $0.0e+00  }
.LBB2_9:
0xa9: {  	_ =	sdelay $0x1  }
0xaa: {  	v15 =	vor.u32 v22, v6;
	v17 =	vor.u32 v23, v6  }
0xab: {  	v18 =	vld.idx.msk [tilespmem:v5+s18+$0x0], $0xffff;
	v23 =	vor.u32 v25, v6;
	v25 =	vor.u32 v28, v6;
	v28 =	vor.u32 v29, v6  }
0xac: {  	v29 =	vor.u32 v31, v6;
	v31 =	vor.u32 v32, v6;
	v32 =	vor.u32 v34, v6;
	v34 =	vld.idx.msk [tilespmem:v1+s18+$0x0], $0xffff  }
0xad: {  	v16 =	vor.u32 v21, v6;
	v21 =	vor.u32 v42, v6;
	v1 =	vld [tilespmem:$0x1FF30]  }
0xae: {  	v22 =	vld.idx.msk [tilespmem:v4+s18+$0x0], $0xffff  }
0xaf: {  	v36 =	vor.u32 v39, v6;
	v20 =	vor.u32 v26, v6;
	v26 =	vld.idx.msk [tilespmem:v3+s18+$0x0], $0xffff  }
0xb0: {  	v19 =	vor.u32 v24, v6;
	v24 =	vor.u32 v27, v6;
	v27 =	vor.u32 v30, v6;
	v30 =	vld.idx.msk [tilespmem:v2+s18+$0x0], $0xffff  }
0xb1: {  	v5 =	vor.u32 v40, v6;
	v33 =	vor.u32 v33, v6;
	v4 =	vor.u32 v37, v6;
	v35 =	vld.idx.msk [tilespmem:v15+s16+$0x0], $0xffff  }
0xb2: {  	v3 =	vor.u32 v41, v6;
	v2 =	vor.u32 v38, v6;
	v1 =	vor.u32 v1, v6;
	v6 =	vld.idx.msk [tilespmem:v21+s18+$0x0], $0xffff  }
0xb3: {  	v15 =	vld.idx.msk [tilespmem:v15+s15+$0x0], $0xffff  }
0xb4: {  	v52 =	vadd.f32 v14, v52;
	v7 =	vmul.f32 v7, v51;
	v14 =	vld.idx.msk [tilespmem:v16+s18+$0x0], $0xffff  }
0xb5: {  	v0 =	vadd.f32 v13, v0;
	v13 =	vld.idx.msk [tilespmem:v17+s18+$0x0], $0xffff  }
0xb6: {  	v63 =	vadd.f32 v7, v63;
	v7 =	vmul.f32 v11, v51;
	v11 =	vmul.f32 v12, v51;
	v12 =	vld.idx.msk [tilespmem:v19+s18+$0x0], $0xffff  }
0xb7: {  	v9 =	vmul.f32 v9, v51;
	v21 =	vld [tilespmem:$0x1FE50]  }
0xb8: {  	v8 =	vmul.f32 v8, v51;
	v17 =	vld.idx.msk [tilespmem:v20+s18+$0x0], $0xffff  }
0xb9: {  	v61 =	vadd.f32 v9, v61;
	v9 =	vmul.f32 v26, v51;
	v26 =	vld [tilespmem:$0x1FE90]  }
0xba: {  	v62 =	vadd.f32 v8, v62;
	v8 =	vmul.f32 v18, v51;
	v18 =	vmul.f32 v30, v51;
	v30 =	vld [tilespmem:$0x1FEE0]  }
0xbb: {  	v10 =	vmul.f32 v10, v51;
	v19 =	vld.idx.msk [tilespmem:v23+s18+$0x0], $0xffff  }
0xbc: {  	v16 =	vmul.f32 v22, v51;
	v22 =	vld [tilespmem:$0x1FE60]  }
0xbd: {  	v60 =	vadd.f32 v10, v60;
	v10 =	vmul.f32 v34, v51;
	v34 =	vld [tilespmem:$0x1FF60]  }
0xbe: {  	v20 =	vld.idx.msk [tilespmem:v24+s18+$0x0], $0xffff  }
0xbf: {  	v23 =	vld [tilespmem:$0x1FE70]  }
0xc0: {  	v59 =	vadd.f32 v11, v59;
	v11 =	vld.idx.msk [tilespmem:v25+s18+$0x0], $0xffff  }
0xc1: {  	v24 =	vld [tilespmem:$0x1FE80]  }
0xc2: {  	v25 =	vld [tilespmem:$0x1FEA0]  }
0xc3: {  	v57 =	vadd.f32 v8, v57;
	v8 =	vld.idx.msk [tilespmem:v29+s18+$0x0], $0xffff  }
0xc4: {  	v29 =	vld [tilespmem:$0x1FF00]  }
0xc5: {  	v56 =	vadd.f32 v9, v56;
	v9 =	vld.idx.msk [tilespmem:v31+s18+$0x0], $0xffff  }
0xc6: {  	v53 =	vadd.f32 v10, v53;
	v10 =	vld.idx.msk [tilespmem:v32+s18+$0x0], $0xffff  }
0xc7: {  	v31 =	vld [tilespmem:$0x1FF20]  }
0xc8: {  	v58 =	vadd.f32 v7, v58;
	v32 =	vld [tilespmem:$0x1FF40];
	v6 =	vmul.f32 v6, v35;
	v7 =	vmul.f32 v14, v35;
	v51 =	vmovc v35  }
0xc9: {  	v55 =	vadd.f32 v16, v55;
	v12 =	vmul.f32 v12, v35;
	v14 =	vmul.f32 v11, v51;
	v11 =	vld.idx.msk [tilespmem:v33+s18+$0x0], $0xffff  }
0xca: {  	p0 =	sne.s32 s6, $0x3F;
	v54 =	vadd.f32 v18, v54;
	v43 =	vadd.f32 v6, v43;
	v6 =	vmul.f32 v13, v35;
	v13 =	vld.idx.msk [tilespmem:v27+s18+$0x0], $0xffff  }
.Ltmp3:
0xcb: {  	v15 =	vmul.f32 v15, v35;
	v33 =	vld [tilespmem:$0x1FFA0];
	v49 =	vadd.f32 v7, v49;
	v47 =	vadd.f32 v12, v47;
	(pc) =	sbr.rel @p0 .LBB2_9-.Ltmp3, $4  }
0xcc: {  	v7 =	vld.idx.msk [tilespmem:v28+s18+$0x0], $0xffff;
	v12 =	vmul.f32 v19, v35;
	v48 =	vadd.f32 v6, v48;
	v6 =	vmul.f32 v17, v35  }
0xcd: {  	v50 =	vadd.f32 v15, v50;
	v27 =	vld [tilespmem:$0x1FEB0];
	v15 =	vmul.f32 v20, v35;
	v35 =	vlaneseq.u32  }
0xce: {  	v28 =	vld [tilespmem:$0x1FEC0];
	v46 =	vadd.f32 v12, v46;
	v45 =	vadd.f32 v6, v45;
	v6 =	vadd.s32 s6, v35  }
0xcf: {  	v44 =	vadd.f32 v15, v44;
	v12 =	vld.idx.msk [tilespmem:v36+s18+$0x0], $0xffff;
	s6 =	sadd.s32 $0x1, s6;
	v6 =	vand.u32 $0x3F, v6;
	v13 =	vmul.f32 v13, v51  }
0xd0: {  	_ =	sdelay $0x3  }
0xd1: {  	v5 =	vld.idx.msk [tilespmem:v5+s18+$0x0], $0xffff  }
0xd2: {  	v15 =	vor.u32 v22, v6;
	v4 =	vld.idx.msk [tilespmem:v4+s18+$0x0], $0xffff  }
0xd3: {  	v16 =	vor.u32 v42, v6;
	v3 =	vld.idx.msk [tilespmem:v3+s18+$0x0], $0xffff  }
0xd4: {  	v2 =	vld.idx.msk [tilespmem:v2+s18+$0x0], $0xffff;
	v7 =	vmul.f32 v7, v51  }
0xd5: {  	v17 =	vor.u32 v21, v6;
	v19 =	vld.idx.msk [tilespmem:v1+s18+$0x0], $0xffff  }
0xd6: {  	v18 =	vor.u32 v23, v6;
	v7 =	vadd.f32 v7, v63;
	v63 =	vld [tilespmem:$0x1FF30]  }
0xd7: {  	v20 =	vor.u32 v24, v6;
	v1 =	vld.idx.msk [tilespmem:v15+s16+$0x0], $0xffff  }
0xd8: {  	v21 =	vor.u32 v26, v6;
	v16 =	vld.idx.msk [tilespmem:v16+s18+$0x0], $0xffff  }
0xd9: {  	v22 =	vor.u32 v25, v6;
	v15 =	vld.idx.msk [tilespmem:v15+s15+$0x0], $0xffff  }
0xda: {  	v25 =	vor.u32 v30, v6;
	v17 =	vld.idx.msk [tilespmem:v17+s18+$0x0], $0xffff  }
0xdb: {  	v26 =	vor.u32 v29, v6;
	v18 =	vld.idx.msk [tilespmem:v18+s18+$0x0], $0xffff  }
0xdc: {  	v36 =	vor.u32 v33, v6;
	v20 =	vld.idx.msk [tilespmem:v20+s18+$0x0], $0xffff  }
0xdd: {  	v14 =	vadd.f32 v14, v52;
	v8 =	vmul.f32 v8, v51;
	v52 =	vor.u32 v40, v6;
	v21 =	vld.idx.msk [tilespmem:v21+s18+$0x0], $0xffff  }
0xde: {  	v9 =	vmul.f32 v9, v51;
	v0 =	vadd.f32 v13, v0;
	v13 =	vor.u32 v34, v6;
	v22 =	vld.idx.msk [tilespmem:v22+s18+$0x0], $0xffff  }
0xdf: {  	v10 =	vmul.f32 v10, v51;
	v11 =	vmul.f32 v11, v51;
	v23 =	vor.u32 v27, v6;
	v25 =	vld.idx.msk [tilespmem:v25+s18+$0x0], $0xffff  }
0xe0: {  	v27 =	vor.u32 v31, v6;
	v8 =	vadd.f32 v8, v62;
	v9 =	vadd.f32 v9, v61;
	v26 =	vld.idx.msk [tilespmem:v26+s18+$0x0], $0xffff  }
0xe1: {  	v10 =	vadd.f32 v10, v60;
	v60 =	vor.u32 v37, v6;
	v42 =	vor.u32 v28, v6;
	v29 =	vld.idx.msk [tilespmem:v36+s18+$0x0], $0xffff  }
0xe2: {  	v11 =	vadd.f32 v11, v58;
	v61 =	vor.u32 v41, v6;
	v12 =	vmul.f32 v12, v51;
	v31 =	vld.idx.msk [tilespmem:v52+s18+$0x0], $0xffff  }
0xe3: {  	v62 =	vor.u32 v38, v6;
	v5 =	vmul.f32 v5, v51;
	v4 =	vmul.f32 v4, v51;
	v13 =	vld.idx.msk [tilespmem:v13+s18+$0x0], $0xffff  }
0xe4: {  	v28 =	vor.u32 v32, v6;
	v3 =	vmul.f32 v3, v51;
	v2 =	vmul.f32 v2, v51;
	v23 =	vld.idx.msk [tilespmem:v23+s18+$0x0], $0xffff  }
0xe5: {  	v19 =	vmul.f32 v19, v51;
	v12 =	vadd.f32 v12, v59;
	v27 =	vld.idx.msk [tilespmem:v27+s18+$0x0], $0xffff;
	v5 =	vadd.f32 v5, v57  }
0xe6: {  	v4 =	vadd.f32 v4, v55;
	v3 =	vadd.f32 v3, v56;
	v24 =	vld.idx.msk [tilespmem:v42+s18+$0x0], $0xffff;
	v42 =	vor.u32 v39, v6  }
0xe7: {  	v32 =	vld.idx.msk [tilespmem:v60+s18+$0x0], $0xffff;
	v2 =	vadd.f32 v2, v54;
	v6 =	vor.u32 v63, v6;
	v17 =	vmul.f32 v17, v1  }
0xe8: {  	v33 =	vld.idx.msk [tilespmem:v61+s18+$0x0], $0xffff;
	v19 =	vadd.f32 v19, v53;
	v15 =	vmul.f32 v15, v1;
	v18 =	vmul.f32 v18, v1  }
0xe9: {  	v34 =	vld.idx.msk [tilespmem:v62+s18+$0x0], $0xffff;
	v20 =	vmul.f32 v20, v1;
	v21 =	vmul.f32 v21, v1;
	v17 =	vadd.f32 v17, v49  }
0xea: {  	s6 =	sshll.u32 s26, $0x6;
	s8 =	smul.u32 $0x1400, s26;
	v28 =	vld.idx.msk [tilespmem:v28+s18+$0x0], $0xffff;
	v22 =	vmul.f32 v22, v1;
	v15 =	vadd.f32 v15, v50;
	v18 =	vadd.f32 v18, v48  }
0xeb: {  	s7 =	sand.u32 $0x3FFFFFC0, s6;
	v16 =	vmul.f32 v16, v1;
	v20 =	vadd.f32 v20, v47;
	v30 =	vld.idx.msk [tilespmem:v42+s18+$0x0], $0xffff;
	v17 =	vsub.f32 $0.0e+00, v17  }
0xec: {  	s6 =	sshra.s32 s8, $0x2;
	v21 =	vadd.f32 v21, v45;
	v6 =	vld.idx.msk [tilespmem:v6+s18+$0x0], $0xffff;
	[tilespmem:s7+$0x18C00] =	vst v15;
	v15 =	vmul.f32 v23, v1;
	v18 =	vsub.f32 $0.0e+00, v18  }
0xed: {  	v22 =	vadd.f32 v22, v46;
	v23 =	vmul.f32 v24, v1;
	v24 =	vsub.f32 $0.0e+00, v20;
	[tilespmem:s6+$0x18E00] =	vst v17  }
0xee: {  	v20 =	vmul.f32 v25, v1;
	v25 =	vsub.f32 $0.0e+00, v21;
	v15 =	vadd.f32 v15, v44;
	[tilespmem:s6+$0x18E10] =	vst v18  }
0xef: {  	v21 =	vmul.f32 v26, v1;
	v26 =	vsub.f32 $0.0e+00, v22;
	v14 =	vadd.f32 v23, v14;
	[tilespmem:s6+$0x18E20] =	vst v24  }
0xf0: {  	v22 =	vmul.f32 v27, v1;
	v0 =	vadd.f32 v20, v0;
	[tilespmem:s6+$0x18E30] =	vst v25;
	v15 =	vsub.f32 $0.0e+00, v15  }
0xf1: {  	v28 =	vmul.f32 v28, v1;
	v7 =	vadd.f32 v21, v7;
	[tilespmem:s6+$0x18E40] =	vst v26;
	v14 =	vsub.f32 $0.0e+00, v14  }
0xf2: {  	v13 =	vmul.f32 v13, v1;
	v8 =	vadd.f32 v22, v8;
	v0 =	vsub.f32 $0.0e+00, v0;
	[tilespmem:s6+$0x18E50] =	vst v15  }
0xf3: {  	v9 =	vadd.f32 v28, v9;
	v7 =	vsub.f32 $0.0e+00, v7;
	v15 =	vmul.f32 v29, v1;
	[tilespmem:s6+$0x18E60] =	vst v14  }
0xf4: {  	v10 =	vadd.f32 v13, v10;
	v14 =	vmul.f32 v30, v1;
	[tilespmem:s6+$0x18E70] =	vst v0;
	v0 =	vsub.f32 $0.0e+00, v8  }
0xf5: {  	v8 =	vmul.f32 v31, v1;
	[tilespmem:s6+$0x18E80] =	vst v7;
	v7 =	vsub.f32 $0.0e+00, v9;
	v11 =	vadd.f32 v15, v11  }
0xf6: {  	v9 =	vmul.f32 v32, v1;
	v12 =	vadd.f32 v14, v12;
	[tilespmem:s6+$0x18E90] =	vst v0;
	v0 =	vsub.f32 $0.0e+00, v10  }
0xf7: {  	v22 =	vld [tilespmem:$0x1FD70];
	v10 =	vmul.f32 v33, v1;
	v5 =	vadd.f32 v8, v5;
	[tilespmem:s6+$0x18EA0] =	vst v7;
	v7 =	vsub.f32 $0.0e+00, v11  }
0xf8: {  	v21 =	vld [tilespmem:$0x1FFE0];
	v8 =	vmul.f32 v34, v1;
	v4 =	vadd.f32 v9, v4;
	[tilespmem:s6+$0x18EB0] =	vst v0;
	v0 =	vsub.f32 $0.0e+00, v12  }
0xf9: {  	s8 =	simm.s32 $0x0;
	v41 =	vld [tilespmem:$0x1FD90];
	v1 =	vmul.f32 v6, v1;
	v3 =	vadd.f32 v10, v3;
	v5 =	vsub.f32 $0.0e+00, v5;
	[tilespmem:s6+$0x18EC0] =	vst v7  }
0xfa: {  	v40 =	vld [tilespmem:$0x1FD80];
	v2 =	vadd.f32 v8, v2;
	[tilespmem:s6+$0x18ED0] =	vst v0;
	v0 =	vsub.f32 $0.0e+00, v4;
	v4 =	vadd.s32 s8, v35  }
0xfb: {  	v37 =	vld [tilespmem:$0x1FF80];
	v1 =	vadd.f32 v1, v19;
	[tilespmem:s6+$0x18EE0] =	vst v5;
	v3 =	vsub.f32 $0.0e+00, v3;
	v6 =	vand.u32 $0x3F, v4  }
0xfc: {  	v38 =	vld [tilespmem:$0x1FF90];
	v4 =	vadd.f32 v16, v43;
	[tilespmem:s6+$0x18EF0] =	vst v0;
	v0 =	vsub.f32 $0.0e+00, v2;
	v2 =	vor.u32 v22, v6  }
0xfd: {  	v39 =	vld [tilespmem:$0x1FF70];
	v1 =	vsub.f32 $0.0e+00, v1;
	[tilespmem:s6+$0x18F00] =	vst v3;
	v3 =	vor.u32 v21, v6  }
0xfe: {  	v63 =	vld [tilespmem:$0x1FFD0];
	[tilespmem:s6+$0x18F10] =	vst v0;
	v0 =	vsub.f32 $0.0e+00, v4;
	v4 =	vor.u32 v41, v6  }
0xff: {  	v42 =	vld [tilespmem:$0x1FDA0];
	[tilespmem:s6+$0x18F20] =	vst v1  }
0x100: {  	v9 =	vld [tilespmem:$0x1FDD0];
	[tilespmem:s6+$0x18F30] =	vst v0  }
0x101: {  	v47 =	vld.idx.msk [tilespmem:v2+s16+$0x0], $0xffff  }
0x102: {  	v7 =	vld.idx.msk [tilespmem:v3+s18+$0x0], $0xffff  }
0x103: {  	v12 =	vld.idx.msk [tilespmem:v4+s18+$0x0], $0xffff  }
0x104: {  	v4 =	vld [tilespmem:$0x1FE00]  }
0x105: {  	v3 =	vld [tilespmem:$0x1FDB0]  }
0x106: {  	v8 =	vld.idx.msk [tilespmem:v2+s15+$0x0], $0xffff  }
0x107: {  	v1 =	vor.u32 v39, v6;
	v2 =	vld [tilespmem:$0x1FDC0]  }
0x108: {  	v34 =	vld [tilespmem:$0x1FE30];
	v5 =	vor.u32 v42, v6  }
0x109: {  	v14 =	vor.u32 v4, v6;
	v4 =	vld [tilespmem:$0x1FE10]  }
0x10a: {  	v10 =	vld [tilespmem:$0x1FDE0];
	v3 =	vor.u32 v3, v6  }
0x10b: {  	v11 =	vld [tilespmem:$0x1FDF0]  }
0x10c: {  	v1 =	vld.idx.msk [tilespmem:v1+s18+$0x0], $0xffff;
	v2 =	vor.u32 v2, v6  }
0x10d: {  	v13 =	vld.idx.msk [tilespmem:v5+s18+$0x0], $0xffff  }
0x10e: {  	v15 =	vor.u32 v4, v6;
	v4 =	vld [tilespmem:$0x1FE20]  }
0x10f: {  	v0 =	vor.u32 v40, v6;
	v59 =	vld.idx.msk [tilespmem:v3+s18+$0x0], $0xffff  }
0x110: {  	v3 =	vld [tilespmem:$0x1FFB0]  }
0x111: {  	v58 =	vimm.f32 $0.0e+00;
	v52 =	vimm.f32 $0.0e+00;
	v20 =	vld.idx.msk [tilespmem:v2+s18+$0x0], $0xffff  }
0x112: {  	v62 =	vimm.f32 $0.0e+00;
	v61 =	vimm.f32 $0.0e+00;
	v60 =	vimm.f32 $0.0e+00;
	v2 =	vld [tilespmem:$0x1FFC0]  }
0x113: {  	v57 =	vimm.f32 $0.0e+00;
	v9 =	vor.u32 v9, v6;
	v31 =	vor.u32 v4, v6;
	v4 =	vld [tilespmem:$0x1FE40]  }
0x114: {  	v56 =	vimm.f32 $0.0e+00;
	v10 =	vor.u32 v10, v6;
	v0 =	vld.idx.msk [tilespmem:v0+s18+$0x0], $0xffff;
	v7 =	vmul.f32 v7, v47  }
0x115: {  	v32 =	vor.u32 v34, v6;
	v63 =	vor.u32 v63, v6;
	v11 =	vor.u32 v11, v6  }
0x116: {  	v5 =	vor.u32 v37, v6;
	v1 =	vmul.f32 v1, v47;
	v43 =	vadd.f32 v7, v52  }
0x117: {  	v7 =	vmul.f32 v13, v47;
	v3 =	vor.u32 v3, v6;
	v2 =	vor.u32 v2, v6  }
0x118: {  	v33 =	vor.u32 v4, v6;
	v4 =	vor.u32 v38, v6;
	v6 =	vmul.f32 v8, v47;
	v8 =	vld.idx.msk [tilespmem:v9+s18+$0x0], $0xffff  }
0x119: {  	v55 =	vimm.f32 $0.0e+00;
	v54 =	vimm.f32 $0.0e+00;
	v0 =	vmul.f32 v0, v47;
	v9 =	vld.idx.msk [tilespmem:v10+s18+$0x0], $0xffff  }
0x11a: {  	v53 =	vimm.f32 $0.0e+00;
	v50 =	vadd.f32 v1, v52;
	v44 =	vadd.f32 v7, v52;
	v7 =	vld.idx.msk [tilespmem:v11+s18+$0x0], $0xffff  }
0x11b: {  	v11 =	vld.idx.msk [tilespmem:v32+s18+$0x0], $0xffff;
	v48 =	vadd.f32 v0, v52;
	v0 =	vmul.f32 v59, v47;
	v1 =	vmul.f32 v20, v47  }
0x11c: {  	v59 =	vimm.f32 $0.0e+00;
	v10 =	vld.idx.msk [tilespmem:v31+s18+$0x0], $0xffff;
	v51 =	vadd.f32 v6, v52;
	v6 =	vmul.f32 v12, v47  }
0x11d: {  	s8 =	simm.s32 $0x1;
	v45 =	vadd.f32 v0, v52;
	v46 =	vadd.f32 v1, v52;
	v13 =	vmul.f32 v8, v47;
	v8 =	vld.idx.msk [tilespmem:v14+s18+$0x0], $0xffff  }
0x11e: {  	v49 =	vadd.f32 v6, v52;
	v6 =	vadd.s32 s8, v35;
	v14 =	vmul.f32 v9, v47;
	v9 =	vld.idx.msk [tilespmem:v15+s18+$0x0], $0xffff  }
0x11f: {  	v1 =	vimm.f32 $0.0e+00;
	v0 =	vimm.f32 $0.0e+00;
	s8 =	simm.s32 $0x2;
	v6 =	vand.u32 $0x3F, v6;
	v12 =	vld.idx.msk [tilespmem:v33+s18+$0x0], $0xffff  }
.LBB2_11:
0x120: {  	v18 =	vld.idx.msk [tilespmem:v5+s18+$0x0], $0xffff  }
0x121: {  	v26 =	vld.idx.msk [tilespmem:v3+s18+$0x0], $0xffff  }
0x122: {  	v3 =	vld [tilespmem:$0x1FDE0]  }
0x123: {  	v30 =	vld.idx.msk [tilespmem:v2+s18+$0x0], $0xffff  }
0x124: {  	v2 =	vld [tilespmem:$0x1FE10]  }
0x125: {  	v15 =	vor.u32 v22, v6;
	v22 =	vld.idx.msk [tilespmem:v4+s18+$0x0], $0xffff  }
0x126: {  	v16 =	vor.u32 v39, v6;
	v4 =	vld [tilespmem:$0x1FDB0]  }
0x127: {  	v17 =	vor.u32 v40, v6;
	v33 =	vor.u32 v34, v6;
	v34 =	vld.idx.msk [tilespmem:v63+s18+$0x0], $0xffff  }
0x128: {  	v20 =	vor.u32 v42, v6;
	v63 =	vld [tilespmem:$0x1FFD0]  }
0x129: {  	v19 =	vor.u32 v41, v6;
	v27 =	vor.u32 v3, v6;
	v3 =	vld [tilespmem:$0x1FDF0]  }
0x12a: {  	v31 =	vor.u32 v2, v6;
	v2 =	vld [tilespmem:$0x1FE20]  }
0x12b: {  	v52 =	vadd.f32 v13, v52;
	v13 =	vld.idx.msk [tilespmem:v16+s18+$0x0], $0xffff  }
0x12c: {  	v1 =	vadd.f32 v14, v1;
	v7 =	vmul.f32 v7, v47;
	v14 =	vld.idx.msk [tilespmem:v17+s18+$0x0], $0xffff  }
0x12d: {  	v8 =	vmul.f32 v8, v47;
	v9 =	vmul.f32 v9, v47;
	v17 =	vld.idx.msk [tilespmem:v20+s18+$0x0], $0xffff  }
0x12e: {  	v0 =	vadd.f32 v7, v0;
	v7 =	vmul.f32 v11, v47;
	v11 =	vmul.f32 v12, v47;
	v12 =	vld.idx.msk [tilespmem:v19+s18+$0x0], $0xffff  }
0x12f: {  	v61 =	vadd.f32 v9, v61;
	v9 =	vmul.f32 v26, v47;
	v26 =	vld [tilespmem:$0x1FDE0]  }
0x130: {  	v62 =	vadd.f32 v8, v62;
	v8 =	vmul.f32 v18, v47;
	v18 =	vmul.f32 v30, v47;
	v30 =	vld [tilespmem:$0x1FE20]  }
0x131: {  	v23 =	vor.u32 v4, v6;
	v4 =	vld [tilespmem:$0x1FDC0]  }
0x132: {  	v32 =	vor.u32 v2, v6;
	v2 =	vld [tilespmem:$0x1FE40]  }
0x133: {  	v35 =	vld.idx.msk [tilespmem:v15+s16+$0x0], $0xffff  }
0x134: {  	v15 =	vld.idx.msk [tilespmem:v15+s15+$0x0], $0xffff  }
0x135: {  	v16 =	vmul.f32 v22, v47;
	v22 =	vld [tilespmem:$0x1FD70]  }
0x136: {  	v10 =	vmul.f32 v10, v47;
	v28 =	vor.u32 v3, v6;
	v3 =	vld [tilespmem:$0x1FE00]  }
0x137: {  	v36 =	vor.u32 v2, v6;
	v2 =	vld [tilespmem:$0x1FFB0]  }
0x138: {  	v60 =	vadd.f32 v10, v60;
	v10 =	vmul.f32 v34, v47;
	v34 =	vld [tilespmem:$0x1FE30]  }
0x139: {  	v55 =	vadd.f32 v9, v55;
	v9 =	vld.idx.msk [tilespmem:v31+s18+$0x0], $0xffff  }
0x13a: {  	v31 =	vld [tilespmem:$0x1FE40]  }
0x13b: {  	v24 =	vor.u32 v4, v6;
	v4 =	vld [tilespmem:$0x1FDD0]  }
0x13c: {  	v21 =	vor.u32 v21, v6;
	v29 =	vor.u32 v3, v6;
	v3 =	vor.u32 v2, v6;
	v2 =	vld [tilespmem:$0x1FFC0]  }
0x13d: {  	v19 =	vld.idx.msk [tilespmem:v23+s18+$0x0], $0xffff  }
0x13e: {  	v59 =	vadd.f32 v7, v59;
	v23 =	vld [tilespmem:$0x1FDB0];
	v7 =	vmul.f32 v13, v35  }
0x13f: {  	v53 =	vadd.f32 v10, v53;
	v10 =	vld.idx.msk [tilespmem:v32+s18+$0x0], $0xffff  }
0x140: {  	v5 =	vor.u32 v37, v6;
	v63 =	vor.u32 v63, v6;
	v50 =	vadd.f32 v7, v50;
	v7 =	vld.idx.msk [tilespmem:v28+s18+$0x0], $0xffff  }
0x141: {  	v25 =	vor.u32 v4, v6;
	v4 =	vor.u32 v38, v6;
	v2 =	vor.u32 v2, v6;
	v6 =	vld.idx.msk [tilespmem:v21+s18+$0x0], $0xffff  }
0x142: {  	v28 =	vld [tilespmem:$0x1FE00]  }
0x143: {  	v20 =	vld.idx.msk [tilespmem:v24+s18+$0x0], $0xffff  }
0x144: {  	v24 =	vld [tilespmem:$0x1FDC0]  }
0x145: {  	v57 =	vadd.f32 v8, v57;
	v12 =	vmul.f32 v12, v35;
	v8 =	vld.idx.msk [tilespmem:v29+s18+$0x0], $0xffff  }
0x146: {  	v29 =	vld [tilespmem:$0x1FE10];
	v6 =	vmul.f32 v6, v35  }
0x147: {  	v58 =	vadd.f32 v11, v58;
	v49 =	vadd.f32 v12, v49;
	v12 =	vmul.f32 v19, v35;
	v11 =	vld.idx.msk [tilespmem:v25+s18+$0x0], $0xffff  }
0x148: {  	p0 =	sne.s32 s8, $0x3F;
	v43 =	vadd.f32 v6, v43;
	v6 =	vmul.f32 v14, v35;
	v14 =	vld.idx.msk [tilespmem:v27+s18+$0x0], $0xffff  }
.Ltmp4:
0x149: {  	v54 =	vadd.f32 v18, v54;
	v15 =	vmul.f32 v15, v35;
	v45 =	vadd.f32 v12, v45;
	v12 =	vld.idx.msk [tilespmem:v36+s18+$0x0], $0xffff;
	(pc) =	sbr.rel @p0 .LBB2_11-.Ltmp4, $4  }
0x14a: {  	v56 =	vadd.f32 v16, v56;
	v25 =	vld [tilespmem:$0x1FDD0];
	v48 =	vadd.f32 v6, v48;
	v6 =	vmul.f32 v17, v35  }
0x14b: {  	v47 =	vmovc v35;
	v51 =	vadd.f32 v15, v51;
	v15 =	vmul.f32 v20, v35;
	v21 =	vld [tilespmem:$0x1FFE0];
	v35 =	vlaneseq.u32  }
0x14c: {  	v13 =	vmul.f32 v11, v47;
	v11 =	vld.idx.msk [tilespmem:v33+s18+$0x0], $0xffff;
	v44 =	vadd.f32 v6, v44;
	v6 =	vadd.s32 s8, v35  }
0x14d: {  	v46 =	vadd.f32 v15, v46;
	v27 =	vld [tilespmem:$0x1FDF0];
	s8 =	sadd.s32 $0x1, s8;
	v6 =	vand.u32 $0x3F, v6;
	v14 =	vmul.f32 v14, v47  }
0x14e: {  	_ =	sdelay $0x3  }
0x14f: {  	v5 =	vld.idx.msk [tilespmem:v5+s18+$0x0], $0xffff  }
0x150: {  	v4 =	vld.idx.msk [tilespmem:v4+s18+$0x0], $0xffff  }
0x151: {  	v15 =	vor.u32 v22, v6;
	v3 =	vld.idx.msk [tilespmem:v3+s18+$0x0], $0xffff  }
0x152: {  	v18 =	vld.idx.msk [tilespmem:v2+s18+$0x0], $0xffff  }
0x153: {  	v17 =	vor.u32 v39, v6;
	v20 =	vld.idx.msk [tilespmem:v63+s18+$0x0], $0xffff  }
0x154: {  	v19 =	vor.u32 v40, v6;
	v33 =	vld [tilespmem:$0x1FFB0]  }
0x155: {  	v22 =	vor.u32 v42, v6;
	v36 =	vld [tilespmem:$0x1FFD0]  }
0x156: {  	v23 =	vor.u32 v23, v6;
	v2 =	vld.idx.msk [tilespmem:v15+s16+$0x0], $0xffff  }
0x157: {  	v24 =	vor.u32 v24, v6;
	v15 =	vld.idx.msk [tilespmem:v15+s15+$0x0], $0xffff  }
0x158: {  	v26 =	vor.u32 v26, v6;
	v17 =	vld.idx.msk [tilespmem:v17+s18+$0x0], $0xffff  }
0x159: {  	v28 =	vor.u32 v28, v6;
	v19 =	vld.idx.msk [tilespmem:v19+s18+$0x0], $0xffff  }
0x15a: {  	v22 =	vld.idx.msk [tilespmem:v22+s18+$0x0], $0xffff  }
0x15b: {  	v32 =	vor.u32 v38, v6;
	v23 =	vld.idx.msk [tilespmem:v23+s18+$0x0], $0xffff  }
0x15c: {  	v13 =	vadd.f32 v13, v52;
	v25 =	vor.u32 v25, v6;
	v24 =	vld.idx.msk [tilespmem:v24+s18+$0x0], $0xffff  }
0x15d: {  	v1 =	vadd.f32 v14, v1;
	v14 =	vor.u32 v29, v6;
	v11 =	vmul.f32 v11, v47;
	v26 =	vld.idx.msk [tilespmem:v26+s18+$0x0], $0xffff  }
0x15e: {  	v7 =	vmul.f32 v7, v47;
	v8 =	vmul.f32 v8, v47;
	v29 =	vor.u32 v34, v6;
	v28 =	vld.idx.msk [tilespmem:v28+s18+$0x0], $0xffff  }
0x15f: {  	v9 =	vmul.f32 v9, v47;
	v16 =	vor.u32 v21, v6;
	v11 =	vadd.f32 v11, v59;
	v59 =	vld [tilespmem:$0x1FFC0]  }
0x160: {  	v10 =	vmul.f32 v10, v47;
	v12 =	vmul.f32 v12, v47;
	v21 =	vor.u32 v41, v6;
	v32 =	vld.idx.msk [tilespmem:v32+s18+$0x0], $0xffff  }
0x161: {  	v0 =	vadd.f32 v7, v0;
	v7 =	vor.u32 v30, v6;
	v8 =	vadd.f32 v8, v62;
	v25 =	vld.idx.msk [tilespmem:v25+s18+$0x0], $0xffff  }
0x162: {  	v9 =	vadd.f32 v9, v61;
	v30 =	vor.u32 v31, v6;
	v10 =	vadd.f32 v10, v60;
	v14 =	vld.idx.msk [tilespmem:v14+s18+$0x0], $0xffff  }
0x163: {  	v31 =	vor.u32 v37, v6;
	v12 =	vadd.f32 v12, v58;
	v5 =	vmul.f32 v5, v47;
	v29 =	vld.idx.msk [tilespmem:v29+s18+$0x0], $0xffff  }
0x164: {  	v27 =	vor.u32 v27, v6;
	v4 =	vmul.f32 v4, v47;
	v3 =	vmul.f32 v3, v47;
	v16 =	vld.idx.msk [tilespmem:v16+s18+$0x0], $0xffff  }
0x165: {  	v33 =	vor.u32 v33, v6;
	v18 =	vmul.f32 v18, v47;
	v21 =	vld.idx.msk [tilespmem:v21+s18+$0x0], $0xffff;
	v5 =	vadd.f32 v5, v57  }
0x166: {  	v7 =	vld.idx.msk [tilespmem:v7+s18+$0x0], $0xffff;
	v4 =	vadd.f32 v4, v56;
	v3 =	vadd.f32 v3, v55;
	v34 =	vor.u32 v59, v6  }
0x167: {  	v30 =	vld.idx.msk [tilespmem:v30+s18+$0x0], $0xffff;
	v15 =	vmul.f32 v15, v2;
	v6 =	vor.u32 v36, v6;
	v17 =	vmul.f32 v17, v2  }
0x168: {  	v31 =	vld.idx.msk [tilespmem:v31+s18+$0x0], $0xffff;
	v18 =	vadd.f32 v18, v54;
	v19 =	vmul.f32 v19, v2;
	v22 =	vmul.f32 v22, v2  }
0x169: {  	v27 =	vld.idx.msk [tilespmem:v27+s18+$0x0], $0xffff;
	v23 =	vmul.f32 v23, v2;
	v15 =	vadd.f32 v15, v51;
	v17 =	vadd.f32 v17, v50  }
0x16a: {  	v33 =	vld.idx.msk [tilespmem:v33+s18+$0x0], $0xffff;
	v21 =	vmul.f32 v21, v2;
	v19 =	vadd.f32 v19, v48;
	v22 =	vadd.f32 v22, v44  }
0x16b: {  	v20 =	vmul.f32 v20, v47;
	v23 =	vadd.f32 v23, v45;
	v17 =	vsub.f32 $0.0e+00, v17;
	v34 =	vld.idx.msk [tilespmem:v34+s18+$0x0], $0xffff  }
0x16c: {  	v21 =	vadd.f32 v21, v49;
	v19 =	vsub.f32 $0.0e+00, v19;
	v6 =	vld.idx.msk [tilespmem:v6+s18+$0x0], $0xffff;
	[tilespmem:s7+$0x18C10] =	vst v15;
	v15 =	vmul.f32 v24, v2  }
0x16d: {  	v61 =	vsub.f32 $0.0e+00, v22;
	v62 =	vsub.f32 $0.0e+00, v23;
	v24 =	vmul.f32 v25, v2;
	[tilespmem:s6+$0x18F40] =	vst v17  }
0x16e: {  	v60 =	vsub.f32 $0.0e+00, v21;
	v21 =	vmul.f32 v26, v2;
	[tilespmem:s6+$0x18F50] =	vst v19;
	v15 =	vadd.f32 v15, v46  }
0x16f: {  	v20 =	vadd.f32 v20, v53;
	v22 =	vmul.f32 v27, v2;
	[tilespmem:s6+$0x18F70] =	vst v61;
	v13 =	vadd.f32 v24, v13  }
0x170: {  	v23 =	vmul.f32 v28, v2;
	[tilespmem:s6+$0x18F80] =	vst v62;
	v1 =	vadd.f32 v21, v1;
	v15 =	vsub.f32 $0.0e+00, v15  }
0x171: {  	v14 =	vmul.f32 v14, v2;
	v0 =	vadd.f32 v22, v0;
	[tilespmem:s6+$0x18F60] =	vst v60;
	v13 =	vsub.f32 $0.0e+00, v13  }
0x172: {  	v7 =	vmul.f32 v7, v2;
	v8 =	vadd.f32 v23, v8;
	v1 =	vsub.f32 $0.0e+00, v1;
	[tilespmem:s6+$0x18F90] =	vst v15  }
0x173: {  	v9 =	vadd.f32 v14, v9;
	v0 =	vsub.f32 $0.0e+00, v0;
	v15 =	vmul.f32 v29, v2;
	[tilespmem:s6+$0x18FA0] =	vst v13  }
0x174: {  	v7 =	vadd.f32 v7, v10;
	v13 =	vmul.f32 v30, v2;
	[tilespmem:s6+$0x18FB0] =	vst v1;
	v1 =	vsub.f32 $0.0e+00, v8  }
0x175: {  	[tilespmem:s6+$0x18FC0] =	vst v0;
	v0 =	vsub.f32 $0.0e+00, v9;
	v8 =	vmul.f32 v31, v2;
	v10 =	vadd.f32 v15, v11  }
0x176: {  	v9 =	vmul.f32 v32, v2;
	v11 =	vadd.f32 v13, v12;
	[tilespmem:s6+$0x18FD0] =	vst v1;
	v1 =	vsub.f32 $0.0e+00, v7  }
0x177: {  	[tilespmem:s6+$0x18FE0] =	vst v0;
	v7 =	vmul.f32 v33, v2;
	v5 =	vadd.f32 v8, v5;
	v0 =	vsub.f32 $0.0e+00, v10  }
0x178: {  	v4 =	vadd.f32 v9, v4;
	v8 =	vmul.f32 v34, v2;
	[tilespmem:s6+$0x18FF0] =	vst v1;
	v1 =	vsub.f32 $0.0e+00, v11  }
0x179: {  	v6 =	vmul.f32 v6, v2;
	v3 =	vadd.f32 v7, v3;
	[tilespmem:s6+$0x19000] =	vst v0;
	v0 =	vsub.f32 $0.0e+00, v5  }
0x17a: {  	v2 =	vmul.f32 v16, v2;
	v5 =	vadd.f32 v8, v18;
	[tilespmem:s6+$0x19010] =	vst v1;
	v1 =	vsub.f32 $0.0e+00, v4  }
0x17b: {  	v4 =	vadd.f32 v6, v20;
	[tilespmem:s6+$0x19020] =	vst v0;
	v0 =	vsub.f32 $0.0e+00, v3  }
0x17c: {  	v2 =	vadd.f32 v2, v43;
	[tilespmem:s6+$0x19030] =	vst v1;
	v1 =	vsub.f32 $0.0e+00, v5  }
0x17d: {  	[tilespmem:s6+$0x19040] =	vst v0;
	v0 =	vsub.f32 $0.0e+00, v4  }
0x17e: {  	p0 =	seq.s32 s26, $0x7;
	[tilespmem:s6+$0x19050] =	vst v1;
	v1 =	vsub.f32 $0.0e+00, v2  }
0x17f: {  	s5 =	sadd.s32 @!p0 $0x2, s5;
	s8 =	simm.s32 @!p0 $0x2C00;
	[tilespmem:s6+$0x19060] =	vst v0  }
0x180: {  	s7 =	simm.s32 @!p0 $0x20;
	[tilespmem:s6+$0x19070] =	vst v1;
	s6 =	sshll.u32 @!p0 s5, $0x5;
	s5 =	smul.u32 @!p0 $0xA00, s5  }
0x181: {  	[tilespmem:s8], [sflag:$0x1] =	stream.indirect.gather @!p0 [hbm4b:s3+s7], $0x40, s6, s7, $0xb8;
	[tilespmem:$0x1B600] =	vst v63  }
0x182: {  	s6 =	sadd.s32 @!p0 $0x200, s6;
	s8 =	simm.s32 @!p0 $0x3400;
	s5 =	sshra.s32 @!p0 s5, $0x2  }
0x183: {  	[tilespmem:s8], [sflag:$0x1] =	stream.indirect.gather @!p0 [hbm4b:s4+s7], $0x40, s6, s7, $0xb8;
	[tilespmem:$0x1B600] =	vst v63  }
0x184: {  	s6 =	sadd.s32 @!p0 $0x400, s5;
	s7 =	simm.s32 @!p0 $0x80;
	s8 =	simm.s32 @!p0 $0x3C00  }
0x185: {  	[tilespmem:s8], [sflag:$0x1] =	stream.indirect.gather @!p0 [hbm4b:s3+s7], $0x40, s6, s7, $0xb8;
	[tilespmem:$0x1B600] =	vst v63  }
0x186: {  	s6 =	sadd.s32 @!p0 $0x480, s5;
	s8 =	simm.s32 @!p0 $0x5C00  }
0x187: {  	[tilespmem:s8], [sflag:$0x1] =	stream.indirect.gather @!p0 [hbm4b:s3+s7], $0x40, s6, s7, $0xb8;
	[tilespmem:$0x1B600] =	vst v63  }
0x188: {  	s6 =	sadd.s32 @!p0 $0x500, s5;
	s8 =	simm.s32 @!p0 $0x7C00  }
0x189: {  	[tilespmem:s8], [sflag:$0x1] =	stream.indirect.gather @!p0 [hbm4b:s3+s7], $0x40, s6, s7, $0xb8;
	[tilespmem:$0x1B600] =	vst v63  }
0x18a: {  	s6 =	sadd.s32 @!p0 $0x580, s5;
	s8 =	simm.s32 @!p0 $0x9C00  }
0x18b: {  	[tilespmem:s8], [sflag:$0x1] =	stream.indirect.gather @!p0 [hbm4b:s3+s7], $0x40, s6, s7, $0xb8;
	[tilespmem:$0x1B600] =	vst v63  }
0x18c: {  	s5 =	sadd.s32 @!p0 $0x600, s5;
	s6 =	simm.s32 @!p0 $0xBC00  }
0x18d: {  	[tilespmem:s6], [sflag:$0x1] =	stream.indirect.gather @!p0 [hbm4b:s3+s7], $0x40, s5, s7, $0xb8;
	[tilespmem:$0x1B600] =	vst v63  }
0x18e: {  	_ =	swait.ge [sflag:s21], $0x800  }
0x18f: {  	[sflag:s21] =	ssyncset.done $0x0  }
0x190: {  	[sflag:s21] =	ssyncadd.s32 $0xFFFFF800  }
0x191: {  	_ =	swait.ge [sflag:s21], $0x800  }
0x192: {  	[sflag:s21] =	ssyncset.done $0x0  }
0x193: {  	[sflag:s21] =	ssyncadd.s32 $0xFFFFF800  }
0x194: {  	_ =	swait.ge [sflag:s21], $0x2000  }
0x195: {  	[sflag:s21] =	ssyncset.done $0x0  }
0x196: {  	[sflag:s21] =	ssyncadd.s32 $0xFFFFE000  }
0x197: {  	_ =	swait.ge [sflag:s21], $0x2000  }
0x198: {  	[sflag:s21] =	ssyncset.done $0x0  }
0x199: {  	[sflag:s21] =	ssyncadd.s32 $0xFFFFE000  }
0x19a: {  	_ =	swait.ge [sflag:s21], $0x2000  }
0x19b: {  	[sflag:s21] =	ssyncset.done $0x0  }
0x19c: {  	[sflag:s21] =	ssyncadd.s32 $0xFFFFE000  }
0x19d: {  	_ =	swait.ge [sflag:s21], $0x2000  }
0x19e: {  	[sflag:s21] =	ssyncset.done $0x0  }
0x19f: {  	v23 =	vld [tilespmem:$0x1FE60];
	[sflag:s21] =	ssyncadd.s32 $0xFFFFE000  }
0x1a0: {  	v42 =	vld [tilespmem:$0x1FF50];
	_ =	swait.ge [sflag:s21], $0x2000  }
0x1a1: {  	v22 =	vld [tilespmem:$0x1FE50]  }
0x1a2: {  	v24 =	vld [tilespmem:$0x1FE70]  }
0x1a3: {  	v25 =	vld [tilespmem:$0x1FE80]  }
0x1a4: {  	v26 =	vld [tilespmem:$0x1FE90]  }
0x1a5: {  	v27 =	vld [tilespmem:$0x1FEA0]  }
0x1a6: {  	v28 =	vld [tilespmem:$0x1FEB0]  }
0x1a7: {  	v29 =	vld [tilespmem:$0x1FEC0]  }
0x1a8: {  	v30 =	vld [tilespmem:$0x1FEE0]  }
0x1a9: {  	v31 =	vld [tilespmem:$0x1FF00]  }
0x1aa: {  	s7 =	simm.s32 $0x0;
	v32 =	vld [tilespmem:$0x1FF20]  }
0x1ab: {  	v0 =	vadd.s32 s7, v35;
	v33 =	vld [tilespmem:$0x1FF40]  }
0x1ac: {  	v0 =	vand.u32 $0x3F, v0;
	v34 =	vld [tilespmem:$0x1FF60]  }
0x1ad: {  	v36 =	vld [tilespmem:$0x1FFA0];
	v1 =	vor.u32 v23, v0  }
0x1ae: {  	v39 =	vld [tilespmem:$0x1FED0]  }
0x1af: {  	v41 =	vld [tilespmem:$0x1FEF0]  }
0x1b0: {  	[sflag:s21] =	ssyncset.done $0x0;
	v37 =	vld [tilespmem:$0x1FFF0];
	v2 =	vor.u32 v42, v0  }
0x1b1: {  	v40 =	vld [tilespmem:$0x1FF10];
	[sflag:s21] =	ssyncadd.s32 $0xFFFFE000;
	v3 =	vor.u32 v22, v0  }
0x1b2: {  	v6 =	vor.u32 v26, v0;
	v51 =	vld.idx.msk [tilespmem:v1+s29+$0x0], $0xffff  }
0x1b3: {  	v8 =	vld.idx.msk [tilespmem:v1+s28+$0x0], $0xffff;
	v1 =	vor.u32 v28, v0  }
0x1b4: {  	v38 =	vld [tilespmem:$0x1FD60]  }
0x1b5: {  	v4 =	vor.u32 v24, v0;
	v2 =	vld.idx.msk [tilespmem:v2+s30+$0x0], $0xffff  }
0x1b6: {  	v52 =	vimm.f32 $0.0e+00;
	v58 =	vimm.f32 $0.0e+00;
	v7 =	vor.u32 v27, v0;
	v9 =	vld.idx.msk [tilespmem:v3+s30+$0x0], $0xffff  }
0x1b7: {  	v57 =	vimm.f32 $0.0e+00;
	v56 =	vimm.f32 $0.0e+00;
	v5 =	vor.u32 v25, v0;
	v6 =	vld.idx.msk [tilespmem:v6+s30+$0x0], $0xffff  }
0x1b8: {  	v59 =	vimm.f32 $0.0e+00;
	v62 =	vimm.f32 $0.0e+00;
	v61 =	vimm.f32 $0.0e+00;
	v21 =	vld.idx.msk [tilespmem:v1+s30+$0x0], $0xffff  }
0x1b9: {  	v60 =	vimm.f32 $0.0e+00;
	v10 =	vor.u32 v29, v0;
	v12 =	vor.u32 v30, v0;
	v1 =	vld [tilespmem:$0x1FF30]  }
0x1ba: {  	v13 =	vor.u32 v31, v0;
	v15 =	vor.u32 v32, v0;
	v63 =	vor.u32 v33, v0;
	v11 =	vld.idx.msk [tilespmem:v4+s30+$0x0], $0xffff  }
0x1bb: {  	v54 =	vor.u32 v34, v0;
	v55 =	vor.u32 v36, v0;
	v53 =	vor.u32 v39, v0;
	v7 =	vld.idx.msk [tilespmem:v7+s30+$0x0], $0xffff  }
0x1bc: {  	v14 =	vld.idx.msk [tilespmem:v5+s30+$0x0], $0xffff;
	v5 =	vor.u32 v41, v0;
	v4 =	vor.u32 v37, v0;
	v3 =	vor.u32 v40, v0  }
0x1bd: {  	v20 =	vmul.f32 v2, v51;
	v2 =	vor.u32 v38, v0;
	v9 =	vmul.f32 v9, v51  }
0x1be: {  	v6 =	vmul.f32 v6, v51;
	v1 =	vor.u32 v1, v0;
	v0 =	vmul.f32 v8, v51;
	v8 =	vld.idx.msk [tilespmem:v10+s30+$0x0], $0xffff  }
0x1bf: {  	s8 =	simm.s32 $0x1;
	v43 =	vadd.f32 v20, v52;
	v10 =	vmul.f32 v11, v51;
	v11 =	vld.idx.msk [tilespmem:v12+s30+$0x0], $0xffff;
	v49 =	vadd.f32 v9, v52  }
0x1c0: {  	v9 =	vmul.f32 v7, v51;
	v45 =	vadd.f32 v6, v52;
	v7 =	vld.idx.msk [tilespmem:v13+s30+$0x0], $0xffff;
	v6 =	vadd.s32 s8, v35  }
0x1c1: {  	v12 =	vld.idx.msk [tilespmem:v53+s30+$0x0], $0xffff;
	v53 =	vimm.f32 $0.0e+00;
	v50 =	vadd.f32 v0, v52;
	v0 =	vmul.f32 v14, v51  }
0x1c2: {  	v6 =	vand.u32 $0x3F, v6;
	v48 =	vadd.f32 v10, v52;
	v46 =	vadd.f32 v9, v52;
	v9 =	vld.idx.msk [tilespmem:v63+s30+$0x0], $0xffff  }
0x1c3: {  	v63 =	vimm.f32 $0.0e+00;
	v10 =	vld.idx.msk [tilespmem:v54+s30+$0x0], $0xffff;
	v47 =	vadd.f32 v0, v52;
	v0 =	vmul.f32 v21, v51  }
0x1c4: {  	v54 =	vimm.f32 $0.0e+00;
	v14 =	vmul.f32 v8, v51;
	v8 =	vld.idx.msk [tilespmem:v15+s30+$0x0], $0xffff;
	v13 =	vmul.f32 v11, v51  }
0x1c5: {  	s5 =	simm.s32 $0x2;
	v11 =	vld.idx.msk [tilespmem:v55+s30+$0x0], $0xffff;
	v55 =	vimm.f32 $0.0e+00;
	v44 =	vadd.f32 v0, v52;
	v0 =	vimm.f32 $0.0e+00  }
.LBB2_13:
0x1c6: {  	v18 =	vld.idx.msk [tilespmem:v5+s30+$0x0], $0xffff;
	v15 =	vor.u32 v23, v6;
	v19 =	vor.u32 v25, v6  }
0x1c7: {  	v25 =	vor.u32 v29, v6;
	v29 =	vor.u32 v32, v6;
	v32 =	vor.u32 v34, v6;
	v34 =	vld.idx.msk [tilespmem:v1+s30+$0x0], $0xffff  }
0x1c8: {  	v21 =	vor.u32 v42, v6;
	v1 =	vld [tilespmem:$0x1FF30]  }
0x1c9: {  	v5 =	vor.u32 v41, v6;
	v16 =	vor.u32 v22, v6;
	v17 =	vor.u32 v24, v6;
	v22 =	vld.idx.msk [tilespmem:v4+s30+$0x0], $0xffff  }
0x1ca: {  	v20 =	vor.u32 v26, v6;
	v23 =	vor.u32 v27, v6;
	v24 =	vor.u32 v28, v6;
	v26 =	vld.idx.msk [tilespmem:v3+s30+$0x0], $0xffff  }
0x1cb: {  	v27 =	vor.u32 v30, v6;
	v28 =	vor.u32 v31, v6;
	v30 =	vld.idx.msk [tilespmem:v2+s30+$0x0], $0xffff;
	v31 =	vor.u32 v33, v6  }
0x1cc: {  	v33 =	vor.u32 v36, v6;
	v36 =	vor.u32 v39, v6;
	v4 =	vor.u32 v37, v6;
	v35 =	vld.idx.msk [tilespmem:v15+s29+$0x0], $0xffff  }
0x1cd: {  	v3 =	vor.u32 v40, v6;
	v2 =	vor.u32 v38, v6;
	v1 =	vor.u32 v1, v6;
	v6 =	vld.idx.msk [tilespmem:v21+s30+$0x0], $0xffff  }
0x1ce: {  	v15 =	vld.idx.msk [tilespmem:v15+s28+$0x0], $0xffff  }
0x1cf: {  	v52 =	vadd.f32 v14, v52;
	v7 =	vmul.f32 v7, v51;
	v14 =	vld.idx.msk [tilespmem:v16+s30+$0x0], $0xffff  }
0x1d0: {  	v63 =	vadd.f32 v13, v63;
	v13 =	vld.idx.msk [tilespmem:v17+s30+$0x0], $0xffff  }
0x1d1: {  	v0 =	vadd.f32 v7, v0;
	v7 =	vmul.f32 v11, v51;
	v11 =	vmul.f32 v12, v51;
	v12 =	vld.idx.msk [tilespmem:v19+s30+$0x0], $0xffff  }
0x1d2: {  	v9 =	vmul.f32 v9, v51;
	v16 =	vmul.f32 v22, v51;
	v22 =	vld [tilespmem:$0x1FE50]  }
0x1d3: {  	v8 =	vmul.f32 v8, v51;
	v17 =	vld.idx.msk [tilespmem:v20+s30+$0x0], $0xffff  }
0x1d4: {  	v61 =	vadd.f32 v9, v61;
	v9 =	vmul.f32 v26, v51;
	v26 =	vld [tilespmem:$0x1FE90]  }
0x1d5: {  	v62 =	vadd.f32 v8, v62;
	v8 =	vmul.f32 v18, v51;
	v18 =	vmul.f32 v30, v51;
	v30 =	vld [tilespmem:$0x1FEE0]  }
0x1d6: {  	v10 =	vmul.f32 v10, v51;
	v19 =	vld.idx.msk [tilespmem:v23+s30+$0x0], $0xffff  }
0x1d7: {  	v23 =	vld [tilespmem:$0x1FE60]  }
0x1d8: {  	v60 =	vadd.f32 v10, v60;
	v10 =	vmul.f32 v34, v51;
	v34 =	vld [tilespmem:$0x1FF60]  }
0x1d9: {  	v20 =	vld.idx.msk [tilespmem:v24+s30+$0x0], $0xffff  }
0x1da: {  	v24 =	vld [tilespmem:$0x1FE70]  }
0x1db: {  	v58 =	vadd.f32 v11, v58;
	v11 =	vld.idx.msk [tilespmem:v25+s30+$0x0], $0xffff  }
0x1dc: {  	v25 =	vld [tilespmem:$0x1FE80]  }
0x1dd: {  	v57 =	vadd.f32 v8, v57;
	v8 =	vld.idx.msk [tilespmem:v29+s30+$0x0], $0xffff  }
0x1de: {  	v29 =	vld [tilespmem:$0x1FEC0]  }
0x1df: {  	v55 =	vadd.f32 v9, v55;
	v9 =	vld.idx.msk [tilespmem:v31+s30+$0x0], $0xffff  }
0x1e0: {  	v31 =	vld [tilespmem:$0x1FF00]  }
0x1e1: {  	v53 =	vadd.f32 v10, v53;
	v10 =	vld.idx.msk [tilespmem:v32+s30+$0x0], $0xffff  }
0x1e2: {  	v32 =	vld [tilespmem:$0x1FF20];
	v6 =	vmul.f32 v6, v35;
	v51 =	vmov v35  }
0x1e3: {  	v59 =	vadd.f32 v7, v59;
	v7 =	vmul.f32 v14, v35;
	v14 =	vmul.f32 v11, v51;
	v11 =	vld.idx.msk [tilespmem:v33+s30+$0x0], $0xffff  }
0x1e4: {  	v56 =	vadd.f32 v16, v56;
	v12 =	vmul.f32 v12, v35;
	v33 =	vld [tilespmem:$0x1FF40]  }
0x1e5: {  	p0 =	sne.s32 s5, $0x3F;
	v54 =	vadd.f32 v18, v54;
	v43 =	vadd.f32 v6, v43;
	v6 =	vmul.f32 v13, v35;
	v13 =	vld.idx.msk [tilespmem:v27+s30+$0x0], $0xffff  }
.Ltmp5:
0x1e6: {  	v15 =	vmul.f32 v15, v35;
	v27 =	vld [tilespmem:$0x1FEA0];
	v49 =	vadd.f32 v7, v49;
	v47 =	vadd.f32 v12, v47;
	(pc) =	sbr.rel @p0 .LBB2_13-.Ltmp5, $4  }
0x1e7: {  	v7 =	vld.idx.msk [tilespmem:v28+s30+$0x0], $0xffff;
	v12 =	vmul.f32 v19, v35;
	v48 =	vadd.f32 v6, v48;
	v6 =	vmul.f32 v17, v35  }
0x1e8: {  	v50 =	vadd.f32 v15, v50;
	v28 =	vld [tilespmem:$0x1FEB0];
	v15 =	vmul.f32 v20, v35;
	v35 =	vlaneseq.u32  }
0x1e9: {  	v46 =	vadd.f32 v12, v46;
	v12 =	vld.idx.msk [tilespmem:v36+s30+$0x0], $0xffff;
	v45 =	vadd.f32 v6, v45;
	v6 =	vadd.s32 s5, v35  }
0x1ea: {  	v44 =	vadd.f32 v15, v44;
	v36 =	vld [tilespmem:$0x1FFA0];
	s5 =	sadd.s32 $0x1, s5;
	v6 =	vand.u32 $0x3F, v6;
	v13 =	vmul.f32 v13, v51  }
0x1eb: {  	_ =	sdelay $0x3  }
0x1ec: {  	v5 =	vld.idx.msk [tilespmem:v5+s30+$0x0], $0xffff  }
0x1ed: {  	v15 =	vor.u32 v23, v6;
	v4 =	vld.idx.msk [tilespmem:v4+s30+$0x0], $0xffff  }
0x1ee: {  	v16 =	vor.u32 v42, v6;
	v3 =	vld.idx.msk [tilespmem:v3+s30+$0x0], $0xffff  }
0x1ef: {  	v2 =	vld.idx.msk [tilespmem:v2+s30+$0x0], $0xffff;
	v8 =	vmul.f32 v8, v51  }
0x1f0: {  	v17 =	vor.u32 v22, v6;
	v1 =	vld.idx.msk [tilespmem:v1+s30+$0x0], $0xffff  }
0x1f1: {  	v18 =	vor.u32 v24, v6;
	v8 =	vadd.f32 v8, v62;
	v62 =	vld [tilespmem:$0x1FF30]  }
0x1f2: {  	v19 =	vor.u32 v25, v6;
	v20 =	vld.idx.msk [tilespmem:v15+s29+$0x0], $0xffff  }
0x1f3: {  	v21 =	vor.u32 v26, v6;
	v16 =	vld.idx.msk [tilespmem:v16+s30+$0x0], $0xffff  }
0x1f4: {  	v22 =	vor.u32 v27, v6;
	v15 =	vld.idx.msk [tilespmem:v15+s28+$0x0], $0xffff  }
0x1f5: {  	v24 =	vor.u32 v29, v6;
	v17 =	vld.idx.msk [tilespmem:v17+s30+$0x0], $0xffff  }
0x1f6: {  	v42 =	vor.u32 v30, v6;
	v18 =	vld.idx.msk [tilespmem:v18+s30+$0x0], $0xffff  }
0x1f7: {  	v26 =	vor.u32 v31, v6;
	v19 =	vld.idx.msk [tilespmem:v19+s30+$0x0], $0xffff  }
0x1f8: {  	v27 =	vor.u32 v32, v6;
	v21 =	vld.idx.msk [tilespmem:v21+s30+$0x0], $0xffff  }
0x1f9: {  	v29 =	vor.u32 v34, v6;
	v22 =	vld.idx.msk [tilespmem:v22+s30+$0x0], $0xffff  }
0x1fa: {  	v14 =	vadd.f32 v14, v52;
	v52 =	vor.u32 v37, v6;
	v24 =	vld.idx.msk [tilespmem:v24+s30+$0x0], $0xffff  }
0x1fb: {  	v13 =	vadd.f32 v13, v63;
	v63 =	vor.u32 v39, v6;
	v25 =	vld.idx.msk [tilespmem:v42+s30+$0x0], $0xffff  }
0x1fc: {  	v9 =	vmul.f32 v9, v51;
	v10 =	vmul.f32 v10, v51;
	v23 =	vor.u32 v28, v6;
	v26 =	vld.idx.msk [tilespmem:v26+s30+$0x0], $0xffff  }
0x1fd: {  	v11 =	vmul.f32 v11, v51;
	v7 =	vmul.f32 v7, v51;
	v28 =	vor.u32 v33, v6;
	v27 =	vld.idx.msk [tilespmem:v27+s30+$0x0], $0xffff  }
0x1fe: {  	v9 =	vadd.f32 v9, v61;
	v10 =	vadd.f32 v10, v60;
	v60 =	vor.u32 v40, v6;
	v29 =	vld.idx.msk [tilespmem:v29+s30+$0x0], $0xffff  }
0x1ff: {  	v11 =	vadd.f32 v11, v59;
	v61 =	vor.u32 v38, v6;
	v0 =	vadd.f32 v7, v0;
	v32 =	vld.idx.msk [tilespmem:v52+s30+$0x0], $0xffff  }
0x200: {  	v12 =	vmul.f32 v12, v51;
	v7 =	vor.u32 v36, v6;
	v5 =	vmul.f32 v5, v51;
	v30 =	vld.idx.msk [tilespmem:v63+s30+$0x0], $0xffff  }
0x201: {  	v42 =	vor.u32 v41, v6;
	v4 =	vmul.f32 v4, v51;
	v3 =	vmul.f32 v3, v51;
	v23 =	vld.idx.msk [tilespmem:v23+s30+$0x0], $0xffff  }
0x202: {  	v2 =	vmul.f32 v2, v51;
	v12 =	vadd.f32 v12, v58;
	v28 =	vld.idx.msk [tilespmem:v28+s30+$0x0], $0xffff;
	v6 =	vor.u32 v62, v6  }
0x203: {  	v5 =	vadd.f32 v5, v57;
	v33 =	vld.idx.msk [tilespmem:v60+s30+$0x0], $0xffff;
	v15 =	vmul.f32 v15, v20;
	v18 =	vmul.f32 v18, v20  }
0x204: {  	v4 =	vadd.f32 v4, v56;
	v3 =	vadd.f32 v3, v55;
	v34 =	vld.idx.msk [tilespmem:v61+s30+$0x0], $0xffff;
	v19 =	vmul.f32 v19, v20  }
0x205: {  	v7 =	vld.idx.msk [tilespmem:v7+s30+$0x0], $0xffff;
	v21 =	vmul.f32 v21, v20;
	v15 =	vadd.f32 v15, v50;
	v18 =	vadd.f32 v18, v48  }
0x206: {  	v2 =	vadd.f32 v2, v54;
	v31 =	vld.idx.msk [tilespmem:v42+s30+$0x0], $0xffff;
	v22 =	vmul.f32 v22, v20;
	v19 =	vadd.f32 v19, v47  }
0x207: {  	v21 =	vadd.f32 v21, v45;
	v6 =	vld.idx.msk [tilespmem:v6+s30+$0x0], $0xffff;
	[tilespmem:s23+$0x18C00] =	vst v15;
	v15 =	vmul.f32 v23, v20;
	v18 =	vsub.f32 $0.0e+00, v18  }
0x208: {  	v22 =	vadd.f32 v22, v46;
	v23 =	vmul.f32 v24, v20;
	v63 =	vsub.f32 $0.0e+00, v19  }
0x209: {  	v24 =	vmul.f32 v25, v20;
	v25 =	vsub.f32 $0.0e+00, v21;
	v15 =	vadd.f32 v15, v44;
	[tilespmem:s22+$0x18E10] =	vst v18  }
0x20a: {  	v21 =	vmul.f32 v26, v20;
	v26 =	vsub.f32 $0.0e+00, v22;
	v14 =	vadd.f32 v23, v14;
	[tilespmem:s22+$0x18E20] =	vst v63  }
0x20b: {  	v22 =	vmul.f32 v27, v20;
	v13 =	vadd.f32 v24, v13;
	[tilespmem:s22+$0x18E30] =	vst v25;
	v15 =	vsub.f32 $0.0e+00, v15  }
0x20c: {  	v28 =	vmul.f32 v28, v20;
	v0 =	vadd.f32 v21, v0;
	[tilespmem:s22+$0x18E40] =	vst v26;
	v14 =	vsub.f32 $0.0e+00, v14  }
0x20d: {  	v29 =	vmul.f32 v29, v20;
	v8 =	vadd.f32 v22, v8;
	v13 =	vsub.f32 $0.0e+00, v13;
	[tilespmem:s22+$0x18E50] =	vst v15  }
0x20e: {  	v7 =	vmul.f32 v7, v20;
	v9 =	vadd.f32 v28, v9;
	v0 =	vsub.f32 $0.0e+00, v0;
	[tilespmem:s22+$0x18E60] =	vst v14  }
0x20f: {  	v10 =	vadd.f32 v29, v10;
	v8 =	vsub.f32 $0.0e+00, v8;
	v14 =	vmul.f32 v30, v20;
	[tilespmem:s22+$0x18E70] =	vst v13  }
0x210: {  	v7 =	vadd.f32 v7, v11;
	v13 =	vmul.f32 v31, v20;
	[tilespmem:s13+$0x18E00] =	vst v0;
	v0 =	vsub.f32 $0.0e+00, v9  }
0x211: {  	v9 =	vmul.f32 v32, v20;
	v11 =	vadd.f32 v14, v12;
	[tilespmem:s22+$0x18E90] =	vst v8;
	v8 =	vsub.f32 $0.0e+00, v10  }
0x212: {  	v10 =	vmul.f32 v33, v20;
	v5 =	vadd.f32 v13, v5;
	[tilespmem:s22+$0x18EA0] =	vst v0;
	v0 =	vsub.f32 $0.0e+00, v7  }
0x213: {  	v7 =	vmul.f32 v34, v20;
	v4 =	vadd.f32 v9, v4;
	[tilespmem:s22+$0x18EB0] =	vst v8;
	v8 =	vsub.f32 $0.0e+00, v11  }
0x214: {  	v3 =	vadd.f32 v10, v3;
	[tilespmem:s22+$0x18EC0] =	vst v0;
	v0 =	vsub.f32 $0.0e+00, v5  }
0x215: {  	v16 =	vmul.f32 v16, v20;
	v2 =	vadd.f32 v7, v2;
	v4 =	vsub.f32 $0.0e+00, v4;
	[tilespmem:s22+$0x18ED0] =	vst v8  }
0x216: {  	v39 =	vld [tilespmem:$0x1FD80];
	v1 =	vmul.f32 v1, v51;
	[tilespmem:s22+$0x18EE0] =	vst v0;
	v0 =	vsub.f32 $0.0e+00, v3  }
0x217: {  	v3 =	vadd.f32 v16, v43;
	[tilespmem:s22+$0x18EF0] =	vst v4;
	v2 =	vsub.f32 $0.0e+00, v2  }
0x218: {  	s5 =	simm.s32 $0x0;
	v1 =	vadd.f32 v1, v53;
	v17 =	vmul.f32 v17, v20;
	v6 =	vmul.f32 v6, v20;
	[tilespmem:s12+$0x18E00] =	vst v0  }
0x219: {  	v5 =	vadd.s32 s5, v35;
	[tilespmem:s22+$0x18F10] =	vst v2;
	v2 =	vsub.f32 $0.0e+00, v3  }
0x21a: {  	v17 =	vadd.f32 v17, v49;
	v1 =	vadd.f32 v6, v1;
	v6 =	vand.u32 $0x3F, v5  }
0x21b: {  	[tilespmem:s22+$0x18F30] =	vst v2;
	v2 =	vor.u32 v39, v6  }
0x21c: {  	v17 =	vsub.f32 $0.0e+00, v17  }
0x21d: {  	v0 =	vsub.f32 $0.0e+00, v1  }
0x21e: {  	[tilespmem:s22+$0x18E00] =	vst v17  }
0x21f: {  	[tilespmem:s22+$0x18F20] =	vst v0  }
0x220: {  	v11 =	vld.idx.msk [tilespmem:v2+s30+$0x0], $0xffff  }
0x221: {  	v2 =	vld [tilespmem:$0x1FDE0];
	_ =	sdelay $0x4  }
0x222: {  	v12 =	vor.u32 v2, v6;
	v2 =	vld [tilespmem:$0x1FDF0];
	_ =	sdelay $0x4  }
0x223: {  	v13 =	vor.u32 v2, v6;
	v2 =	vld [tilespmem:$0x1FE00];
	_ =	sdelay $0x4  }
0x224: {  	v15 =	vor.u32 v2, v6;
	v2 =	vld [tilespmem:$0x1FE10];
	_ =	sdelay $0x1  }
0x225: {  	v22 =	vld [tilespmem:$0x1FD70];
	_ =	sdelay $0x2  }
0x226: {  	v30 =	vor.u32 v2, v6;
	v2 =	vld [tilespmem:$0x1FE20];
	_ =	sdelay $0x1  }
0x227: {  	v4 =	vor.u32 v22, v6  }
0x228: {  	v42 =	vld [tilespmem:$0x1FDA0];
	_ =	sdelay $0x1  }
0x229: {  	v31 =	vor.u32 v2, v6;
	v2 =	vld [tilespmem:$0x1FE40]  }
0x22a: {  	v36 =	vld [tilespmem:$0x1FFE0]  }
0x22b: {  	v47 =	vld.idx.msk [tilespmem:v4+s29+$0x0], $0xffff  }
0x22c: {  	v5 =	vor.u32 v42, v6;
	v8 =	vld.idx.msk [tilespmem:v4+s28+$0x0], $0xffff  }
0x22d: {  	v4 =	vld [tilespmem:$0x1FDC0]  }
0x22e: {  	v20 =	vor.u32 v2, v6;
	v2 =	vld [tilespmem:$0x1FF80]  }
0x22f: {  	v40 =	vld [tilespmem:$0x1FD90]  }
0x230: {  	v21 =	vld [tilespmem:$0x1FF70]  }
0x231: {  	v54 =	vld.idx.msk [tilespmem:v5+s30+$0x0], $0xffff  }
0x232: {  	v1 =	vor.u32 v36, v6;
	v9 =	vor.u32 v4, v6;
	v4 =	vld [tilespmem:$0x1FDD0]  }
0x233: {  	v38 =	vmov v2;
	v5 =	vor.u32 v2, v6;
	v2 =	vld [tilespmem:$0x1FF90]  }
0x234: {  	v7 =	vld [tilespmem:$0x1FDB0];
	_ =	sdelay $0x1  }
0x235: {  	v34 =	vld [tilespmem:$0x1FE30];
	v3 =	vor.u32 v40, v6  }
0x236: {  	v0 =	vor.u32 v21, v6;
	v1 =	vld.idx.msk [tilespmem:v1+s30+$0x0], $0xffff  }
0x237: {  	v10 =	vor.u32 v4, v6;
	v37 =	vmov v2;
	v4 =	vor.u32 v2, v6;
	v2 =	vld [tilespmem:$0x1FFB0]  }
0x238: {  	v7 =	vor.u32 v7, v6  }
0x239: {  	v63 =	vld [tilespmem:$0x1FFD0]  }
0x23a: {  	v14 =	vld.idx.msk [tilespmem:v3+s30+$0x0], $0xffff  }
0x23b: {  	v55 =	vor.u32 v34, v6;
	v0 =	vld.idx.msk [tilespmem:v0+s30+$0x0], $0xffff  }
0x23c: {  	v59 =	vimm.f32 $0.0e+00;
	v1 =	vmul.f32 v1, v47;
	v3 =	vor.u32 v2, v6;
	v2 =	vld [tilespmem:$0x1FFC0]  }
0x23d: {  	v52 =	vimm.f32 $0.0e+00;
	v58 =	vimm.f32 $0.0e+00;
	v62 =	vimm.f32 $0.0e+00;
	v7 =	vld.idx.msk [tilespmem:v7+s30+$0x0], $0xffff  }
0x23e: {  	v43 =	vadd.f32 v1, v52;
	v1 =	vmul.f32 v11, v47;
	v11 =	vmul.f32 v54, v47;
	v9 =	vld.idx.msk [tilespmem:v9+s30+$0x0], $0xffff  }
0x23f: {  	v61 =	vimm.f32 $0.0e+00;
	v60 =	vimm.f32 $0.0e+00;
	v57 =	vimm.f32 $0.0e+00  }
0x240: {  	v56 =	vimm.f32 $0.0e+00;
	v0 =	vmul.f32 v0, v47;
	v44 =	vadd.f32 v11, v52;
	v11 =	vld.idx.msk [tilespmem:v55+s30+$0x0], $0xffff  }
0x241: {  	v63 =	vor.u32 v63, v6;
	v2 =	vor.u32 v2, v6;
	v6 =	vmul.f32 v8, v47;
	v8 =	vld.idx.msk [tilespmem:v10+s30+$0x0], $0xffff  }
0x242: {  	v53 =	vimm.f32 $0.0e+00;
	v54 =	vimm.f32 $0.0e+00;
	v50 =	vadd.f32 v0, v52;
	v10 =	vld.idx.msk [tilespmem:v12+s30+$0x0], $0xffff  }
0x243: {  	v0 =	vmul.f32 v7, v47;
	v48 =	vadd.f32 v1, v52;
	v1 =	vmul.f32 v9, v47;
	v7 =	vld.idx.msk [tilespmem:v13+s30+$0x0], $0xffff  }
0x244: {  	v55 =	vimm.f32 $0.0e+00;
	v9 =	vld.idx.msk [tilespmem:v30+s30+$0x0], $0xffff;
	v51 =	vadd.f32 v6, v52;
	v6 =	vmul.f32 v14, v47  }
0x245: {  	s13 =	simm.s32 $0x1;
	v45 =	vadd.f32 v0, v52;
	v0 =	vimm.f32 $0.0e+00;
	v46 =	vadd.f32 v1, v52;
	v12 =	vld.idx.msk [tilespmem:v20+s30+$0x0], $0xffff  }
0x246: {  	v49 =	vadd.f32 v6, v52;
	v6 =	vadd.s32 s13, v35;
	v13 =	vmul.f32 v8, v47;
	v8 =	vld.idx.msk [tilespmem:v15+s30+$0x0], $0xffff  }
0x247: {  	s5 =	simm.s32 $0x2;
	v1 =	vimm.f32 $0.0e+00;
	v6 =	vand.u32 $0x3F, v6;
	v14 =	vmul.f32 v10, v47;
	v10 =	vld.idx.msk [tilespmem:v31+s30+$0x0], $0xffff  }
.LBB2_15:
0x248: {  	v18 =	vld.idx.msk [tilespmem:v5+s30+$0x0], $0xffff  }
0x249: {  	v26 =	vld.idx.msk [tilespmem:v3+s30+$0x0], $0xffff  }
0x24a: {  	v3 =	vld [tilespmem:$0x1FDE0]  }
0x24b: {  	v30 =	vld.idx.msk [tilespmem:v2+s30+$0x0], $0xffff  }
0x24c: {  	v2 =	vld [tilespmem:$0x1FE10]  }
0x24d: {  	v15 =	vor.u32 v22, v6;
	v22 =	vld.idx.msk [tilespmem:v4+s30+$0x0], $0xffff  }
0x24e: {  	v16 =	vor.u32 v21, v6;
	v4 =	vld [tilespmem:$0x1FDB0]  }
0x24f: {  	v17 =	vor.u32 v39, v6;
	v33 =	vor.u32 v34, v6;
	v34 =	vld.idx.msk [tilespmem:v63+s30+$0x0], $0xffff  }
0x250: {  	v20 =	vor.u32 v42, v6;
	v63 =	vld [tilespmem:$0x1FFD0]  }
0x251: {  	v19 =	vor.u32 v40, v6;
	v27 =	vor.u32 v3, v6;
	v3 =	vld [tilespmem:$0x1FDF0]  }
0x252: {  	v31 =	vor.u32 v2, v6;
	v2 =	vld [tilespmem:$0x1FE20]  }
0x253: {  	v52 =	vadd.f32 v13, v52;
	v13 =	vld.idx.msk [tilespmem:v16+s30+$0x0], $0xffff  }
0x254: {  	v1 =	vadd.f32 v14, v1;
	v7 =	vmul.f32 v7, v47;
	v14 =	vld.idx.msk [tilespmem:v17+s30+$0x0], $0xffff  }
0x255: {  	v8 =	vmul.f32 v8, v47;
	v9 =	vmul.f32 v9, v47;
	v17 =	vld.idx.msk [tilespmem:v20+s30+$0x0], $0xffff  }
0x256: {  	v0 =	vadd.f32 v7, v0;
	v7 =	vmul.f32 v11, v47;
	v11 =	vmul.f32 v12, v47;
	v12 =	vld.idx.msk [tilespmem:v19+s30+$0x0], $0xffff  }
0x257: {  	v61 =	vadd.f32 v9, v61;
	v9 =	vmul.f32 v26, v47;
	v26 =	vld [tilespmem:$0x1FDE0]  }
0x258: {  	v62 =	vadd.f32 v8, v62;
	v8 =	vmul.f32 v18, v47;
	v18 =	vmul.f32 v30, v47;
	v30 =	vld [tilespmem:$0x1FE20]  }
0x259: {  	v23 =	vor.u32 v4, v6;
	v4 =	vld [tilespmem:$0x1FDC0]  }
0x25a: {  	v32 =	vor.u32 v2, v6;
	v2 =	vld [tilespmem:$0x1FE40]  }
0x25b: {  	v35 =	vld.idx.msk [tilespmem:v15+s29+$0x0], $0xffff  }
0x25c: {  	v15 =	vld.idx.msk [tilespmem:v15+s28+$0x0], $0xffff  }
0x25d: {  	v16 =	vmul.f32 v22, v47;
	v22 =	vld [tilespmem:$0x1FD70]  }
0x25e: {  	v10 =	vmul.f32 v10, v47;
	v28 =	vor.u32 v3, v6;
	v3 =	vld [tilespmem:$0x1FE00]  }
0x25f: {  	v41 =	vmov v21;
	v21 =	vor.u32 v36, v6;
	v36 =	vor.u32 v2, v6;
	v2 =	vld [tilespmem:$0x1FFB0]  }
0x260: {  	v60 =	vadd.f32 v10, v60;
	v10 =	vmul.f32 v34, v47;
	v34 =	vld [tilespmem:$0x1FE30]  }
0x261: {  	v55 =	vadd.f32 v9, v55;
	v9 =	vld.idx.msk [tilespmem:v31+s30+$0x0], $0xffff  }
0x262: {  	v31 =	vld [tilespmem:$0x1FE40]  }
0x263: {  	v24 =	vor.u32 v4, v6;
	v4 =	vld [tilespmem:$0x1FDD0]  }
0x264: {  	v29 =	vor.u32 v3, v6;
	v3 =	vor.u32 v2, v6;
	v2 =	vld [tilespmem:$0x1FFC0]  }
0x265: {  	v19 =	vld.idx.msk [tilespmem:v23+s30+$0x0], $0xffff  }
0x266: {  	v59 =	vadd.f32 v7, v59;
	v23 =	vld [tilespmem:$0x1FDB0];
	v7 =	vmul.f32 v13, v35  }
0x267: {  	v53 =	vadd.f32 v10, v53;
	v10 =	vld.idx.msk [tilespmem:v32+s30+$0x0], $0xffff  }
0x268: {  	v5 =	vor.u32 v38, v6;
	v63 =	vor.u32 v63, v6;
	v50 =	vadd.f32 v7, v50;
	v7 =	vld.idx.msk [tilespmem:v28+s30+$0x0], $0xffff  }
0x269: {  	v25 =	vor.u32 v4, v6;
	v4 =	vor.u32 v37, v6;
	v2 =	vor.u32 v2, v6;
	v6 =	vld.idx.msk [tilespmem:v21+s30+$0x0], $0xffff  }
0x26a: {  	v28 =	vld [tilespmem:$0x1FE00]  }
0x26b: {  	v20 =	vld.idx.msk [tilespmem:v24+s30+$0x0], $0xffff  }
0x26c: {  	v24 =	vld [tilespmem:$0x1FDC0]  }
0x26d: {  	v57 =	vadd.f32 v8, v57;
	v12 =	vmul.f32 v12, v35;
	v8 =	vld.idx.msk [tilespmem:v29+s30+$0x0], $0xffff  }
0x26e: {  	v29 =	vld [tilespmem:$0x1FE10];
	v6 =	vmul.f32 v6, v35  }
0x26f: {  	v58 =	vadd.f32 v11, v58;
	v49 =	vadd.f32 v12, v49;
	v12 =	vmul.f32 v19, v35;
	v11 =	vld.idx.msk [tilespmem:v25+s30+$0x0], $0xffff  }
0x270: {  	p0 =	sne.s32 s5, $0x3F;
	v43 =	vadd.f32 v6, v43;
	v6 =	vmul.f32 v14, v35;
	v14 =	vld.idx.msk [tilespmem:v27+s30+$0x0], $0xffff  }
.Ltmp6:
0x271: {  	v54 =	vadd.f32 v18, v54;
	v15 =	vmul.f32 v15, v35;
	v45 =	vadd.f32 v12, v45;
	v12 =	vld.idx.msk [tilespmem:v36+s30+$0x0], $0xffff;
	(pc) =	sbr.rel @p0 .LBB2_15-.Ltmp6, $4  }
0x272: {  	v56 =	vadd.f32 v16, v56;
	v36 =	vld [tilespmem:$0x1FFE0];
	v48 =	vadd.f32 v6, v48;
	v6 =	vmul.f32 v17, v35  }
0x273: {  	v47 =	vmovc v35;
	v51 =	vadd.f32 v15, v51;
	v25 =	vld [tilespmem:$0x1FDD0];
	v15 =	vmul.f32 v20, v35;
	v35 =	vlaneseq.u32  }
0x274: {  	v13 =	vmul.f32 v11, v47;
	v11 =	vld.idx.msk [tilespmem:v33+s30+$0x0], $0xffff;
	v44 =	vadd.f32 v6, v44;
	v6 =	vadd.s32 s5, v35  }
0x275: {  	v21 =	vmovc v41;
	v46 =	vadd.f32 v15, v46;
	v27 =	vld [tilespmem:$0x1FDF0];
	s5 =	sadd.s32 $0x1, s5;
	v6 =	vand.u32 $0x3F, v6;
	v14 =	vmul.f32 v14, v47  }
0x276: {  	_ =	sdelay $0x3  }
0x277: {  	v5 =	vld.idx.msk [tilespmem:v5+s30+$0x0], $0xffff  }
0x278: {  	v4 =	vld.idx.msk [tilespmem:v4+s30+$0x0], $0xffff  }
0x279: {  	v3 =	vld.idx.msk [tilespmem:v3+s30+$0x0], $0xffff  }
0x27a: {  	v15 =	vor.u32 v22, v6;
	v18 =	vld.idx.msk [tilespmem:v2+s30+$0x0], $0xffff  }
0x27b: {  	v20 =	vld.idx.msk [tilespmem:v63+s30+$0x0], $0xffff  }
0x27c: {  	v17 =	vor.u32 v21, v6;
	v33 =	vld [tilespmem:$0x1FFB0]  }
0x27d: {  	v19 =	vor.u32 v39, v6;
	v21 =	vor.u32 v40, v6;
	v39 =	vld [tilespmem:$0x1FFD0]  }
0x27e: {  	v1 =	vadd.f32 v14, v1;
	v14 =	vor.u32 v29, v6;
	v29 =	vor.u32 v34, v6;
	v34 =	vld [tilespmem:$0x1FFC0]  }
0x27f: {  	v22 =	vor.u32 v42, v6;
	v2 =	vld.idx.msk [tilespmem:v15+s29+$0x0], $0xffff  }
0x280: {  	v23 =	vor.u32 v23, v6;
	v15 =	vld.idx.msk [tilespmem:v15+s28+$0x0], $0xffff  }
0x281: {  	v24 =	vor.u32 v24, v6;
	v17 =	vld.idx.msk [tilespmem:v17+s30+$0x0], $0xffff  }
0x282: {  	v26 =	vor.u32 v26, v6;
	v19 =	vld.idx.msk [tilespmem:v19+s30+$0x0], $0xffff  }
0x283: {  	v28 =	vor.u32 v28, v6;
	v21 =	vld.idx.msk [tilespmem:v21+s30+$0x0], $0xffff  }
0x284: {  	v63 =	vor.u32 v30, v6;
	v22 =	vld.idx.msk [tilespmem:v22+s30+$0x0], $0xffff  }
0x285: {  	v13 =	vadd.f32 v13, v52;
	v7 =	vmul.f32 v7, v47;
	v30 =	vor.u32 v31, v6;
	v23 =	vld.idx.msk [tilespmem:v23+s30+$0x0], $0xffff  }
0x286: {  	v8 =	vmul.f32 v8, v47;
	v9 =	vmul.f32 v9, v47;
	v31 =	vor.u32 v38, v6;
	v24 =	vld.idx.msk [tilespmem:v24+s30+$0x0], $0xffff  }
0x287: {  	v10 =	vmul.f32 v10, v47;
	v12 =	vmul.f32 v12, v47;
	v32 =	vor.u32 v37, v6;
	v26 =	vld.idx.msk [tilespmem:v26+s30+$0x0], $0xffff  }
0x288: {  	v16 =	vor.u32 v36, v6;
	v25 =	vor.u32 v25, v6;
	v0 =	vadd.f32 v7, v0;
	v28 =	vld.idx.msk [tilespmem:v28+s30+$0x0], $0xffff  }
0x289: {  	v8 =	vadd.f32 v8, v62;
	v9 =	vadd.f32 v9, v61;
	v11 =	vmul.f32 v11, v47;
	v7 =	vld.idx.msk [tilespmem:v63+s30+$0x0], $0xffff  }
0x28a: {  	v10 =	vadd.f32 v10, v60;
	v12 =	vadd.f32 v12, v58;
	v27 =	vor.u32 v27, v6;
	v30 =	vld.idx.msk [tilespmem:v30+s30+$0x0], $0xffff  }
0x28b: {  	v11 =	vadd.f32 v11, v59;
	v5 =	vmul.f32 v5, v47;
	v33 =	vor.u32 v33, v6;
	v31 =	vld.idx.msk [tilespmem:v31+s30+$0x0], $0xffff  }
0x28c: {  	v4 =	vmul.f32 v4, v47;
	v42 =	vor.u32 v39, v6;
	v3 =	vmul.f32 v3, v47;
	v32 =	vld.idx.msk [tilespmem:v32+s30+$0x0], $0xffff  }
0x28d: {  	v18 =	vmul.f32 v18, v47;
	v20 =	vmul.f32 v20, v47;
	v16 =	vld.idx.msk [tilespmem:v16+s30+$0x0], $0xffff;
	v5 =	vadd.f32 v5, v57  }
0x28e: {  	v14 =	vld.idx.msk [tilespmem:v14+s30+$0x0], $0xffff;
	v38 =	vor.u32 v34, v6;
	v4 =	vadd.f32 v4, v56;
	v3 =	vadd.f32 v3, v55  }
0x28f: {  	v29 =	vld.idx.msk [tilespmem:v29+s30+$0x0], $0xffff;
	v18 =	vadd.f32 v18, v54;
	v15 =	vmul.f32 v15, v2;
	v17 =	vmul.f32 v17, v2  }
0x290: {  	v25 =	vld.idx.msk [tilespmem:v25+s30+$0x0], $0xffff;
	v20 =	vadd.f32 v20, v53;
	v19 =	vmul.f32 v19, v2;
	v21 =	vmul.f32 v21, v2  }
0x291: {  	v27 =	vld.idx.msk [tilespmem:v27+s30+$0x0], $0xffff;
	v22 =	vmul.f32 v22, v2;
	v15 =	vadd.f32 v15, v51;
	v17 =	vadd.f32 v17, v50  }
0x292: {  	v33 =	vld.idx.msk [tilespmem:v33+s30+$0x0], $0xffff;
	v23 =	vmul.f32 v23, v2;
	v19 =	vadd.f32 v19, v48;
	v21 =	vadd.f32 v21, v49  }
0x293: {  	v6 =	vld.idx.msk [tilespmem:v42+s30+$0x0], $0xffff;
	v7 =	vmul.f32 v7, v2;
	v22 =	vadd.f32 v22, v44;
	v17 =	vsub.f32 $0.0e+00, v17  }
0x294: {  	v52 =	vmul.f32 v32, v2;
	v34 =	vld.idx.msk [tilespmem:v38+s30+$0x0], $0xffff;
	v23 =	vadd.f32 v23, v45;
	[tilespmem:s23+$0x18C10] =	vst v15;
	v19 =	vsub.f32 $0.0e+00, v19  }
0x295: {  	v40 =	vld [tilespmem:$0x1FEF0];
	v14 =	vmul.f32 v14, v2;
	v7 =	vadd.f32 v7, v10;
	v21 =	vsub.f32 $0.0e+00, v21;
	[tilespmem:s22+$0x18F40] =	vst v17  }
0x296: {  	v32 =	vld [tilespmem:$0x1FF40];
	v49 =	vmul.f32 v30, v2;
	v4 =	vadd.f32 v52, v4;
	v22 =	vsub.f32 $0.0e+00, v22;
	[tilespmem:s22+$0x18F50] =	vst v19  }
0x297: {  	v42 =	vld [tilespmem:$0x1FF50];
	v9 =	vadd.f32 v14, v9;
	v15 =	vmul.f32 v24, v2;
	v7 =	vsub.f32 $0.0e+00, v7;
	[tilespmem:s22+$0x18F60] =	vst v21  }
0x298: {  	v51 =	vmul.f32 v31, v2;
	v30 =	vld [tilespmem:$0x1FEE0];
	v58 =	vsub.f32 $0.0e+00, v4;
	v53 =	vmul.f32 v33, v2;
	[tilespmem:s22+$0x18F70] =	vst v22  }
0x299: {  	v31 =	vld [tilespmem:$0x1FF20];
	v9 =	vsub.f32 $0.0e+00, v9;
	v56 =	vmul.f32 v6, v2;
	v15 =	vadd.f32 v15, v46;
	[tilespmem:s22+$0x18FF0] =	vst v7  }
0x29a: {  	v24 =	vld [tilespmem:$0x1FE80];
	v17 =	vmul.f32 v25, v2;
	v21 =	vsub.f32 $0.0e+00, v23;
	[tilespmem:s22+$0x19030] =	vst v58;
	v3 =	vadd.f32 v53, v3  }
0x29b: {  	v33 =	vld [tilespmem:$0x1FFA0];
	v19 =	vmul.f32 v26, v2;
	[tilespmem:s22+$0x18FE0] =	vst v9;
	v59 =	vadd.f32 v56, v20;
	v15 =	vsub.f32 $0.0e+00, v15  }
0x29c: {  	v55 =	vmul.f32 v34, v2;
	v22 =	vld [tilespmem:$0x1FE60];
	v13 =	vadd.f32 v17, v13;
	[tilespmem:s22+$0x18F80] =	vst v21;
	v60 =	vsub.f32 $0.0e+00, v3  }
0x29d: {  	v23 =	vld [tilespmem:$0x1FE70];
	v17 =	vmul.f32 v27, v2;
	v1 =	vadd.f32 v19, v1;
	v62 =	vsub.f32 $0.0e+00, v59;
	[tilespmem:s22+$0x18F90] =	vst v15  }
0x29e: {  	v26 =	vld [tilespmem:$0x1FE90];
	v19 =	vmul.f32 v28, v2;
	v57 =	vadd.f32 v55, v18;
	v13 =	vsub.f32 $0.0e+00, v13;
	[tilespmem:s22+$0x19040] =	vst v60  }
0x29f: {  	v25 =	vld [tilespmem:$0x1FEA0];
	v0 =	vadd.f32 v17, v0;
	v1 =	vsub.f32 $0.0e+00, v1;
	[tilespmem:s22+$0x19060] =	vst v62  }
0x2a0: {  	v34 =	vld [tilespmem:$0x1FF60];
	v8 =	vadd.f32 v19, v8;
	v61 =	vsub.f32 $0.0e+00, v57;
	[tilespmem:s22+$0x18FA0] =	vst v13;
	v13 =	vmul.f32 v29, v2  }
0x2a1: {  	v21 =	vld [tilespmem:$0x1FE50];
	v0 =	vsub.f32 $0.0e+00, v0;
	[tilespmem:s22+$0x18FB0] =	vst v1;
	v1 =	vadd.f32 v49, v12  }
0x2a2: {  	s26 =	sadd.s32 $0x1, s26;
	v27 =	vld [tilespmem:$0x1FEB0];
	v8 =	vsub.f32 $0.0e+00, v8;
	v2 =	vmul.f32 v16, v2;
	[tilespmem:s22+$0x19050] =	vst v61;
	v50 =	vadd.f32 v13, v11  }
0x2a3: {  	p0 =	sne.s32 s26, $0x8;
	v28 =	vld [tilespmem:$0x1FEC0];
	[tilespmem:s22+$0x18FC0] =	vst v0;
	v0 =	vadd.f32 v51, v5;
	v1 =	vsub.f32 $0.0e+00, v1  }
.Ltmp7:
0x2a4: {  	v15 =	vld [tilespmem:$0x1FED0];
	[tilespmem:s22+$0x18FD0] =	vst v8;
	v2 =	vadd.f32 v2, v43;
	v54 =	vsub.f32 $0.0e+00, v50;
	(pc) =	sbr.rel @p0 .LBB2_8-.Ltmp7, $4  }
0x2a5: {  	v17 =	vld [tilespmem:$0x1FFF0];
	v0 =	vsub.f32 $0.0e+00, v0;
	[tilespmem:s22+$0x19010] =	vst v1  }
0x2a6: {  	v19 =	vld [tilespmem:$0x1FF30];
	v63 =	vsub.f32 $0.0e+00, v2;
	[tilespmem:s22+$0x19000] =	vst v54  }
0x2a7: {  	v29 =	vld [tilespmem:$0x1FF00];
	[tilespmem:s22+$0x19020] =	vst v0  }
0x2a8: {  	v16 =	vld [tilespmem:$0x1FF10];
	[tilespmem:s22+$0x19070] =	vst v63  }
0x2a9: {  	s5 =	rddreg [dreg:$0x7];
	s6 =	simm.s32 $0x18C00  }
0x2aa: {  	[hbm4b:s5+s2] =	stream.linear.scatter [tilespmem:s6], [sflag:$0x3], $0x200, $0x38;
	[tilespmem:$0x1B600] =	vst v63  }
0x2ab: {  	s24 =	sadd.s32 $0x1, s24;
	_ =	swait.ge [sflag:s11], $0x200  }
0x2ac: {  	p0 =	sne.s32 s24, s10;
	[sflag:s11] =	ssyncset.done $0x0  }
.Ltmp8:
0x2ad: {  	s26 =	simm.s32 $0x18E00;
	[sflag:s11] =	ssyncadd.s32 $0xFFFFFE00;
	(pc) =	sbr.rel @p0 .LBB2_1-.Ltmp8, $4  }
0x2ae: {  	[hbm4b:s9+s2] =	stream.linear.scatter [tilespmem:s26], [sflag:$0x3], $0x2800, $0x38;
	[tilespmem:$0x1B600] =	vst v63  }
0x2af: {  	_ =	swait.ge [sflag:s11], $0x2800  }
0x2b0: {  	[sflag:s11] =	ssyncset.done $0x0  }
0x2b1: {  	s7 =	simm.s32 $0x200;
	s8 =	simm.s32 $0x400;
	[sflag:s11] =	ssyncadd.s32 $0xFFFFD800  }
0x2b2: {  	_ =	sfence.sel $0x180000  }
0x2b3: {  	[bflag:$0x0] =	sbarrier.arrive $0xFFFF  }
0x2b4: {  	_ =	strace $0x90000047  }
0x2b5: {  	s0 =	stileid.u32;
	[bflag:$0x2] =	sbarrier.arrive $0xFFFF  }
0x2b6: {  	p0 =	sne.s32 s0, $0x0;
	s0 =	rddreg [dreg:$0x3]  }
0x2b7: {  	s0 =	sadd.s32 @!p0 $0x100000, s0  }
0x2b8: {  	[sflag:s0] =	ssyncadd.tile.s32 @!p0 $0x1;
	_ =	shalt  }
.Lfunc_end2:
_tile_overlayer_lowered:
.L_overlay_start_2:
0x2b9: {  	(tag) =	ssettag $0x2  }
0x2ba: {  	s0 =	rddreg [dreg:$0x0];
	s2 =	stileid.u32  }
0x2bb: {  	s1 =	rddreg [dreg:$0x1];
	p0 =	sne.s32 s2, $0x0  }
0x2bc: {  	s3 =	rddreg [dreg:$0x2];
	[bflag:$0x3] =	sbarrier.arrive $0xFFFF;
	s2 =	simm.s32 @!p0 $0x1C03  }
0x2bd: {  	[timem:s3], [sflag:s2] =	dma.local @!p0 [hbm:s0], s1  }
0x2be: {  	s0 =	simm.s32 @!p0 $0x3  }
0x2bf: {  	_ =	swait.ge @!p0 [sflag:s0], s1  }
0x2c0: {  	s1 =	ssub.s32 @!p0 $0x0, s1;
	[sflag:s0] =	ssyncset.done @!p0 $0x0  }
0x2c1: {  	[sflag:s0] =	ssyncadd.s32 @!p0 s1  }
0x2c2: {  	[bflag:$0x3] =	sbarrier.arrive $0xFFFF  }
0x2c3: {  	_ =	shalt  }

</sc_bundles>
